<compile_context>
chip_gen: v7x
topology: tpu7x:2x2x1
jax: 0.10.2.dev20260603
libtpu: 0.0.44.dev20260713+nightly
codegen_flags: <defaults>
</compile_context>

<pallas_src>
import jax
import jax.numpy as jnp
from jax import lax
from jax.experimental import pallas as pl
from jax.experimental.pallas import tpu as pltpu
from jax.experimental.pallas import tpu_sc as plsc

N = 10000
E = 320000
H = 128

NC = 2
NS = 16
NW = NC * NS
EW = E // NW
EW2 = 10240
E2 = EW2 * NW
C = 64
CG = 80
KG = EW2 // CG
K2 = EW2 // C
G2 = EW2 // 16
CS = 128
KS = EW2 // CS
DB = 2560
NP2 = 10240
NSL = NP2 // NS

BE = 1280
GL = BE // 128
NB = E2 // BE


def _silu(x):
    return x / (1.0 + jnp.exp(-x))


def _precompute_body(h_ref, wa_ref, wb_ref, xa_ref, xb_ref):
    h = h_ref[...]
    xa_ref[...] = jnp.dot(h, wa_ref[...], preferred_element_type=jnp.float32)
    xb_ref[...] = jnp.dot(h, wb_ref[...], preferred_element_type=jnp.float32)


def _precompute(h, WaT, WbT):
    blk = 2000
    return pl.pallas_call(
        _precompute_body,
        grid=(N // blk,),
        in_specs=[
            pl.BlockSpec((blk, H), lambda i: (i, 0)),
            pl.BlockSpec((H, H), lambda i: (0, 0)),
            pl.BlockSpec((H, H), lambda i: (0, 0)),
        ],
        out_specs=[
            pl.BlockSpec((blk, H), lambda i: (i, 0)),
            pl.BlockSpec((blk, H), lambda i: (i, 0)),
        ],
        out_shape=[
            jax.ShapeDtypeStruct((N, H), jnp.float32),
            jax.ShapeDtypeStruct((N, H), jnp.float32),
        ],
    )(h, WaT, WbT)


def _gather_body(xa_hbm, xb_hbm, px_hbm, py_hbm, pz_hbm, rowg_hbm, colg_hbm,
                 u_hbm, dfx_hbm, dfy_hbm, dfz_hbm,
                 ridx, cidx, posx, posy, posz,
                 bufa0, bufb0, bufa1, bufb1, dbx0, dby0, dbz0,
                 gsem0, gsem1, wsem0, wsem1):
    wid = lax.axis_index("s") * NC + lax.axis_index("c")
    base = wid * EW2
    pltpu.sync_copy(rowg_hbm.at[pl.ds(base, EW2)], ridx)
    pltpu.sync_copy(colg_hbm.at[pl.ds(base, EW2)], cidx)
    pltpu.sync_copy(px_hbm, posx)
    pltpu.sync_copy(py_hbm, posy)
    pltpu.sync_copy(pz_hbm, posz)

    def diff_group(g, carry):
        o = g * 16
        ir = ridx[pl.ds(o, 16)]
        ic = cidx[pl.ds(o, 16)]
        dbx0[pl.ds(o, 16)] = (plsc.load_gather(posx, [ir])
                              - plsc.load_gather(posx, [ic]))
        dby0[pl.ds(o, 16)] = (plsc.load_gather(posy, [ir])
                              - plsc.load_gather(posy, [ic]))
        dbz0[pl.ds(o, 16)] = (plsc.load_gather(posz, [ir])
                              - plsc.load_gather(posz, [ic]))
        return carry

    lax.fori_loop(0, G2, diff_group, 0)
    pltpu.sync_copy(dbx0, dfx_hbm.at[pl.ds(base, EW2)])
    pltpu.sync_copy(dby0, dfy_hbm.at[pl.ds(base, EW2)])
    pltpu.sync_copy(dbz0, dfz_hbm.at[pl.ds(base, EW2)])

    bufs = ((bufa0, bufb0, gsem0, wsem0), (bufa1, bufb1, gsem1, wsem1))

    def fire_gather(k, ba, bb, gs):
        ko = k * CG
        pltpu.make_async_copy(xa_hbm.at[ridx.at[pl.ds(ko, CG)]], ba,
                              gs).start()
        pltpu.make_async_copy(xb_hbm.at[cidx.at[pl.ds(ko, CG)]], bb,
                              gs).start()

    def add_rows(ba, bb):
        def body(r, carry):
            for q in range(8):
                o = q * 16
                ba[r, pl.ds(o, 16)] = (ba[r, pl.ds(o, 16)]
                                       + bb[r, pl.ds(o, 16)])
            return carry
        lax.fori_loop(0, CG, body, 0)

    fire_gather(0, bufa0, bufb0, gsem0)

    def step(j, carry):
        for b in (0, 1):
            k = 2 * j + b
            ba, bb, gs, ws = bufs[b]
            nba, nbb, ngs, nws = bufs[1 - b]

            @pl.when(k >= 1)
            def _():
                pltpu.make_async_copy(
                    nba, u_hbm.at[pl.ds(base, CG)], nws).wait()

            @pl.when(k < KG - 1)
            def _():
                fire_gather(k + 1, nba, nbb, ngs)

            pltpu.make_async_copy(
                xa_hbm.at[ridx.at[pl.ds(k * CG, CG)]], ba, gs).wait()
            pltpu.make_async_copy(
                xb_hbm.at[cidx.at[pl.ds(k * CG, CG)]], bb, gs).wait()
            add_rows(ba, bb)
            pltpu.make_async_copy(
                ba, u_hbm.at[pl.ds(base + k * CG, CG)], ws).start()
        return carry

    lax.fori_loop(0, KG // 2, step, 0)
    pltpu.make_async_copy(bufa1, u_hbm.at[pl.ds(base, CG)], wsem1).wait()


def _gather(Xa, Xb, px, py, pz, rowg, colg):
    mesh = plsc.VectorSubcoreMesh(core_axis_name="c", subcore_axis_name="s")
    f = pl.kernel(
        _gather_body,
        mesh=mesh,
        out_type=[
            jax.ShapeDtypeStruct((E2, H), jnp.float32),
            jax.ShapeDtypeStruct((E2,), jnp.float32),
            jax.ShapeDtypeStruct((E2,), jnp.float32),
            jax.ShapeDtypeStruct((E2,), jnp.float32),
        ],
        scratch_types=[
            pltpu.VMEM((EW2,), jnp.int32),
            pltpu.VMEM((EW2,), jnp.int32),
            pltpu.VMEM((N,), jnp.float32),
            pltpu.VMEM((N,), jnp.float32),
            pltpu.VMEM((N,), jnp.float32),
            pltpu.VMEM((CG, H), jnp.float32),
            pltpu.VMEM((CG, H), jnp.float32),
            pltpu.VMEM((CG, H), jnp.float32),
            pltpu.VMEM((CG, H), jnp.float32),
            pltpu.VMEM((EW2,), jnp.float32),
            pltpu.VMEM((EW2,), jnp.float32),
            pltpu.VMEM((EW2,), jnp.float32),
            pltpu.SemaphoreType.DMA,
            pltpu.SemaphoreType.DMA,
            pltpu.SemaphoreType.DMA,
            pltpu.SemaphoreType.DMA,
        ],
        compiler_params=pltpu.CompilerParams(needs_layout_passes=False),
    )
    return f(Xa, Xb, px, py, pz, rowg, colg)


def _edge_body(u0_ref, dfx_ref, dfy_ref, dfz_ref,
               w1d_ref, be1_ref, w2t_ref, be2_ref,
               wc1t_ref, bc1_ref, wc2_ref,
               msg_ref, wod_ref):
    f32 = jnp.float32
    dx = dfx_ref[...].reshape(GL, 128)
    dy = dfy_ref[...].reshape(GL, 128)
    dz = dfz_ref[...].reshape(GL, 128)
    d2 = dx * dx + dy * dy + dz * dz
    dist_g = jnp.maximum(jnp.sqrt(d2), 1e-6)
    dn0 = (((0,), (0,)), ((), ()))
    dist_w1 = jnp.concatenate(
        [lax.dot_general(dist_g[r:r + 1, :], w1d_ref[...], dn0,
                         preferred_element_type=f32) for r in range(GL)],
        axis=0)
    u = u0_ref[...] + dist_w1 + be1_ref[...]
    e1 = _silu(u)
    msg = _silu(jnp.dot(e1, w2t_ref[...], preferred_element_type=jnp.float32)
                + be2_ref[...])
    msg_ref[...] = msg
    t = _silu(jnp.dot(msg, wc1t_ref[...], preferred_element_type=jnp.float32)
              + bc1_ref[...])
    dn1 = (((1,), (1,)), ((), ()))
    w_g = jnp.concatenate(
        [lax.dot_general(wc2_ref[...], t[r * 128:(r + 1) * 128, :], dn1,
                         preferred_element_type=f32) for r in range(GL)],
        axis=0)
    w_g = jnp.clip(w_g, -1.0, 1.0)
    wod_ref[...] = (w_g / dist_g).reshape(1, GL, 128)


def _edge_mlp(U0, dfx, dfy, dfz, w1d, be1, We2T, be2, Wc1T, bc1, Wc2):
    return pl.pallas_call(
        _edge_body,
        grid=(NB,),
        in_specs=[
            pl.BlockSpec((BE, H), lambda i: (i, 0)),
            pl.BlockSpec((1, GL, 128), lambda i: (i, 0, 0)),
            pl.BlockSpec((1, GL, 128), lambda i: (i, 0, 0)),
            pl.BlockSpec((1, GL, 128), lambda i: (i, 0, 0)),
            pl.BlockSpec((1, H), lambda i: (0, 0)),
            pl.BlockSpec((1, H), lambda i: (0, 0)),
            pl.BlockSpec((H, H), lambda i: (0, 0)),
            pl.BlockSpec((1, H), lambda i: (0, 0)),
            pl.BlockSpec((H, H), lambda i: (0, 0)),
            pl.BlockSpec((1, H), lambda i: (0, 0)),
            pl.BlockSpec((1, H), lambda i: (0, 0)),
        ],
        out_specs=[
            pl.BlockSpec((BE, H), lambda i: (i, 0)),
            pl.BlockSpec((1, GL, 128), lambda i: (i, 0, 0)),
        ],
        out_shape=[
            jax.ShapeDtypeStruct((E2, H), jnp.float32),
            jax.ShapeDtypeStruct((NB, GL, 128), jnp.float32),
        ],
    )(U0, dfx.reshape(NB, GL, 128), dfy.reshape(NB, GL, 128),
      dfz.reshape(NB, GL, 128), w1d, be1, We2T, be2, Wc1T, bc1, Wc2)


def _scatter_agg_body(msg_hbm, row3d_hbm, zh_hbm, agg_hbm,
                      ridx2, mbuf0, mbuf1, agg_sh, lsem0, lsem1):
    c = lax.axis_index("c")
    s = lax.axis_index("s")
    wid = s * NC + c
    base = wid * EW2
    pltpu.sync_copy(zh_hbm.at[pl.ds(s * NSL, NSL)],
                    agg_sh.at[pl.ds(s * NSL, NSL)])
    pltpu.sync_copy(row3d_hbm.at[wid], ridx2)
    plsc.subcore_barrier()

    bufs = ((mbuf0, lsem0), (mbuf1, lsem1))
    pltpu.make_async_copy(msg_hbm.at[pl.ds(base, CS)], mbuf0, lsem0).start()

    def step(j, carry):
        for b in (0, 1):
            k = 2 * j + b
            mb, ls = bufs[b]
            nmb, nls = bufs[1 - b]

            @pl.when(k < KS - 1)
            def _():
                off = base + (k + 1) * CS
                pltpu.make_async_copy(msg_hbm.at[pl.ds(off, CS)], nmb,
                                      nls).start()

            pltpu.make_async_copy(msg_hbm.at[pl.ds(base, CS)], mb, ls
                                  ).wait()
            pltpu.sync_copy(mb, agg_sh.at[ridx2.at[k]], add=True)
        return carry

    lax.fori_loop(0, KS // 2, step, 0)
    plsc.subcore_barrier()
    pltpu.sync_copy(agg_sh.at[pl.ds(s * NSL, NSL)],
                    agg_hbm.at[c, pl.ds(s * NSL, NSL)])


def _scatter_agg(msg, row3s, zero_h):
    mesh = plsc.VectorSubcoreMesh(core_axis_name="c", subcore_axis_name="s")
    f = pl.kernel(
        _scatter_agg_body,
        mesh=mesh,
        out_type=jax.ShapeDtypeStruct((NC, NP2, H), jnp.float32),
        scratch_types=[
            pltpu.VMEM((KS, CS), jnp.int32),
            pltpu.VMEM((CS, H), jnp.float32),
            pltpu.VMEM((CS, H), jnp.float32),
            pltpu.VMEM_SHARED((NP2, H), jnp.float32),
            pltpu.SemaphoreType.DMA,
            pltpu.SemaphoreType.DMA,
        ],
        compiler_params=pltpu.CompilerParams(needs_layout_passes=False),
    )
    return f(msg, row3s, zero_h)


def _scatter_pos_body(wod_hbm, dfx_hbm, dfy_hbm, dfz_hbm, rows_hbm, zp_hbm,
                      px_hbm, py_hbm, pz_hbm,
                      ridx, dbx, dby, dbz, wodb, paccx, paccy, paccz):
    c = lax.axis_index("c")
    s = lax.axis_index("s")
    wid = s * NC + c
    base = wid * EW2
    pltpu.sync_copy(zp_hbm, paccx)
    pltpu.sync_copy(zp_hbm, paccy)
    pltpu.sync_copy(zp_hbm, paccz)

    def superdelta(j, carry):
        off = base + j * DB
        pltpu.sync_copy(rows_hbm.at[pl.ds(off, DB)], ridx)
        pltpu.sync_copy(wod_hbm.at[pl.ds(off, DB)], wodb)
        pltpu.sync_copy(dfx_hbm.at[pl.ds(off, DB)], dbx)
        pltpu.sync_copy(dfy_hbm.at[pl.ds(off, DB)], dby)
        pltpu.sync_copy(dfz_hbm.at[pl.ds(off, DB)], dbz)

        def delta_group(g, carry2):
            o = g * 16
            ir = ridx[pl.ds(o, 16)]
            wod16 = wodb[pl.ds(o, 16)]
            plsc.addupdate_scatter(paccx, [ir], dbx[pl.ds(o, 16)] * wod16)
            plsc.addupdate_scatter(paccy, [ir], dby[pl.ds(o, 16)] * wod16)
            plsc.addupdate_scatter(paccz, [ir], dbz[pl.ds(o, 16)] * wod16)
            return carry2

        lax.fori_loop(0, DB // 16, delta_group, 0)
        return carry

    lax.fori_loop(0, EW2 // DB, superdelta, 0)
    pltpu.sync_copy(paccx, px_hbm.at[wid, 0])
    pltpu.sync_copy(paccy, py_hbm.at[wid, 0])
    pltpu.sync_copy(paccz, pz_hbm.at[wid, 0])


def _scatter_pos(wod, dfx, dfy, dfz, rows, zero_p):
    mesh = plsc.VectorSubcoreMesh(core_axis_name="c", subcore_axis_name="s")
    f = pl.kernel(
        _scatter_pos_body,
        mesh=mesh,
        out_type=[
            jax.ShapeDtypeStruct((NW, 1, NP2), jnp.float32),
            jax.ShapeDtypeStruct((NW, 1, NP2), jnp.float32),
            jax.ShapeDtypeStruct((NW, 1, NP2), jnp.float32),
        ],
        scratch_types=[
            pltpu.VMEM((DB,), jnp.int32),
            pltpu.VMEM((DB,), jnp.float32),
            pltpu.VMEM((DB,), jnp.float32),
            pltpu.VMEM((DB,), jnp.float32),
            pltpu.VMEM((DB,), jnp.float32),
            pltpu.VMEM((NP2,), jnp.float32),
            pltpu.VMEM((NP2,), jnp.float32),
            pltpu.VMEM((NP2,), jnp.float32),
        ],
        compiler_params=pltpu.CompilerParams(needs_layout_passes=False),
    )
    return f(wod, dfx, dfy, dfz, rows, zero_p)


def _node_body(h_ref, a0_ref, a1_ref, px_ref, py_ref, pz_ref,
               pix_ref, piy_ref, piz_ref,
               wn1at_ref, wn1bt_ref, bn1_ref, wn2t_ref, bn2_ref,
               hout_ref, sx_ref, sy_ref, sz_ref):
    h = h_ref[...]
    agg = a0_ref[...] + a1_ref[...]
    x1 = (jnp.dot(h, wn1at_ref[...], preferred_element_type=jnp.float32)
          + jnp.dot(agg, wn1bt_ref[...], preferred_element_type=jnp.float32)
          + bn1_ref[...])
    hout_ref[...] = h + (jnp.dot(_silu(x1), wn2t_ref[...],
                                 preferred_element_type=jnp.float32)
                         + bn2_ref[...])
    sx_ref[...] = pix_ref[...] + jnp.sum(px_ref[...].reshape(NW, NP2),
                                         axis=0, keepdims=True)
    sy_ref[...] = piy_ref[...] + jnp.sum(py_ref[...].reshape(NW, NP2),
                                         axis=0, keepdims=True)
    sz_ref[...] = piz_ref[...] + jnp.sum(pz_ref[...].reshape(NW, NP2),
                                         axis=0, keepdims=True)


def _node_mlp(h, a0, a1, pacx, pacy, pacz, pix, piy, piz,
              Wn1aT, Wn1bT, bn1, Wn2T, bn2):
    blk = 2000
    return pl.pallas_call(
        _node_body,
        grid=(N // blk,),
        in_specs=[
            pl.BlockSpec((blk, H), lambda i: (i, 0)),
            pl.BlockSpec((blk, H), lambda i: (i, 0)),
            pl.BlockSpec((blk, H), lambda i: (i, 0)),
            pl.BlockSpec((NW, 1, NP2), lambda i: (0, 0, 0)),
            pl.BlockSpec((NW, 1, NP2), lambda i: (0, 0, 0)),
            pl.BlockSpec((NW, 1, NP2), lambda i: (0, 0, 0)),
            pl.BlockSpec((1, NP2), lambda i: (0, 0)),
            pl.BlockSpec((1, NP2), lambda i: (0, 0)),
            pl.BlockSpec((1, NP2), lambda i: (0, 0)),
            pl.BlockSpec((H, H), lambda i: (0, 0)),
            pl.BlockSpec((H, H), lambda i: (0, 0)),
            pl.BlockSpec((1, H), lambda i: (0, 0)),
            pl.BlockSpec((H, H), lambda i: (0, 0)),
            pl.BlockSpec((1, H), lambda i: (0, 0)),
        ],
        out_specs=[
            pl.BlockSpec((blk, H), lambda i: (i, 0)),
            pl.BlockSpec((1, NP2), lambda i: (0, 0)),
            pl.BlockSpec((1, NP2), lambda i: (0, 0)),
            pl.BlockSpec((1, NP2), lambda i: (0, 0)),
        ],
        out_shape=[
            jax.ShapeDtypeStruct((N, H), jnp.float32),
            jax.ShapeDtypeStruct((1, NP2), jnp.float32),
            jax.ShapeDtypeStruct((1, NP2), jnp.float32),
            jax.ShapeDtypeStruct((1, NP2), jnp.float32),
        ],
    )(h, a0, a1, pacx, pacy, pacz, pix, piy, piz,
      Wn1aT, Wn1bT, bn1, Wn2T, bn2)


def kernel(h, pos, edge_index, We1, be1, We2, be2, Wn1, bn1, Wn2, bn2,
           Wc1, bc1, Wc2):
    f32 = jnp.float32
    i32 = jnp.int32
    WaT = We1[:, :H].T
    WbT = We1[:, H:2 * H].T
    w1d = We1[:, 2 * H].reshape(1, H)
    We2T = We2.T
    Wc1T = Wc1.T
    Wn1aT = Wn1[:, :H].T
    Wn1bT = Wn1[:, H:].T
    Wn2T = Wn2.T
    be1r = be1.reshape(1, H)
    be2r = be2.reshape(1, H)
    bc1r = bc1.reshape(1, H)
    bn1r = bn1.reshape(1, H)
    bn2r = bn2.reshape(1, H)
    Wc2r = Wc2.reshape(1, H)

    px = pos[:, 0]
    py = pos[:, 1]
    pz = pos[:, 2]
    pad = EW2 - EW
    rw = edge_index[0].reshape(NW, EW)
    cw = edge_index[1].reshape(NW, EW)
    zpad = jnp.zeros((NW, pad), dtype=i32)
    rowg = jnp.concatenate([rw, zpad], axis=1).reshape(E2)
    colg = jnp.concatenate([cw, zpad], axis=1).reshape(E2)
    rows = jnp.concatenate([rw, jnp.full((NW, pad), N, dtype=i32)],
                           axis=1).reshape(E2)
    row3s = rows.reshape(NW, KS, CS)
    zero_h = jnp.zeros((NP2, H), dtype=f32)
    zero_p = jnp.zeros((NP2,), dtype=f32)
    pixp = jnp.pad(px, (0, NP2 - N)).reshape(1, NP2)
    piyp = jnp.pad(py, (0, NP2 - N)).reshape(1, NP2)
    pizp = jnp.pad(pz, (0, NP2 - N)).reshape(1, NP2)

    Xa, Xb = _precompute(h, WaT, WbT)
    U0, dfx, dfy, dfz = _gather(Xa, Xb, px, py, pz, rowg, colg)
    msg, wod_g = _edge_mlp(U0, dfx, dfy, dfz, w1d, be1r, We2T, be2r,
                           Wc1T, bc1r, Wc2r)
    wod = wod_g.reshape(E2)
    agg2 = _scatter_agg(msg, row3s, zero_h)
    pacx, pacy, pacz = _scatter_pos(wod, dfx, dfy, dfz, rows, zero_p)
    h_out, sx, sy, sz = _node_mlp(h, agg2[0, :N], agg2[1, :N],
                                  pacx, pacy, pacz, pixp, piyp, pizp,
                                  Wn1aT, Wn1bT, bn1r, Wn2T, bn2r)
    pos_out = jnp.concatenate([sx[0, :N].reshape(N, 1),
                               sy[0, :N].reshape(N, 1),
                               sz[0, :N].reshape(N, 1)], axis=1)
    return (h_out, pos_out)

# --- scband reference (transcript-rebuilt; emitter-appended) ---
"""Pipeline reference for scband-egnnlayer-11261404250493 (READ-ONLY COPY).

The authoritative reference and input builder live on the scoring server;
editing this copy changes nothing except your own understanding.
"""

import jax, jax.numpy as jnp
import numpy as np

N = 10000
E = 320000
H = 128

def _lin(x, W, b=None):
    y = x @ W.T
    if b is not None:
        y = y + b
    return y

def setup_inputs(seed: int = 0) -> dict:
    key = jax.random.key(seed)
    ks = jax.random.split(key, 16)
    s = 0.05
    inp = {
        "h": jax.random.normal(ks[0], (N, H), dtype=jnp.float32),
        "pos": jax.random.normal(ks[1], (N, 3), dtype=jnp.float32),
        "edge_index": jax.random.randint(ks[2], (2, E), 0, N, dtype=jnp.int32),
        # edge_mlp: Linear(2H+1 -> H), SiLU, Linear(H -> H), SiLU
        "We1": jax.random.normal(ks[3], (H, 2 * H + 1), dtype=jnp.float32) * s,
        "be1": jnp.zeros((H,), dtype=jnp.float32),
        "We2": jax.random.normal(ks[4], (H, H), dtype=jnp.float32) * s,
        "be2": jnp.zeros((H,), dtype=jnp.float32),
        # node_mlp: Linear(2H -> H), SiLU, Linear(H -> H)
        "Wn1": jax.random.normal(ks[5], (H, 2 * H), dtype=jnp.float32) * s,
        "bn1": jnp.zeros((H,), dtype=jnp.float32),
        "Wn2": jax.random.normal(ks[6], (H, H), dtype=jnp.float32) * s,
        "bn2": jnp.zeros((H,), dtype=jnp.float32),
        # coord_mlp: Linear(H -> H), SiLU, Linear(H -> 1, no bias) (torch zero-inits Wc2; use small random for nontrivial signal)
        "Wc1": jax.random.normal(ks[7], (H, H), dtype=jnp.float32) * s,
        "bc1": jnp.zeros((H,), dtype=jnp.float32),
        "Wc2": jax.random.normal(ks[8], (1, H), dtype=jnp.float32) * s,
    }
    return inp

def reference(h, pos, edge_index, We1, be1, We2, be2, Wn1, bn1, Wn2, bn2, Wc1, bc1, Wc2):
    row = edge_index[0]
    col = edge_index[1]
    diff = pos[row] - pos[col]
    dist = jnp.clip(jnp.sqrt(jnp.sum(diff * diff, axis=-1, keepdims=True)), 1e-06, None)
    edge_input = jnp.concatenate([h[row], h[col], dist], axis=-1)
    msg = jax.nn.silu(_lin(jax.nn.silu(_lin(edge_input, We1, be1)), We2, be2))
    coord_weight = _lin(jax.nn.silu(_lin(msg, Wc1, bc1)), Wc2)
    coord_weight = jnp.clip(coord_weight, -1.0, 1.0)
    coord_delta = diff / dist * coord_weight
    pos_out = pos.at[row].add(coord_delta)
    agg = jnp.zeros_like(h).at[row].add(msg)
    h_out = h + _lin(jax.nn.silu(_lin(jnp.concatenate([h, agg], axis=-1), Wn1, bn1)), Wn2, bn2)
    return (h_out, pos_out)

if __name__ == "__main__":
    import jax
    _d = setup_inputs()
    print(jax.jit(kernel)(*tuple(_d.values())))

</pallas_src>

<mosaic_0001>
#map = affine_map<(d0, d1) -> (0)>
#map1 = affine_map<(d0, d1) -> (0, 0, 0)>
module attributes {stable_mosaic.version = 14 : i64} {
  func.func @_scatter_pos_body(%arg0: i32, %arg1: i32, %arg2: memref<327680xf32, #tpu.memory_space<hbm>>, %arg3: memref<327680xf32, #tpu.memory_space<hbm>>, %arg4: memref<327680xf32, #tpu.memory_space<hbm>>, %arg5: memref<327680xf32, #tpu.memory_space<hbm>>, %arg6: memref<327680xi32, #tpu.memory_space<hbm>>, %arg7: memref<10240xf32, #tpu.memory_space<hbm>>, %arg8: memref<32x1x10240xf32, #tpu.memory_space<hbm>>, %arg9: memref<32x1x10240xf32, #tpu.memory_space<hbm>>, %arg10: memref<32x1x10240xf32, #tpu.memory_space<hbm>>, %arg11: memref<2560xi32, #tpu.memory_space<vmem>>, %arg12: memref<2560xf32, #tpu.memory_space<vmem>>, %arg13: memref<2560xf32, #tpu.memory_space<vmem>>, %arg14: memref<2560xf32, #tpu.memory_space<vmem>>, %arg15: memref<2560xf32, #tpu.memory_space<vmem>>, %arg16: memref<10240xf32, #tpu.memory_space<vmem>>, %arg17: memref<10240xf32, #tpu.memory_space<vmem>>, %arg18: memref<10240xf32, #tpu.memory_space<vmem>>) attributes {dimension_semantics = [#tpu.dimension_semantics<core_parallel>, #tpu.dimension_semantics<subcore_parallel>], iteration_bounds = array<i64: 2, 16>, scalar_prefetch = 0 : i64, scratch_operands = 8 : i64, tpu.core_type = #tpu.core_type<sc_vector_subcore>, window_params = [{transform_indices = #map}, {transform_indices = #map}, {transform_indices = #map}, {transform_indices = #map}, {transform_indices = #map}, {transform_indices = #map}, {transform_indices = #map1}, {transform_indices = #map1}, {transform_indices = #map1}]} {
    %mul3A = arith.constant 2 : i32
    %mul3A_0 = arith.muli %arg1, %mul3A : i32
    %add3A = arith.addi %mul3A_0, %arg0 : i32
    %mul3A_1 = arith.constant 10240 : i32
    %mul3A_2 = arith.muli %add3A, %mul3A_1 : i32
    "tpu.region"() ({
      %run_scoped3A_10 = tpu.sem_alloc : memref<!tpu.dma_semaphore, #tpu.memory_space<semaphore_mem>>
      tpu.enqueue_dma source(%arg7 : memref<10240xf32, #tpu.memory_space<hbm>>) target(%arg16 : memref<10240xf32, #tpu.memory_space<vmem>>) target_semaphore(%run_scoped3A_10 : memref<!tpu.dma_semaphore, #tpu.memory_space<semaphore_mem>>)
      tpu.wait_dma2 semaphore(%run_scoped3A_10 : memref<!tpu.dma_semaphore, #tpu.memory_space<semaphore_mem>>) src(%arg7 : memref<10240xf32, #tpu.memory_space<hbm>>) dst(%arg16 : memref<10240xf32, #tpu.memory_space<vmem>>)
      tpu.yield
    }) : () -> ()
    "tpu.region"() ({
      %run_scoped3A_10 = tpu.sem_alloc : memref<!tpu.dma_semaphore, #tpu.memory_space<semaphore_mem>>
      tpu.enqueue_dma source(%arg7 : memref<10240xf32, #tpu.memory_space<hbm>>) target(%arg17 : memref<10240xf32, #tpu.memory_space<vmem>>) target_semaphore(%run_scoped3A_10 : memref<!tpu.dma_semaphore, #tpu.memory_space<semaphore_mem>>)
      tpu.wait_dma2 semaphore(%run_scoped3A_10 : memref<!tpu.dma_semaphore, #tpu.memory_space<semaphore_mem>>) src(%arg7 : memref<10240xf32, #tpu.memory_space<hbm>>) dst(%arg17 : memref<10240xf32, #tpu.memory_space<vmem>>)
      tpu.yield
    }) : () -> ()
    "tpu.region"() ({
      %run_scoped3A_10 = tpu.sem_alloc : memref<!tpu.dma_semaphore, #tpu.memory_space<semaphore_mem>>
      tpu.enqueue_dma source(%arg7 : memref<10240xf32, #tpu.memory_space<hbm>>) target(%arg18 : memref<10240xf32, #tpu.memory_space<vmem>>) target_semaphore(%run_scoped3A_10 : memref<!tpu.dma_semaphore, #tpu.memory_space<semaphore_mem>>)
      tpu.wait_dma2 semaphore(%run_scoped3A_10 : memref<!tpu.dma_semaphore, #tpu.memory_space<semaphore_mem>>) src(%arg7 : memref<10240xf32, #tpu.memory_space<hbm>>) dst(%arg18 : memref<10240xf32, #tpu.memory_space<vmem>>)
      tpu.yield
    }) : () -> ()
    %scan3A = arith.constant 0 : i32
    %scan3A_3 = arith.constant 0 : i32
    %scan3A_4 = arith.constant 4 : i32
    %scan3A_5 = arith.addi %scan3A_3, %scan3A_4 : i32
    %scan3A_6 = arith.constant 1 : i32
    scf.for %scan3A_10 = %scan3A_3 to %scan3A_5 step %scan3A_6  : i32 {
      %mul3A_11 = arith.constant 2560 : i32
      %mul3A_12 = arith.muli %scan3A_10, %mul3A_11 : i32
      %add3A_13 = arith.addi %mul3A_2, %mul3A_12 : i32
      "tpu.region"() ({
        %run_scoped3A_20 = tpu.sem_alloc : memref<!tpu.dma_semaphore, #tpu.memory_space<semaphore_mem>>
        %dma_start3A = tpu.memref_slice %arg6[%add3A_13] : memref<327680xi32, #tpu.memory_space<hbm>> -> memref<2560xi32, #tpu.memory_space<hbm>>
        %dma_start3A_21 = tpu.memref_slice %arg6[%add3A_13] : memref<327680xi32, #tpu.memory_space<hbm>> -> memref<2560xi32, #tpu.memory_space<hbm>>
        tpu.enqueue_dma source(%dma_start3A_21 : memref<2560xi32, #tpu.memory_space<hbm>>) target(%arg11 : memref<2560xi32, #tpu.memory_space<vmem>>) target_semaphore(%run_scoped3A_20 : memref<!tpu.dma_semaphore, #tpu.memory_space<semaphore_mem>>)
        %dma_wait3A = tpu.memref_slice %arg6[%add3A_13] : memref<327680xi32, #tpu.memory_space<hbm>> -> memref<2560xi32, #tpu.memory_space<hbm>>
        %dma_wait3A_22 = tpu.memref_slice %arg6[%add3A_13] : memref<327680xi32, #tpu.memory_space<hbm>> -> memref<2560xi32, #tpu.memory_space<hbm>>
        tpu.wait_dma2 semaphore(%run_scoped3A_20 : memref<!tpu.dma_semaphore, #tpu.memory_space<semaphore_mem>>) src(%dma_wait3A_22 : memref<2560xi32, #tpu.memory_space<hbm>>) dst(%arg11 : memref<2560xi32, #tpu.memory_space<vmem>>)
        tpu.yield
      }) : () -> ()
      "tpu.region"() ({
        %run_scoped3A_20 = tpu.sem_alloc : memref<!tpu.dma_semaphore, #tpu.memory_space<semaphore_mem>>
        %dma_start3A = tpu.memref_slice %arg2[%add3A_13] : memref<327680xf32, #tpu.memory_space<hbm>> -> memref<2560xf32, #tpu.memory_space<hbm>>
        %dma_start3A_21 = tpu.memref_slice %arg2[%add3A_13] : memref<327680xf32, #tpu.memory_space<hbm>> -> memref<2560xf32, #tpu.memory_space<hbm>>
        tpu.enqueue_dma source(%dma_start3A_21 : memref<2560xf32, #tpu.memory_space<hbm>>) target(%arg15 : memref<2560xf32, #tpu.memory_space<vmem>>) target_semaphore(%run_scoped3A_20 : memref<!tpu.dma_semaphore, #tpu.memory_space<semaphore_mem>>)
        %dma_wait3A = tpu.memref_slice %arg2[%add3A_13] : memref<327680xf32, #tpu.memory_space<hbm>> -> memref<2560xf32, #tpu.memory_space<hbm>>
        %dma_wait3A_22 = tpu.memref_slice %arg2[%add3A_13] : memref<327680xf32, #tpu.memory_space<hbm>> -> memref<2560xf32, #tpu.memory_space<hbm>>
        tpu.wait_dma2 semaphore(%run_scoped3A_20 : memref<!tpu.dma_semaphore, #tpu.memory_space<semaphore_mem>>) src(%dma_wait3A_22 : memref<2560xf32, #tpu.memory_space<hbm>>) dst(%arg15 : memref<2560xf32, #tpu.memory_space<vmem>>)
        tpu.yield
      }) : () -> ()
      "tpu.region"() ({
        %run_scoped3A_20 = tpu.sem_alloc : memref<!tpu.dma_semaphore, #tpu.memory_space<semaphore_mem>>
        %dma_start3A = tpu.memref_slice %arg3[%add3A_13] : memref<327680xf32, #tpu.memory_space<hbm>> -> memref<2560xf32, #tpu.memory_space<hbm>>
        %dma_start3A_21 = tpu.memref_slice %arg3[%add3A_13] : memref<327680xf32, #tpu.memory_space<hbm>> -> memref<2560xf32, #tpu.memory_space<hbm>>
        tpu.enqueue_dma source(%dma_start3A_21 : memref<2560xf32, #tpu.memory_space<hbm>>) target(%arg12 : memref<2560xf32, #tpu.memory_space<vmem>>) target_semaphore(%run_scoped3A_20 : memref<!tpu.dma_semaphore, #tpu.memory_space<semaphore_mem>>)
        %dma_wait3A = tpu.memref_slice %arg3[%add3A_13] : memref<327680xf32, #tpu.memory_space<hbm>> -> memref<2560xf32, #tpu.memory_space<hbm>>
        %dma_wait3A_22 = tpu.memref_slice %arg3[%add3A_13] : memref<327680xf32, #tpu.memory_space<hbm>> -> memref<2560xf32, #tpu.memory_space<hbm>>
        tpu.wait_dma2 semaphore(%run_scoped3A_20 : memref<!tpu.dma_semaphore, #tpu.memory_space<semaphore_mem>>) src(%dma_wait3A_22 : memref<2560xf32, #tpu.memory_space<hbm>>) dst(%arg12 : memref<2560xf32, #tpu.memory_space<vmem>>)
        tpu.yield
      }) : () -> ()
      "tpu.region"() ({
        %run_scoped3A_20 = tpu.sem_alloc : memref<!tpu.dma_semaphore, #tpu.memory_space<semaphore_mem>>
        %dma_start3A = tpu.memref_slice %arg4[%add3A_13] : memref<327680xf32, #tpu.memory_space<hbm>> -> memref<2560xf32, #tpu.memory_space<hbm>>
        %dma_start3A_21 = tpu.memref_slice %arg4[%add3A_13] : memref<327680xf32, #tpu.memory_space<hbm>> -> memref<2560xf32, #tpu.memory_space<hbm>>
        tpu.enqueue_dma source(%dma_start3A_21 : memref<2560xf32, #tpu.memory_space<hbm>>) target(%arg13 : memref<2560xf32, #tpu.memory_space<vmem>>) target_semaphore(%run_scoped3A_20 : memref<!tpu.dma_semaphore, #tpu.memory_space<semaphore_mem>>)
        %dma_wait3A = tpu.memref_slice %arg4[%add3A_13] : memref<327680xf32, #tpu.memory_space<hbm>> -> memref<2560xf32, #tpu.memory_space<hbm>>
        %dma_wait3A_22 = tpu.memref_slice %arg4[%add3A_13] : memref<327680xf32, #tpu.memory_space<hbm>> -> memref<2560xf32, #tpu.memory_space<hbm>>
        tpu.wait_dma2 semaphore(%run_scoped3A_20 : memref<!tpu.dma_semaphore, #tpu.memory_space<semaphore_mem>>) src(%dma_wait3A_22 : memref<2560xf32, #tpu.memory_space<hbm>>) dst(%arg13 : memref<2560xf32, #tpu.memory_space<vmem>>)
        tpu.yield
      }) : () -> ()
      "tpu.region"() ({
        %run_scoped3A_20 = tpu.sem_alloc : memref<!tpu.dma_semaphore, #tpu.memory_space<semaphore_mem>>
        %dma_start3A = tpu.memref_slice %arg5[%add3A_13] : memref<327680xf32, #tpu.memory_space<hbm>> -> memref<2560xf32, #tpu.memory_space<hbm>>
        %dma_start3A_21 = tpu.memref_slice %arg5[%add3A_13] : memref<327680xf32, #tpu.memory_space<hbm>> -> memref<2560xf32, #tpu.memory_space<hbm>>
        tpu.enqueue_dma source(%dma_start3A_21 : memref<2560xf32, #tpu.memory_space<hbm>>) target(%arg14 : memref<2560xf32, #tpu.memory_space<vmem>>) target_semaphore(%run_scoped3A_20 : memref<!tpu.dma_semaphore, #tpu.memory_space<semaphore_mem>>)
        %dma_wait3A = tpu.memref_slice %arg5[%add3A_13] : memref<327680xf32, #tpu.memory_space<hbm>> -> memref<2560xf32, #tpu.memory_space<hbm>>
        %dma_wait3A_22 = tpu.memref_slice %arg5[%add3A_13] : memref<327680xf32, #tpu.memory_space<hbm>> -> memref<2560xf32, #tpu.memory_space<hbm>>
        tpu.wait_dma2 semaphore(%run_scoped3A_20 : memref<!tpu.dma_semaphore, #tpu.memory_space<semaphore_mem>>) src(%dma_wait3A_22 : memref<2560xf32, #tpu.memory_space<hbm>>) dst(%arg14 : memref<2560xf32, #tpu.memory_space<vmem>>)
        tpu.yield
      }) : () -> ()
      %scan3A_14 = arith.constant 0 : i32
      %scan3A_15 = arith.constant 0 : i32
      %scan3A_16 = arith.constant 160 : i32
      %scan3A_17 = arith.addi %scan3A_15, %scan3A_16 : i32
      %scan3A_18 = arith.constant 1 : i32
      scf.for %scan3A_20 = %scan3A_15 to %scan3A_17 step %scan3A_18  : i32 {
        %mul3A_21 = arith.constant 16 : i32
        %mul3A_22 = arith.muli %scan3A_20, %mul3A_21 : i32
        %get3A = arith.index_cast %mul3A_22 : i32 to index
        %get3A_23 = tpu.vector_load %arg11[%get3A] {strides = array<i32>} : memref<2560xi32, #tpu.memory_space<vmem>>, vector<16xi32>,
        %get3A_24 = arith.index_cast %mul3A_22 : i32 to index
        %get3A_25 = tpu.vector_load %arg15[%get3A_24] {strides = array<i32>} : memref<2560xf32, #tpu.memory_space<vmem>>, vector<16xf32>,
        %get3A_26 = arith.index_cast %mul3A_22 : i32 to index
        %get3A_27 = tpu.vector_load %arg12[%get3A_26] {strides = array<i32>} : memref<2560xf32, #tpu.memory_space<vmem>>, vector<16xf32>,
        %mul3A_28 = arith.mulf %get3A_27, %get3A_25 : vector<16xf32>
        tpu.vector_store_idx %arg16[%get3A_23], %mul3A_28 {add = true} : memref<10240xf32, #tpu.memory_space<vmem>>[vector<16xi32>], vector<16xf32>,
        %get3A_29 = arith.index_cast %mul3A_22 : i32 to index
        %get3A_30 = tpu.vector_load %arg13[%get3A_29] {strides = array<i32>} : memref<2560xf32, #tpu.memory_space<vmem>>, vector<16xf32>,
        %mul3A_31 = arith.mulf %get3A_30, %get3A_25 : vector<16xf32>
        tpu.vector_store_idx %arg17[%get3A_23], %mul3A_31 {add = true} : memref<10240xf32, #tpu.memory_space<vmem>>[vector<16xi32>], vector<16xf32>,
        %get3A_32 = arith.index_cast %mul3A_22 : i32 to index
        %get3A_33 = tpu.vector_load %arg14[%get3A_32] {strides = array<i32>} : memref<2560xf32, #tpu.memory_space<vmem>>, vector<16xf32>,
        %mul3A_34 = arith.mulf %get3A_33, %get3A_25 : vector<16xf32>
        tpu.vector_store_idx %arg18[%get3A_23], %mul3A_34 {add = true} : memref<10240xf32, #tpu.memory_space<vmem>>[vector<16xi32>], vector<16xf32>,
      }
      %scan3A_19 = arith.constant 160 : i32
    }
    %scan3A_7 = arith.constant 4 : i32
    %run_scoped3A = arith.constant 0 : i32
    "tpu.region"() ({
      %run_scoped3A_10 = tpu.sem_alloc : memref<!tpu.dma_semaphore, #tpu.memory_space<semaphore_mem>>
      %dma_start3A = arith.constant 0 : i32
      %dma_start3A_11 = tpu.memref_slice %arg8[%add3A, %run_scoped3A, %dma_start3A] : memref<32x1x10240xf32, #tpu.memory_space<hbm>> -> memref<1x1x10240xf32, #tpu.memory_space<hbm>>
      %dma_start3A_12 = tpu.memref_squeeze %dma_start3A_11 : memref<1x1x10240xf32, #tpu.memory_space<hbm>> -> memref<10240xf32, #tpu.memory_space<hbm>>
      %dma_start3A_13 = arith.constant 0 : i32
      %dma_start3A_14 = tpu.memref_slice %arg8[%add3A, %run_scoped3A, %dma_start3A_13] : memref<32x1x10240xf32, #tpu.memory_space<hbm>> -> memref<1x1x10240xf32, #tpu.memory_space<hbm>>
      %dma_start3A_15 = tpu.memref_squeeze %dma_start3A_14 : memref<1x1x10240xf32, #tpu.memory_space<hbm>> -> memref<10240xf32, #tpu.memory_space<hbm>>
      tpu.enqueue_dma source(%arg16 : memref<10240xf32, #tpu.memory_space<vmem>>) target(%dma_start3A_15 : memref<10240xf32, #tpu.memory_space<hbm>>) target_semaphore(%run_scoped3A_10 : memref<!tpu.dma_semaphore, #tpu.memory_space<semaphore_mem>>)
      %dma_wait3A = arith.constant 0 : i32
      %dma_wait3A_16 = tpu.memref_slice %arg8[%add3A, %run_scoped3A, %dma_wait3A] : memref<32x1x10240xf32, #tpu.memory_space<hbm>> -> memref<1x1x10240xf32, #tpu.memory_space<hbm>>
      %dma_wait3A_17 = tpu.memref_squeeze %dma_wait3A_16 : memref<1x1x10240xf32, #tpu.memory_space<hbm>> -> memref<10240xf32, #tpu.memory_space<hbm>>
      %dma_wait3A_18 = arith.constant 0 : i32
      %dma_wait3A_19 = tpu.memref_slice %arg8[%add3A, %run_scoped3A, %dma_wait3A_18] : memref<32x1x10240xf32, #tpu.memory_space<hbm>> -> memref<1x1x10240xf32, #tpu.memory_space<hbm>>
      %dma_wait3A_20 = tpu.memref_squeeze %dma_wait3A_19 : memref<1x1x10240xf32, #tpu.memory_space<hbm>> -> memref<10240xf32, #tpu.memory_space<hbm>>
      tpu.wait_dma2 semaphore(%run_scoped3A_10 : memref<!tpu.dma_semaphore, #tpu.memory_space<semaphore_mem>>) src(%arg16 : memref<10240xf32, #tpu.memory_space<vmem>>) dst(%dma_wait3A_20 : memref<10240xf32, #tpu.memory_space<hbm>>)
      tpu.yield
    }) : () -> ()
    %run_scoped3A_8 = arith.constant 0 : i32
    "tpu.region"() ({
      %run_scoped3A_10 = tpu.sem_alloc : memref<!tpu.dma_semaphore, #tpu.memory_space<semaphore_mem>>
      %dma_start3A = arith.constant 0 : i32
      %dma_start3A_11 = tpu.memref_slice %arg9[%add3A, %run_scoped3A_8, %dma_start3A] : memref<32x1x10240xf32, #tpu.memory_space<hbm>> -> memref<1x1x10240xf32, #tpu.memory_space<hbm>>
      %dma_start3A_12 = tpu.memref_squeeze %dma_start3A_11 : memref<1x1x10240xf32, #tpu.memory_space<hbm>> -> memref<10240xf32, #tpu.memory_space<hbm>>
      %dma_start3A_13 = arith.constant 0 : i32
      %dma_start3A_14 = tpu.memref_slice %arg9[%add3A, %run_scoped3A_8, %dma_start3A_13] : memref<32x1x10240xf32, #tpu.memory_space<hbm>> -> memref<1x1x10240xf32, #tpu.memory_space<hbm>>
      %dma_start3A_15 = tpu.memref_squeeze %dma_start3A_14 : memref<1x1x10240xf32, #tpu.memory_space<hbm>> -> memref<10240xf32, #tpu.memory_space<hbm>>
      tpu.enqueue_dma source(%arg17 : memref<10240xf32, #tpu.memory_space<vmem>>) target(%dma_start3A_15 : memref<10240xf32, #tpu.memory_space<hbm>>) target_semaphore(%run_scoped3A_10 : memref<!tpu.dma_semaphore, #tpu.memory_space<semaphore_mem>>)
      %dma_wait3A = arith.constant 0 : i32
      %dma_wait3A_16 = tpu.memref_slice %arg9[%add3A, %run_scoped3A_8, %dma_wait3A] : memref<32x1x10240xf32, #tpu.memory_space<hbm>> -> memref<1x1x10240xf32, #tpu.memory_space<hbm>>
      %dma_wait3A_17 = tpu.memref_squeeze %dma_wait3A_16 : memref<1x1x10240xf32, #tpu.memory_space<hbm>> -> memref<10240xf32, #tpu.memory_space<hbm>>
      %dma_wait3A_18 = arith.constant 0 : i32
      %dma_wait3A_19 = tpu.memref_slice %arg9[%add3A, %run_scoped3A_8, %dma_wait3A_18] : memref<32x1x10240xf32, #tpu.memory_space<hbm>> -> memref<1x1x10240xf32, #tpu.memory_space<hbm>>
      %dma_wait3A_20 = tpu.memref_squeeze %dma_wait3A_19 : memref<1x1x10240xf32, #tpu.memory_space<hbm>> -> memref<10240xf32, #tpu.memory_space<hbm>>
      tpu.wait_dma2 semaphore(%run_scoped3A_10 : memref<!tpu.dma_semaphore, #tpu.memory_space<semaphore_mem>>) src(%arg17 : memref<10240xf32, #tpu.memory_space<vmem>>) dst(%dma_wait3A_20 : memref<10240xf32, #tpu.memory_space<hbm>>)
      tpu.yield
    }) : () -> ()
    %run_scoped3A_9 = arith.constant 0 : i32
    "tpu.region"() ({
      %run_scoped3A_10 = tpu.sem_alloc : memref<!tpu.dma_semaphore, #tpu.memory_space<semaphore_mem>>
      %dma_start3A = arith.constant 0 : i32
      %dma_start3A_11 = tpu.memref_slice %arg10[%add3A, %run_scoped3A_9, %dma_start3A] : memref<32x1x10240xf32, #tpu.memory_space<hbm>> -> memref<1x1x10240xf32, #tpu.memory_space<hbm>>
      %dma_start3A_12 = tpu.memref_squeeze %dma_start3A_11 : memref<1x1x10240xf32, #tpu.memory_space<hbm>> -> memref<10240xf32, #tpu.memory_space<hbm>>
      %dma_start3A_13 = arith.constant 0 : i32
      %dma_start3A_14 = tpu.memref_slice %arg10[%add3A, %run_scoped3A_9, %dma_start3A_13] : memref<32x1x10240xf32, #tpu.memory_space<hbm>> -> memref<1x1x10240xf32, #tpu.memory_space<hbm>>
      %dma_start3A_15 = tpu.memref_squeeze %dma_start3A_14 : memref<1x1x10240xf32, #tpu.memory_space<hbm>> -> memref<10240xf32, #tpu.memory_space<hbm>>
      tpu.enqueue_dma source(%arg18 : memref<10240xf32, #tpu.memory_space<vmem>>) target(%dma_start3A_15 : memref<10240xf32, #tpu.memory_space<hbm>>) target_semaphore(%run_scoped3A_10 : memref<!tpu.dma_semaphore, #tpu.memory_space<semaphore_mem>>)
      %dma_wait3A = arith.constant 0 : i32
      %dma_wait3A_16 = tpu.memref_slice %arg10[%add3A, %run_scoped3A_9, %dma_wait3A] : memref<32x1x10240xf32, #tpu.memory_space<hbm>> -> memref<1x1x10240xf32, #tpu.memory_space<hbm>>
      %dma_wait3A_17 = tpu.memref_squeeze %dma_wait3A_16 : memref<1x1x10240xf32, #tpu.memory_space<hbm>> -> memref<10240xf32, #tpu.memory_space<hbm>>
      %dma_wait3A_18 = arith.constant 0 : i32
      %dma_wait3A_19 = tpu.memref_slice %arg10[%add3A, %run_scoped3A_9, %dma_wait3A_18] : memref<32x1x10240xf32, #tpu.memory_space<hbm>> -> memref<1x1x10240xf32, #tpu.memory_space<hbm>>
      %dma_wait3A_20 = tpu.memref_squeeze %dma_wait3A_19 : memref<1x1x10240xf32, #tpu.memory_space<hbm>> -> memref<10240xf32, #tpu.memory_space<hbm>>
      tpu.wait_dma2 semaphore(%run_scoped3A_10 : memref<!tpu.dma_semaphore, #tpu.memory_space<semaphore_mem>>) src(%arg18 : memref<10240xf32, #tpu.memory_space<vmem>>) dst(%dma_wait3A_20 : memref<10240xf32, #tpu.memory_space<hbm>>)
      tpu.yield
    }) : () -> ()
    return
  }
}

#map = affine_map<(d0, d1) -> (0, 0)>
#map1 = affine_map<(d0, d1) -> (0)>
module attributes {stable_mosaic.version = 14 : i64} {
  func.func @_gather_body(%arg0: i32, %arg1: i32, %arg2: memref<10000x128xf32, #tpu.memory_space<hbm>>, %arg3: memref<10000x128xf32, #tpu.memory_space<hbm>>, %arg4: memref<10000xf32, #tpu.memory_space<hbm>>, %arg5: memref<10000xf32, #tpu.memory_space<hbm>>, %arg6: memref<10000xf32, #tpu.memory_space<hbm>>, %arg7: memref<327680xi32, #tpu.memory_space<hbm>>, %arg8: memref<327680xi32, #tpu.memory_space<hbm>>, %arg9: memref<327680x128xf32, #tpu.memory_space<hbm>>, %arg10: memref<327680xf32, #tpu.memory_space<hbm>>, %arg11: memref<327680xf32, #tpu.memory_space<hbm>>, %arg12: memref<327680xf32, #tpu.memory_space<hbm>>, %arg13: memref<10240xi32, #tpu.memory_space<vmem>>, %arg14: memref<10240xi32, #tpu.memory_space<vmem>>, %arg15: memref<10000xf32, #tpu.memory_space<vmem>>, %arg16: memref<10000xf32, #tpu.memory_space<vmem>>, %arg17: memref<10000xf32, #tpu.memory_space<vmem>>, %arg18: memref<80x128xf32, #tpu.memory_space<vmem>>, %arg19: memref<80x128xf32, #tpu.memory_space<vmem>>, %arg20: memref<80x128xf32, #tpu.memory_space<vmem>>, %arg21: memref<80x128xf32, #tpu.memory_space<vmem>>, %arg22: memref<10240xf32, #tpu.memory_space<vmem>>, %arg23: memref<10240xf32, #tpu.memory_space<vmem>>, %arg24: memref<10240xf32, #tpu.memory_space<vmem>>, %arg25: memref<!tpu.dma_semaphore, #tpu.memory_space<semaphore_mem>>, %arg26: memref<!tpu.dma_semaphore, #tpu.memory_space<semaphore_mem>>, %arg27: memref<!tpu.dma_semaphore, #tpu.memory_space<semaphore_mem>>, %arg28: memref<!tpu.dma_semaphore, #tpu.memory_space<semaphore_mem>>) attributes {dimension_semantics = [#tpu.dimension_semantics<core_parallel>, #tpu.dimension_semantics<subcore_parallel>], iteration_bounds = array<i64: 2, 16>, scalar_prefetch = 0 : i64, scratch_operands = 16 : i64, tpu.core_type = #tpu.core_type<sc_vector_subcore>, window_params = [{transform_indices = #map}, {transform_indices = #map}, {transform_indices = #map1}, {transform_indices = #map1}, {transform_indices = #map1}, {transform_indices = #map1}, {transform_indices = #map1}, {transform_indices = #map}, {transform_indices = #map1}, {transform_indices = #map1}, {transform_indices = #map1}]} {
    %mul3A = arith.constant 2 : i32
    %mul3A_0 = arith.muli %arg1, %mul3A : i32
    %add3A = arith.addi %mul3A_0, %arg0 : i32
    %mul3A_1 = arith.constant 10240 : i32
    %mul3A_2 = arith.muli %add3A, %mul3A_1 : i32
    "tpu.region"() ({
      %run_scoped3A = tpu.sem_alloc : memref<!tpu.dma_semaphore, #tpu.memory_space<semaphore_mem>>
      %dma_start3A_26 = tpu.memref_slice %arg7[%mul3A_2] : memref<327680xi32, #tpu.memory_space<hbm>> -> memref<10240xi32, #tpu.memory_space<hbm>>
      %dma_start3A_27 = tpu.memref_slice %arg7[%mul3A_2] : memref<327680xi32, #tpu.memory_space<hbm>> -> memref<10240xi32, #tpu.memory_space<hbm>>
      tpu.enqueue_dma source(%dma_start3A_27 : memref<10240xi32, #tpu.memory_space<hbm>>) target(%arg13 : memref<10240xi32, #tpu.memory_space<vmem>>) target_semaphore(%run_scoped3A : memref<!tpu.dma_semaphore, #tpu.memory_space<semaphore_mem>>)
      %dma_wait3A_28 = tpu.memref_slice %arg7[%mul3A_2] : memref<327680xi32, #tpu.memory_space<hbm>> -> memref<10240xi32, #tpu.memory_space<hbm>>
      %dma_wait3A_29 = tpu.memref_slice %arg7[%mul3A_2] : memref<327680xi32, #tpu.memory_space<hbm>> -> memref<10240xi32, #tpu.memory_space<hbm>>
      tpu.wait_dma2 semaphore(%run_scoped3A : memref<!tpu.dma_semaphore, #tpu.memory_space<semaphore_mem>>) src(%dma_wait3A_29 : memref<10240xi32, #tpu.memory_space<hbm>>) dst(%arg13 : memref<10240xi32, #tpu.memory_space<vmem>>)
      tpu.yield
    }) : () -> ()
    "tpu.region"() ({
      %run_scoped3A = tpu.sem_alloc : memref<!tpu.dma_semaphore, #tpu.memory_space<semaphore_mem>>
      %dma_start3A_26 = tpu.memref_slice %arg8[%mul3A_2] : memref<327680xi32, #tpu.memory_space<hbm>> -> memref<10240xi32, #tpu.memory_space<hbm>>
      %dma_start3A_27 = tpu.memref_slice %arg8[%mul3A_2] : memref<327680xi32, #tpu.memory_space<hbm>> -> memref<10240xi32, #tpu.memory_space<hbm>>
      tpu.enqueue_dma source(%dma_start3A_27 : memref<10240xi32, #tpu.memory_space<hbm>>) target(%arg14 : memref<10240xi32, #tpu.memory_space<vmem>>) target_semaphore(%run_scoped3A : memref<!tpu.dma_semaphore, #tpu.memory_space<semaphore_mem>>)
      %dma_wait3A_28 = tpu.memref_slice %arg8[%mul3A_2] : memref<327680xi32, #tpu.memory_space<hbm>> -> memref<10240xi32, #tpu.memory_space<hbm>>
      %dma_wait3A_29 = tpu.memref_slice %arg8[%mul3A_2] : memref<327680xi32, #tpu.memory_space<hbm>> -> memref<10240xi32, #tpu.memory_space<hbm>>
      tpu.wait_dma2 semaphore(%run_scoped3A : memref<!tpu.dma_semaphore, #tpu.memory_space<semaphore_mem>>) src(%dma_wait3A_29 : memref<10240xi32, #tpu.memory_space<hbm>>) dst(%arg14 : memref<10240xi32, #tpu.memory_space<vmem>>)
      tpu.yield
    }) : () -> ()
    "tpu.region"() ({
      %run_scoped3A = tpu.sem_alloc : memref<!tpu.dma_semaphore, #tpu.memory_space<semaphore_mem>>
      tpu.enqueue_dma source(%arg4 : memref<10000xf32, #tpu.memory_space<hbm>>) target(%arg15 : memref<10000xf32, #tpu.memory_space<vmem>>) target_semaphore(%run_scoped3A : memref<!tpu.dma_semaphore, #tpu.memory_space<semaphore_mem>>)
      tpu.wait_dma2 semaphore(%run_scoped3A : memref<!tpu.dma_semaphore, #tpu.memory_space<semaphore_mem>>) src(%arg4 : memref<10000xf32, #tpu.memory_space<hbm>>) dst(%arg15 : memref<10000xf32, #tpu.memory_space<vmem>>)
      tpu.yield
    }) : () -> ()
    "tpu.region"() ({
      %run_scoped3A = tpu.sem_alloc : memref<!tpu.dma_semaphore, #tpu.memory_space<semaphore_mem>>
      tpu.enqueue_dma source(%arg5 : memref<10000xf32, #tpu.memory_space<hbm>>) target(%arg16 : memref<10000xf32, #tpu.memory_space<vmem>>) target_semaphore(%run_scoped3A : memref<!tpu.dma_semaphore, #tpu.memory_space<semaphore_mem>>)
      tpu.wait_dma2 semaphore(%run_scoped3A : memref<!tpu.dma_semaphore, #tpu.memory_space<semaphore_mem>>) src(%arg5 : memref<10000xf32, #tpu.memory_space<hbm>>) dst(%arg16 : memref<10000xf32, #tpu.memory_space<vmem>>)
      tpu.yield
    }) : () -> ()
    "tpu.region"() ({
      %run_scoped3A = tpu.sem_alloc : memref<!tpu.dma_semaphore, #tpu.memory_space<semaphore_mem>>
      tpu.enqueue_dma source(%arg6 : memref<10000xf32, #tpu.memory_space<hbm>>) target(%arg17 : memref<10000xf32, #tpu.memory_space<vmem>>) target_semaphore(%run_scoped3A : memref<!tpu.dma_semaphore, #tpu.memory_space<semaphore_mem>>)
      tpu.wait_dma2 semaphore(%run_scoped3A : memref<!tpu.dma_semaphore, #tpu.memory_space<semaphore_mem>>) src(%arg6 : memref<10000xf32, #tpu.memory_space<hbm>>) dst(%arg17 : memref<10000xf32, #tpu.memory_space<vmem>>)
      tpu.yield
    }) : () -> ()
    %scan3A = arith.constant 0 : i32
    %scan3A_3 = arith.constant 0 : i32
    %scan3A_4 = arith.constant 640 : i32
    %scan3A_5 = arith.addi %scan3A_3, %scan3A_4 : i32
    %scan3A_6 = arith.constant 1 : i32
    scf.for %scan3A_26 = %scan3A_3 to %scan3A_5 step %scan3A_6  : i32 {
      %mul3A_27 = arith.constant 16 : i32
      %mul3A_28 = arith.muli %scan3A_26, %mul3A_27 : i32
      %get3A = arith.index_cast %mul3A_28 : i32 to index
      %get3A_29 = tpu.vector_load %arg13[%get3A] {strides = array<i32>} : memref<10240xi32, #tpu.memory_space<vmem>>, vector<16xi32>,
      %get3A_30 = arith.index_cast %mul3A_28 : i32 to index
      %get3A_31 = tpu.vector_load %arg14[%get3A_30] {strides = array<i32>} : memref<10240xi32, #tpu.memory_space<vmem>>, vector<16xi32>,
      %gather3A = tpu.vector_load_idx %arg15[%get3A_29] : memref<10000xf32, #tpu.memory_space<vmem>>[vector<16xi32>], vector<16xf32>,
      %gather3A_32 = tpu.vector_load_idx %arg15[%get3A_31] : memref<10000xf32, #tpu.memory_space<vmem>>[vector<16xi32>], vector<16xf32>,
      %sub3A = arith.subf %gather3A, %gather3A_32 : vector<16xf32>
      %swap3A = arith.index_cast %mul3A_28 : i32 to index
      %swap3A_33 = tpu.vector_load %arg22[%swap3A] {strides = array<i32>} : memref<10240xf32, #tpu.memory_space<vmem>>, vector<16xf32>,
      tpu.vector_store %arg22[%swap3A], %sub3A {strides = array<i32>} : memref<10240xf32, #tpu.memory_space<vmem>>, vector<16xf32>,
      %gather3A_34 = tpu.vector_load_idx %arg16[%get3A_29] : memref<10000xf32, #tpu.memory_space<vmem>>[vector<16xi32>], vector<16xf32>,
      %gather3A_35 = tpu.vector_load_idx %arg16[%get3A_31] : memref<10000xf32, #tpu.memory_space<vmem>>[vector<16xi32>], vector<16xf32>,
      %sub3A_36 = arith.subf %gather3A_34, %gather3A_35 : vector<16xf32>
      %swap3A_37 = arith.index_cast %mul3A_28 : i32 to index
      %swap3A_38 = tpu.vector_load %arg23[%swap3A_37] {strides = array<i32>} : memref<10240xf32, #tpu.memory_space<vmem>>, vector<16xf32>,
      tpu.vector_store %arg23[%swap3A_37], %sub3A_36 {strides = array<i32>} : memref<10240xf32, #tpu.memory_space<vmem>>, vector<16xf32>,
      %gather3A_39 = tpu.vector_load_idx %arg17[%get3A_29] : memref<10000xf32, #tpu.memory_space<vmem>>[vector<16xi32>], vector<16xf32>,
      %gather3A_40 = tpu.vector_load_idx %arg17[%get3A_31] : memref<10000xf32, #tpu.memory_space<vmem>>[vector<16xi32>], vector<16xf32>,
      %sub3A_41 = arith.subf %gather3A_39, %gather3A_40 : vector<16xf32>
      %swap3A_42 = arith.index_cast %mul3A_28 : i32 to index
      %swap3A_43 = tpu.vector_load %arg24[%swap3A_42] {strides = array<i32>} : memref<10240xf32, #tpu.memory_space<vmem>>, vector<16xf32>,
      tpu.vector_store %arg24[%swap3A_42], %sub3A_41 {strides = array<i32>} : memref<10240xf32, #tpu.memory_space<vmem>>, vector<16xf32>,
    }
    %scan3A_7 = arith.constant 640 : i32
    "tpu.region"() ({
      %run_scoped3A = tpu.sem_alloc : memref<!tpu.dma_semaphore, #tpu.memory_space<semaphore_mem>>
      %dma_start3A_26 = tpu.memref_slice %arg10[%mul3A_2] : memref<327680xf32, #tpu.memory_space<hbm>> -> memref<10240xf32, #tpu.memory_space<hbm>>
      %dma_start3A_27 = tpu.memref_slice %arg10[%mul3A_2] : memref<327680xf32, #tpu.memory_space<hbm>> -> memref<10240xf32, #tpu.memory_space<hbm>>
      tpu.enqueue_dma source(%arg22 : memref<10240xf32, #tpu.memory_space<vmem>>) target(%dma_start3A_27 : memref<10240xf32, #tpu.memory_space<hbm>>) target_semaphore(%run_scoped3A : memref<!tpu.dma_semaphore, #tpu.memory_space<semaphore_mem>>)
      %dma_wait3A_28 = tpu.memref_slice %arg10[%mul3A_2] : memref<327680xf32, #tpu.memory_space<hbm>> -> memref<10240xf32, #tpu.memory_space<hbm>>
      %dma_wait3A_29 = tpu.memref_slice %arg10[%mul3A_2] : memref<327680xf32, #tpu.memory_space<hbm>> -> memref<10240xf32, #tpu.memory_space<hbm>>
      tpu.wait_dma2 semaphore(%run_scoped3A : memref<!tpu.dma_semaphore, #tpu.memory_space<semaphore_mem>>) src(%arg22 : memref<10240xf32, #tpu.memory_space<vmem>>) dst(%dma_wait3A_29 : memref<10240xf32, #tpu.memory_space<hbm>>)
      tpu.yield
    }) : () -> ()
    "tpu.region"() ({
      %run_scoped3A = tpu.sem_alloc : memref<!tpu.dma_semaphore, #tpu.memory_space<semaphore_mem>>
      %dma_start3A_26 = tpu.memref_slice %arg11[%mul3A_2] : memref<327680xf32, #tpu.memory_space<hbm>> -> memref<10240xf32, #tpu.memory_space<hbm>>
      %dma_start3A_27 = tpu.memref_slice %arg11[%mul3A_2] : memref<327680xf32, #tpu.memory_space<hbm>> -> memref<10240xf32, #tpu.memory_space<hbm>>
      tpu.enqueue_dma source(%arg23 : memref<10240xf32, #tpu.memory_space<vmem>>) target(%dma_start3A_27 : memref<10240xf32, #tpu.memory_space<hbm>>) target_semaphore(%run_scoped3A : memref<!tpu.dma_semaphore, #tpu.memory_space<semaphore_mem>>)
      %dma_wait3A_28 = tpu.memref_slice %arg11[%mul3A_2] : memref<327680xf32, #tpu.memory_space<hbm>> -> memref<10240xf32, #tpu.memory_space<hbm>>
      %dma_wait3A_29 = tpu.memref_slice %arg11[%mul3A_2] : memref<327680xf32, #tpu.memory_space<hbm>> -> memref<10240xf32, #tpu.memory_space<hbm>>
      tpu.wait_dma2 semaphore(%run_scoped3A : memref<!tpu.dma_semaphore, #tpu.memory_space<semaphore_mem>>) src(%arg23 : memref<10240xf32, #tpu.memory_space<vmem>>) dst(%dma_wait3A_29 : memref<10240xf32, #tpu.memory_space<hbm>>)
      tpu.yield
    }) : () -> ()
    "tpu.region"() ({
      %run_scoped3A = tpu.sem_alloc : memref<!tpu.dma_semaphore, #tpu.memory_space<semaphore_mem>>
      %dma_start3A_26 = tpu.memref_slice %arg12[%mul3A_2] : memref<327680xf32, #tpu.memory_space<hbm>> -> memref<10240xf32, #tpu.memory_space<hbm>>
      %dma_start3A_27 = tpu.memref_slice %arg12[%mul3A_2] : memref<327680xf32, #tpu.memory_space<hbm>> -> memref<10240xf32, #tpu.memory_space<hbm>>
      tpu.enqueue_dma source(%arg24 : memref<10240xf32, #tpu.memory_space<vmem>>) target(%dma_start3A_27 : memref<10240xf32, #tpu.memory_space<hbm>>) target_semaphore(%run_scoped3A : memref<!tpu.dma_semaphore, #tpu.memory_space<semaphore_mem>>)
      %dma_wait3A_28 = tpu.memref_slice %arg12[%mul3A_2] : memref<327680xf32, #tpu.memory_space<hbm>> -> memref<10240xf32, #tpu.memory_space<hbm>>
      %dma_wait3A_29 = tpu.memref_slice %arg12[%mul3A_2] : memref<327680xf32, #tpu.memory_space<hbm>> -> memref<10240xf32, #tpu.memory_space<hbm>>
      tpu.wait_dma2 semaphore(%run_scoped3A : memref<!tpu.dma_semaphore, #tpu.memory_space<semaphore_mem>>) src(%arg24 : memref<10240xf32, #tpu.memory_space<vmem>>) dst(%dma_wait3A_29 : memref<10240xf32, #tpu.memory_space<hbm>>)
      tpu.yield
    }) : () -> ()
    %dma_start3A = arith.constant 0 : i32
    %dma_start3A_8 = tpu.memref_slice %arg13[%dma_start3A] : memref<10240xi32, #tpu.memory_space<vmem>> -> memref<80xi32, #tpu.memory_space<vmem>>
    %dma_start3A_9 = arith.constant 0 : i32
    %dma_start3A_10 = arith.constant 0 : i32
    %dma_start3A_11 = tpu.memref_slice %arg2[%dma_start3A_9, %dma_start3A_10] : memref<10000x128xf32, #tpu.memory_space<hbm>> -> memref<10000x128xf32, #tpu.memory_space<hbm>>
    tpu.enqueue_indirect_dma source(%dma_start3A_11 : memref<10000x128xf32, #tpu.memory_space<hbm>>) target(%arg18 : memref<80x128xf32, #tpu.memory_space<vmem>>) offsets(%dma_start3A_8 : memref<80xi32, #tpu.memory_space<vmem>>) semaphore(%arg25 : memref<!tpu.dma_semaphore, #tpu.memory_space<semaphore_mem>>)
    %dma_start3A_12 = arith.constant 0 : i32
    %dma_start3A_13 = tpu.memref_slice %arg14[%dma_start3A_12] : memref<10240xi32, #tpu.memory_space<vmem>> -> memref<80xi32, #tpu.memory_space<vmem>>
    %dma_start3A_14 = arith.constant 0 : i32
    %dma_start3A_15 = arith.constant 0 : i32
    %dma_start3A_16 = tpu.memref_slice %arg3[%dma_start3A_14, %dma_start3A_15] : memref<10000x128xf32, #tpu.memory_space<hbm>> -> memref<10000x128xf32, #tpu.memory_space<hbm>>
    tpu.enqueue_indirect_dma source(%dma_start3A_16 : memref<10000x128xf32, #tpu.memory_space<hbm>>) target(%arg19 : memref<80x128xf32, #tpu.memory_space<vmem>>) offsets(%dma_start3A_13 : memref<80xi32, #tpu.memory_space<vmem>>) semaphore(%arg25 : memref<!tpu.dma_semaphore, #tpu.memory_space<semaphore_mem>>)
    %scan3A_17 = arith.constant 0 : i32
    %scan3A_18 = arith.constant 0 : i32
    %scan3A_19 = arith.constant 64 : i32
    %scan3A_20 = arith.addi %scan3A_18, %scan3A_19 : i32
    %scan3A_21 = arith.constant 1 : i32
    scf.for %scan3A_26 = %scan3A_18 to %scan3A_20 step %scan3A_21  : i32 {
      %mul3A_27 = arith.constant 2 : i32
      %mul3A_28 = arith.muli %mul3A_27, %scan3A_26 : i32
      %add3A_29 = arith.constant 0 : i32
      %add3A_30 = arith.addi %mul3A_28, %add3A_29 : i32
      %ge3A = arith.constant 1 : i32
      %ge3A_31 = arith.cmpi sge, %add3A_30, %ge3A : i32
      %convert_element_type3A = arith.extui %ge3A_31 : i1 to i32
      %cond3A = arith.constant 0 : i32
      %cond3A_32 = arith.cmpi ne, %convert_element_type3A, %cond3A : i32
      scf.if %cond3A_32 {
        %dma_wait3A_101 = arith.constant 0 : i32
        %dma_wait3A_102 = tpu.memref_slice %arg9[%mul3A_2, %dma_wait3A_101] : memref<327680x128xf32, #tpu.memory_space<hbm>> -> memref<80x128xf32, #tpu.memory_space<hbm>>
        %dma_wait3A_103 = arith.constant 0 : i32
        %dma_wait3A_104 = tpu.memref_slice %arg9[%mul3A_2, %dma_wait3A_103] : memref<327680x128xf32, #tpu.memory_space<hbm>> -> memref<80x128xf32, #tpu.memory_space<hbm>>
        tpu.wait_dma2 semaphore(%arg28 : memref<!tpu.dma_semaphore, #tpu.memory_space<semaphore_mem>>) src(%arg20 : memref<80x128xf32, #tpu.memory_space<vmem>>) dst(%dma_wait3A_104 : memref<80x128xf32, #tpu.memory_space<hbm>>)
      } else {
      }
      %lt3A = arith.constant 127 : i32
      %lt3A_33 = arith.cmpi slt, %add3A_30, %lt3A : i32
      %convert_element_type3A_34 = arith.extui %lt3A_33 : i1 to i32
      %cond3A_35 = arith.constant 0 : i32
      %cond3A_36 = arith.cmpi ne, %convert_element_type3A_34, %cond3A_35 : i32
      scf.if %cond3A_36 {
        %add3A_101 = arith.constant 1 : i32
        %add3A_102 = arith.addi %add3A_30, %add3A_101 : i32
        %mul3A_103 = arith.constant 80 : i32
        %mul3A_104 = arith.muli %add3A_102, %mul3A_103 : i32
        %dma_start3A_105 = tpu.memref_slice %arg13[%mul3A_104] : memref<10240xi32, #tpu.memory_space<vmem>> -> memref<80xi32, #tpu.memory_space<vmem>>
        %dma_start3A_106 = arith.constant 0 : i32
        %dma_start3A_107 = arith.constant 0 : i32
        %dma_start3A_108 = tpu.memref_slice %arg2[%dma_start3A_106, %dma_start3A_107] : memref<10000x128xf32, #tpu.memory_space<hbm>> -> memref<10000x128xf32, #tpu.memory_space<hbm>>
        tpu.enqueue_indirect_dma source(%dma_start3A_108 : memref<10000x128xf32, #tpu.memory_space<hbm>>) target(%arg20 : memref<80x128xf32, #tpu.memory_space<vmem>>) offsets(%dma_start3A_105 : memref<80xi32, #tpu.memory_space<vmem>>) semaphore(%arg26 : memref<!tpu.dma_semaphore, #tpu.memory_space<semaphore_mem>>)
        %dma_start3A_109 = tpu.memref_slice %arg14[%mul3A_104] : memref<10240xi32, #tpu.memory_space<vmem>> -> memref<80xi32, #tpu.memory_space<vmem>>
        %dma_start3A_110 = arith.constant 0 : i32
        %dma_start3A_111 = arith.constant 0 : i32
        %dma_start3A_112 = tpu.memref_slice %arg3[%dma_start3A_110, %dma_start3A_111] : memref<10000x128xf32, #tpu.memory_space<hbm>> -> memref<10000x128xf32, #tpu.memory_space<hbm>>
        tpu.enqueue_indirect_dma source(%dma_start3A_112 : memref<10000x128xf32, #tpu.memory_space<hbm>>) target(%arg21 : memref<80x128xf32, #tpu.memory_space<vmem>>) offsets(%dma_start3A_109 : memref<80xi32, #tpu.memory_space<vmem>>) semaphore(%arg26 : memref<!tpu.dma_semaphore, #tpu.memory_space<semaphore_mem>>)
      } else {
      }
      %mul3A_37 = arith.constant 80 : i32
      %mul3A_38 = arith.muli %add3A_30, %mul3A_37 : i32
      %dma_wait3A_39 = tpu.memref_slice %arg13[%mul3A_38] : memref<10240xi32, #tpu.memory_space<vmem>> -> memref<80xi32, #tpu.memory_space<vmem>>
      %dma_wait3A_40 = arith.constant 0 : i32
      %dma_wait3A_41 = arith.constant 0 : i32
      %dma_wait3A_42 = tpu.memref_slice %arg2[%dma_wait3A_40, %dma_wait3A_41] : memref<10000x128xf32, #tpu.memory_space<hbm>> -> memref<10000x128xf32, #tpu.memory_space<hbm>>
      tpu.wait_indirect_dma semaphore(%arg25 : memref<!tpu.dma_semaphore, #tpu.memory_space<semaphore_mem>>) src(%dma_wait3A_42 : memref<10000x128xf32, #tpu.memory_space<hbm>>) dst(%arg18 : memref<80x128xf32, #tpu.memory_space<vmem>>)
      %mul3A_43 = arith.constant 80 : i32
      %mul3A_44 = arith.muli %add3A_30, %mul3A_43 : i32
      %dma_wait3A_45 = tpu.memref_slice %arg14[%mul3A_44] : memref<10240xi32, #tpu.memory_space<vmem>> -> memref<80xi32, #tpu.memory_space<vmem>>
      %dma_wait3A_46 = arith.constant 0 : i32
      %dma_wait3A_47 = arith.constant 0 : i32
      %dma_wait3A_48 = tpu.memref_slice %arg3[%dma_wait3A_46, %dma_wait3A_47] : memref<10000x128xf32, #tpu.memory_space<hbm>> -> memref<10000x128xf32, #tpu.memory_space<hbm>>
      tpu.wait_indirect_dma semaphore(%arg25 : memref<!tpu.dma_semaphore, #tpu.memory_space<semaphore_mem>>) src(%dma_wait3A_48 : memref<10000x128xf32, #tpu.memory_space<hbm>>) dst(%arg19 : memref<80x128xf32, #tpu.memory_space<vmem>>)
      %scan3A_49 = arith.constant 0 : i32
      %scan3A_50 = arith.constant 0 : i32
      %scan3A_51 = arith.constant 80 : i32
      %scan3A_52 = arith.addi %scan3A_50, %scan3A_51 : i32
      %scan3A_53 = arith.constant 1 : i32
      scf.for %scan3A_101 = %scan3A_50 to %scan3A_52 step %scan3A_53  : i32 {
        %get3A = arith.index_cast %scan3A_101 : i32 to index
        %get3A_102 = arith.constant 0 : index
        %get3A_103 = tpu.vector_load %arg18[%get3A, %get3A_102] {strides = array<i32>} : memref<80x128xf32, #tpu.memory_space<vmem>>, vector<16xf32>,
        %get3A_104 = arith.index_cast %scan3A_101 : i32 to index
        %get3A_105 = arith.constant 0 : index
        %get3A_106 = tpu.vector_load %arg19[%get3A_104, %get3A_105] {strides = array<i32>} : memref<80x128xf32, #tpu.memory_space<vmem>>, vector<16xf32>,
        %add3A_107 = arith.addf %get3A_103, %get3A_106 : vector<16xf32>
        %swap3A = arith.index_cast %scan3A_101 : i32 to index
        %swap3A_108 = arith.constant 0 : index
        %swap3A_109 = tpu.vector_load %arg18[%swap3A, %swap3A_108] {strides = array<i32>} : memref<80x128xf32, #tpu.memory_space<vmem>>, vector<16xf32>,
        tpu.vector_store %arg18[%swap3A, %swap3A_108], %add3A_107 {strides = array<i32>} : memref<80x128xf32, #tpu.memory_space<vmem>>, vector<16xf32>,
        %get3A_110 = arith.index_cast %scan3A_101 : i32 to index
        %get3A_111 = arith.constant 16 : index
        %get3A_112 = tpu.vector_load %arg18[%get3A_110, %get3A_111] {strides = array<i32>} : memref<80x128xf32, #tpu.memory_space<vmem>>, vector<16xf32>,
        %get3A_113 = arith.index_cast %scan3A_101 : i32 to index
        %get3A_114 = arith.constant 16 : index
        %get3A_115 = tpu.vector_load %arg19[%get3A_113, %get3A_114] {strides = array<i32>} : memref<80x128xf32, #tpu.memory_space<vmem>>, vector<16xf32>,
        %add3A_116 = arith.addf %get3A_112, %get3A_115 : vector<16xf32>
        %swap3A_117 = arith.index_cast %scan3A_101 : i32 to index
        %swap3A_118 = arith.constant 16 : index
        %swap3A_119 = tpu.vector_load %arg18[%swap3A_117, %swap3A_118] {strides = array<i32>} : memref<80x128xf32, #tpu.memory_space<vmem>>, vector<16xf32>,
        tpu.vector_store %arg18[%swap3A_117, %swap3A_118], %add3A_116 {strides = array<i32>} : memref<80x128xf32, #tpu.memory_space<vmem>>, vector<16xf32>,
        %get3A_120 = arith.index_cast %scan3A_101 : i32 to index
        %get3A_121 = arith.constant 32 : index
        %get3A_122 = tpu.vector_load %arg18[%get3A_120, %get3A_121] {strides = array<i32>} : memref<80x128xf32, #tpu.memory_space<vmem>>, vector<16xf32>,
        %get3A_123 = arith.index_cast %scan3A_101 : i32 to index
        %get3A_124 = arith.constant 32 : index
        %get3A_125 = tpu.vector_load %arg19[%get3A_123, %get3A_124] {strides = array<i32>} : memref<80x128xf32, #tpu.memory_space<vmem>>, vector<16xf32>,
        %add3A_126 = arith.addf %get3A_122, %get3A_125 : vector<16xf32>
        %swap3A_127 = arith.index_cast %scan3A_101 : i32 to index
        %swap3A_128 = arith.constant 32 : index
        %swap3A_129 = tpu.vector_load %arg18[%swap3A_127, %swap3A_128] {strides = array<i32>} : memref<80x128xf32, #tpu.memory_space<vmem>>, vector<16xf32>,
        tpu.vector_store %arg18[%swap3A_127, %swap3A_128], %add3A_126 {strides = array<i32>} : memref<80x128xf32, #tpu.memory_space<vmem>>, vector<16xf32>,
        %get3A_130 = arith.index_cast %scan3A_101 : i32 to index
        %get3A_131 = arith.constant 48 : index
        %get3A_132 = tpu.vector_load %arg18[%get3A_130, %get3A_131] {strides = array<i32>} : memref<80x128xf32, #tpu.memory_space<vmem>>, vector<16xf32>,
        %get3A_133 = arith.index_cast %scan3A_101 : i32 to index
        %get3A_134 = arith.constant 48 : index
        %get3A_135 = tpu.vector_load %arg19[%get3A_133, %get3A_134] {strides = array<i32>} : memref<80x128xf32, #tpu.memory_space<vmem>>, vector<16xf32>,
        %add3A_136 = arith.addf %get3A_132, %get3A_135 : vector<16xf32>
        %swap3A_137 = arith.index_cast %scan3A_101 : i32 to index
        %swap3A_138 = arith.constant 48 : index
        %swap3A_139 = tpu.vector_load %arg18[%swap3A_137, %swap3A_138] {strides = array<i32>} : memref<80x128xf32, #tpu.memory_space<vmem>>, vector<16xf32>,
        tpu.vector_store %arg18[%swap3A_137, %swap3A_138], %add3A_136 {strides = array<i32>} : memref<80x128xf32, #tpu.memory_space<vmem>>, vector<16xf32>,
        %get3A_140 = arith.index_cast %scan3A_101 : i32 to index
        %get3A_141 = arith.constant 64 : index
        %get3A_142 = tpu.vector_load %arg18[%get3A_140, %get3A_141] {strides = array<i32>} : memref<80x128xf32, #tpu.memory_space<vmem>>, vector<16xf32>,
        %get3A_143 = arith.index_cast %scan3A_101 : i32 to index
        %get3A_144 = arith.constant 64 : index
        %get3A_145 = tpu.vector_load %arg19[%get3A_143, %get3A_144] {strides = array<i32>} : memref<80x128xf32, #tpu.memory_space<vmem>>, vector<16xf32>,
        %add3A_146 = arith.addf %get3A_142, %get3A_145 : vector<16xf32>
        %swap3A_147 = arith.index_cast %scan3A_101 : i32 to index
        %swap3A_148 = arith.constant 64 : index
        %swap3A_149 = tpu.vector_load %arg18[%swap3A_147, %swap3A_148] {strides = array<i32>} : memref<80x128xf32, #tpu.memory_space<vmem>>, vector<16xf32>,
        tpu.vector_store %arg18[%swap3A_147, %swap3A_148], %add3A_146 {strides = array<i32>} : memref<80x128xf32, #tpu.memory_space<vmem>>, vector<16xf32>,
        %get3A_150 = arith.index_cast %scan3A_101 : i32 to index
        %get3A_151 = arith.constant 80 : index
        %get3A_152 = tpu.vector_load %arg18[%get3A_150, %get3A_151] {strides = array<i32>} : memref<80x128xf32, #tpu.memory_space<vmem>>, vector<16xf32>,
        %get3A_153 = arith.index_cast %scan3A_101 : i32 to index
        %get3A_154 = arith.constant 80 : index
        %get3A_155 = tpu.vector_load %arg19[%get3A_153, %get3A_154] {strides = array<i32>} : memref<80x128xf32, #tpu.memory_space<vmem>>, vector<16xf32>,
        %add3A_156 = arith.addf %get3A_152, %get3A_155 : vector<16xf32>
        %swap3A_157 = arith.index_cast %scan3A_101 : i32 to index
        %swap3A_158 = arith.constant 80 : index
        %swap3A_159 = tpu.vector_load %arg18[%swap3A_157, %swap3A_158] {strides = array<i32>} : memref<80x128xf32, #tpu.memory_space<vmem>>, vector<16xf32>,
        tpu.vector_store %arg18[%swap3A_157, %swap3A_158], %add3A_156 {strides = array<i32>} : memref<80x128xf32, #tpu.memory_space<vmem>>, vector<16xf32>,
        %get3A_160 = arith.index_cast %scan3A_101 : i32 to index
        %get3A_161 = arith.constant 96 : index
        %get3A_162 = tpu.vector_load %arg18[%get3A_160, %get3A_161] {strides = array<i32>} : memref<80x128xf32, #tpu.memory_space<vmem>>, vector<16xf32>,
        %get3A_163 = arith.index_cast %scan3A_101 : i32 to index
        %get3A_164 = arith.constant 96 : index
        %get3A_165 = tpu.vector_load %arg19[%get3A_163, %get3A_164] {strides = array<i32>} : memref<80x128xf32, #tpu.memory_space<vmem>>, vector<16xf32>,
        %add3A_166 = arith.addf %get3A_162, %get3A_165 : vector<16xf32>
        %swap3A_167 = arith.index_cast %scan3A_101 : i32 to index
        %swap3A_168 = arith.constant 96 : index
        %swap3A_169 = tpu.vector_load %arg18[%swap3A_167, %swap3A_168] {strides = array<i32>} : memref<80x128xf32, #tpu.memory_space<vmem>>, vector<16xf32>,
        tpu.vector_store %arg18[%swap3A_167, %swap3A_168], %add3A_166 {strides = array<i32>} : memref<80x128xf32, #tpu.memory_space<vmem>>, vector<16xf32>,
        %get3A_170 = arith.index_cast %scan3A_101 : i32 to index
        %get3A_171 = arith.constant 112 : index
        %get3A_172 = tpu.vector_load %arg18[%get3A_170, %get3A_171] {strides = array<i32>} : memref<80x128xf32, #tpu.memory_space<vmem>>, vector<16xf32>,
        %get3A_173 = arith.index_cast %scan3A_101 : i32 to index
        %get3A_174 = arith.constant 112 : index
        %get3A_175 = tpu.vector_load %arg19[%get3A_173, %get3A_174] {strides = array<i32>} : memref<80x128xf32, #tpu.memory_space<vmem>>, vector<16xf32>,
        %add3A_176 = arith.addf %get3A_172, %get3A_175 : vector<16xf32>
        %swap3A_177 = arith.index_cast %scan3A_101 : i32 to index
        %swap3A_178 = arith.constant 112 : index
        %swap3A_179 = tpu.vector_load %arg18[%swap3A_177, %swap3A_178] {strides = array<i32>} : memref<80x128xf32, #tpu.memory_space<vmem>>, vector<16xf32>,
        tpu.vector_store %arg18[%swap3A_177, %swap3A_178], %add3A_176 {strides = array<i32>} : memref<80x128xf32, #tpu.memory_space<vmem>>, vector<16xf32>,
      }
      %scan3A_54 = arith.constant 80 : i32
      %mul3A_55 = arith.constant 80 : i32
      %mul3A_56 = arith.muli %add3A_30, %mul3A_55 : i32
      %add3A_57 = arith.addi %mul3A_2, %mul3A_56 : i32
      %dma_start3A_58 = arith.constant 0 : i32
      %dma_start3A_59 = tpu.memref_slice %arg9[%add3A_57, %dma_start3A_58] : memref<327680x128xf32, #tpu.memory_space<hbm>> -> memref<80x128xf32, #tpu.memory_space<hbm>>
      %dma_start3A_60 = arith.constant 0 : i32
      %dma_start3A_61 = tpu.memref_slice %arg9[%add3A_57, %dma_start3A_60] : memref<327680x128xf32, #tpu.memory_space<hbm>> -> memref<80x128xf32, #tpu.memory_space<hbm>>
      tpu.enqueue_dma source(%arg18 : memref<80x128xf32, #tpu.memory_space<vmem>>) target(%dma_start3A_61 : memref<80x128xf32, #tpu.memory_space<hbm>>) target_semaphore(%arg27 : memref<!tpu.dma_semaphore, #tpu.memory_space<semaphore_mem>>)
      %mul3A_62 = arith.constant 2 : i32
      %mul3A_63 = arith.muli %mul3A_62, %scan3A_26 : i32
      %add3A_64 = arith.constant 1 : i32
      %add3A_65 = arith.addi %mul3A_63, %add3A_64 : i32
      %ge3A_66 = arith.constant 1 : i32
      %ge3A_67 = arith.cmpi sge, %add3A_65, %ge3A_66 : i32
      %convert_element_type3A_68 = arith.extui %ge3A_67 : i1 to i32
      %cond3A_69 = arith.constant 0 : i32
      %cond3A_70 = arith.cmpi ne, %convert_element_type3A_68, %cond3A_69 : i32
      scf.if %cond3A_70 {
        %dma_wait3A_101 = arith.constant 0 : i32
        %dma_wait3A_102 = tpu.memref_slice %arg9[%mul3A_2, %dma_wait3A_101] : memref<327680x128xf32, #tpu.memory_space<hbm>> -> memref<80x128xf32, #tpu.memory_space<hbm>>
        %dma_wait3A_103 = arith.constant 0 : i32
        %dma_wait3A_104 = tpu.memref_slice %arg9[%mul3A_2, %dma_wait3A_103] : memref<327680x128xf32, #tpu.memory_space<hbm>> -> memref<80x128xf32, #tpu.memory_space<hbm>>
        tpu.wait_dma2 semaphore(%arg27 : memref<!tpu.dma_semaphore, #tpu.memory_space<semaphore_mem>>) src(%arg18 : memref<80x128xf32, #tpu.memory_space<vmem>>) dst(%dma_wait3A_104 : memref<80x128xf32, #tpu.memory_space<hbm>>)
      } else {
      }
      %lt3A_71 = arith.constant 127 : i32
      %lt3A_72 = arith.cmpi slt, %add3A_65, %lt3A_71 : i32
      %convert_element_type3A_73 = arith.extui %lt3A_72 : i1 to i32
      %cond3A_74 = arith.constant 0 : i32
      %cond3A_75 = arith.cmpi ne, %convert_element_type3A_73, %cond3A_74 : i32
      scf.if %cond3A_75 {
        %add3A_101 = arith.constant 1 : i32
        %add3A_102 = arith.addi %add3A_65, %add3A_101 : i32
        %mul3A_103 = arith.constant 80 : i32
        %mul3A_104 = arith.muli %add3A_102, %mul3A_103 : i32
        %dma_start3A_105 = tpu.memref_slice %arg13[%mul3A_104] : memref<10240xi32, #tpu.memory_space<vmem>> -> memref<80xi32, #tpu.memory_space<vmem>>
        %dma_start3A_106 = arith.constant 0 : i32
        %dma_start3A_107 = arith.constant 0 : i32
        %dma_start3A_108 = tpu.memref_slice %arg2[%dma_start3A_106, %dma_start3A_107] : memref<10000x128xf32, #tpu.memory_space<hbm>> -> memref<10000x128xf32, #tpu.memory_space<hbm>>
        tpu.enqueue_indirect_dma source(%dma_start3A_108 : memref<10000x128xf32, #tpu.memory_space<hbm>>) target(%arg18 : memref<80x128xf32, #tpu.memory_space<vmem>>) offsets(%dma_start3A_105 : memref<80xi32, #tpu.memory_space<vmem>>) semaphore(%arg25 : memref<!tpu.dma_semaphore, #tpu.memory_space<semaphore_mem>>)
        %dma_start3A_109 = tpu.memref_slice %arg14[%mul3A_104] : memref<10240xi32, #tpu.memory_space<vmem>> -> memref<80xi32, #tpu.memory_space<vmem>>
        %dma_start3A_110 = arith.constant 0 : i32
        %dma_start3A_111 = arith.constant 0 : i32
        %dma_start3A_112 = tpu.memref_slice %arg3[%dma_start3A_110, %dma_start3A_111] : memref<10000x128xf32, #tpu.memory_space<hbm>> -> memref<10000x128xf32, #tpu.memory_space<hbm>>
        tpu.enqueue_indirect_dma source(%dma_start3A_112 : memref<10000x128xf32, #tpu.memory_space<hbm>>) target(%arg19 : memref<80x128xf32, #tpu.memory_space<vmem>>) offsets(%dma_start3A_109 : memref<80xi32, #tpu.memory_space<vmem>>) semaphore(%arg25 : memref<!tpu.dma_semaphore, #tpu.memory_space<semaphore_mem>>)
      } else {
      }
      %mul3A_76 = arith.constant 80 : i32
      %mul3A_77 = arith.muli %add3A_65, %mul3A_76 : i32
      %dma_wait3A_78 = tpu.memref_slice %arg13[%mul3A_77] : memref<10240xi32, #tpu.memory_space<vmem>> -> memref<80xi32, #tpu.memory_space<vmem>>
      %dma_wait3A_79 = arith.constant 0 : i32
      %dma_wait3A_80 = arith.constant 0 : i32
      %dma_wait3A_81 = tpu.memref_slice %arg2[%dma_wait3A_79, %dma_wait3A_80] : memref<10000x128xf32, #tpu.memory_space<hbm>> -> memref<10000x128xf32, #tpu.memory_space<hbm>>
      tpu.wait_indirect_dma semaphore(%arg26 : memref<!tpu.dma_semaphore, #tpu.memory_space<semaphore_mem>>) src(%dma_wait3A_81 : memref<10000x128xf32, #tpu.memory_space<hbm>>) dst(%arg20 : memref<80x128xf32, #tpu.memory_space<vmem>>)
      %mul3A_82 = arith.constant 80 : i32
      %mul3A_83 = arith.muli %add3A_65, %mul3A_82 : i32
      %dma_wait3A_84 = tpu.memref_slice %arg14[%mul3A_83] : memref<10240xi32, #tpu.memory_space<vmem>> -> memref<80xi32, #tpu.memory_space<vmem>>
      %dma_wait3A_85 = arith.constant 0 : i32
      %dma_wait3A_86 = arith.constant 0 : i32
      %dma_wait3A_87 = tpu.memref_slice %arg3[%dma_wait3A_85, %dma_wait3A_86] : memref<10000x128xf32, #tpu.memory_space<hbm>> -> memref<10000x128xf32, #tpu.memory_space<hbm>>
      tpu.wait_indirect_dma semaphore(%arg26 : memref<!tpu.dma_semaphore, #tpu.memory_space<semaphore_mem>>) src(%dma_wait3A_87 : memref<10000x128xf32, #tpu.memory_space<hbm>>) dst(%arg21 : memref<80x128xf32, #tpu.memory_space<vmem>>)
      %scan3A_88 = arith.constant 0 : i32
      %scan3A_89 = arith.constant 0 : i32
      %scan3A_90 = arith.constant 80 : i32
      %scan3A_91 = arith.addi %scan3A_89, %scan3A_90 : i32
      %scan3A_92 = arith.constant 1 : i32
      scf.for %scan3A_101 = %scan3A_89 to %scan3A_91 step %scan3A_92  : i32 {
        %get3A = arith.index_cast %scan3A_101 : i32 to index
        %get3A_102 = arith.constant 0 : index
        %get3A_103 = tpu.vector_load %arg20[%get3A, %get3A_102] {strides = array<i32>} : memref<80x128xf32, #tpu.memory_space<vmem>>, vector<16xf32>,
        %get3A_104 = arith.index_cast %scan3A_101 : i32 to index
        %get3A_105 = arith.constant 0 : index
        %get3A_106 = tpu.vector_load %arg21[%get3A_104, %get3A_105] {strides = array<i32>} : memref<80x128xf32, #tpu.memory_space<vmem>>, vector<16xf32>,
        %add3A_107 = arith.addf %get3A_103, %get3A_106 : vector<16xf32>
        %swap3A = arith.index_cast %scan3A_101 : i32 to index
        %swap3A_108 = arith.constant 0 : index
        %swap3A_109 = tpu.vector_load %arg20[%swap3A, %swap3A_108] {strides = array<i32>} : memref<80x128xf32, #tpu.memory_space<vmem>>, vector<16xf32>,
        tpu.vector_store %arg20[%swap3A, %swap3A_108], %add3A_107 {strides = array<i32>} : memref<80x128xf32, #tpu.memory_space<vmem>>, vector<16xf32>,
        %get3A_110 = arith.index_cast %scan3A_101 : i32 to index
        %get3A_111 = arith.constant 16 : index
        %get3A_112 = tpu.vector_load %arg20[%get3A_110, %get3A_111] {strides = array<i32>} : memref<80x128xf32, #tpu.memory_space<vmem>>, vector<16xf32>,
        %get3A_113 = arith.index_cast %scan3A_101 : i32 to index
        %get3A_114 = arith.constant 16 : index
        %get3A_115 = tpu.vector_load %arg21[%get3A_113, %get3A_114] {strides = array<i32>} : memref<80x128xf32, #tpu.memory_space<vmem>>, vector<16xf32>,
        %add3A_116 = arith.addf %get3A_112, %get3A_115 : vector<16xf32>
        %swap3A_117 = arith.index_cast %scan3A_101 : i32 to index
        %swap3A_118 = arith.constant 16 : index
        %swap3A_119 = tpu.vector_load %arg20[%swap3A_117, %swap3A_118] {strides = array<i32>} : memref<80x128xf32, #tpu.memory_space<vmem>>, vector<16xf32>,
        tpu.vector_store %arg20[%swap3A_117, %swap3A_118], %add3A_116 {strides = array<i32>} : memref<80x128xf32, #tpu.memory_space<vmem>>, vector<16xf32>,
        %get3A_120 = arith.index_cast %scan3A_101 : i32 to index
        %get3A_121 = arith.constant 32 : index
        %get3A_122 = tpu.vector_load %arg20[%get3A_120, %get3A_121] {strides = array<i32>} : memref<80x128xf32, #tpu.memory_space<vmem>>, vector<16xf32>,
        %get3A_123 = arith.index_cast %scan3A_101 : i32 to index
        %get3A_124 = arith.constant 32 : index
        %get3A_125 = tpu.vector_load %arg21[%get3A_123, %get3A_124] {strides = array<i32>} : memref<80x128xf32, #tpu.memory_space<vmem>>, vector<16xf32>,
        %add3A_126 = arith.addf %get3A_122, %get3A_125 : vector<16xf32>
        %swap3A_127 = arith.index_cast %scan3A_101 : i32 to index
        %swap3A_128 = arith.constant 32 : index
        %swap3A_129 = tpu.vector_load %arg20[%swap3A_127, %swap3A_128] {strides = array<i32>} : memref<80x128xf32, #tpu.memory_space<vmem>>, vector<16xf32>,
        tpu.vector_store %arg20[%swap3A_127, %swap3A_128], %add3A_126 {strides = array<i32>} : memref<80x128xf32, #tpu.memory_space<vmem>>, vector<16xf32>,
        %get3A_130 = arith.index_cast %scan3A_101 : i32 to index
        %get3A_131 = arith.constant 48 : index
        %get3A_132 = tpu.vector_load %arg20[%get3A_130, %get3A_131] {strides = array<i32>} : memref<80x128xf32, #tpu.memory_space<vmem>>, vector<16xf32>,
        %get3A_133 = arith.index_cast %scan3A_101 : i32 to index
        %get3A_134 = arith.constant 48 : index
        %get3A_135 = tpu.vector_load %arg21[%get3A_133, %get3A_134] {strides = array<i32>} : memref<80x128xf32, #tpu.memory_space<vmem>>, vector<16xf32>,
        %add3A_136 = arith.addf %get3A_132, %get3A_135 : vector<16xf32>
        %swap3A_137 = arith.index_cast %scan3A_101 : i32 to index
        %swap3A_138 = arith.constant 48 : index
        %swap3A_139 = tpu.vector_load %arg20[%swap3A_137, %swap3A_138] {strides = array<i32>} : memref<80x128xf32, #tpu.memory_space<vmem>>, vector<16xf32>,
        tpu.vector_store %arg20[%swap3A_137, %swap3A_138], %add3A_136 {strides = array<i32>} : memref<80x128xf32, #tpu.memory_space<vmem>>, vector<16xf32>,
        %get3A_140 = arith.index_cast %scan3A_101 : i32 to index
        %get3A_141 = arith.constant 64 : index
        %get3A_142 = tpu.vector_load %arg20[%get3A_140, %get3A_141] {strides = array<i32>} : memref<80x128xf32, #tpu.memory_space<vmem>>, vector<16xf32>,
        %get3A_143 = arith.index_cast %scan3A_101 : i32 to index
        %get3A_144 = arith.constant 64 : index
        %get3A_145 = tpu.vector_load %arg21[%get3A_143, %get3A_144] {strides = array<i32>} : memref<80x128xf32, #tpu.memory_space<vmem>>, vector<16xf32>,
        %add3A_146 = arith.addf %get3A_142, %get3A_145 : vector<16xf32>
        %swap3A_147 = arith.index_cast %scan3A_101 : i32 to index
        %swap3A_148 = arith.constant 64 : index
        %swap3A_149 = tpu.vector_load %arg20[%swap3A_147, %swap3A_148] {strides = array<i32>} : memref<80x128xf32, #tpu.memory_space<vmem>>, vector<16xf32>,
        tpu.vector_store %arg20[%swap3A_147, %swap3A_148], %add3A_146 {strides = array<i32>} : memref<80x128xf32, #tpu.memory_space<vmem>>, vector<16xf32>,
        %get3A_150 = arith.index_cast %scan3A_101 : i32 to index
        %get3A_151 = arith.constant 80 : index
        %get3A_152 = tpu.vector_load %arg20[%get3A_150, %get3A_151] {strides = array<i32>} : memref<80x128xf32, #tpu.memory_space<vmem>>, vector<16xf32>,
        %get3A_153 = arith.index_cast %scan3A_101 : i32 to index
        %get3A_154 = arith.constant 80 : index
        %get3A_155 = tpu.vector_load %arg21[%get3A_153, %get3A_154] {strides = array<i32>} : memref<80x128xf32, #tpu.memory_space<vmem>>, vector<16xf32>,
        %add3A_156 = arith.addf %get3A_152, %get3A_155 : vector<16xf32>
        %swap3A_157 = arith.index_cast %scan3A_101 : i32 to index
        %swap3A_158 = arith.constant 80 : index
        %swap3A_159 = tpu.vector_load %arg20[%swap3A_157, %swap3A_158] {strides = array<i32>} : memref<80x128xf32, #tpu.memory_space<vmem>>, vector<16xf32>,
        tpu.vector_store %arg20[%swap3A_157, %swap3A_158], %add3A_156 {strides = array<i32>} : memref<80x128xf32, #tpu.memory_space<vmem>>, vector<16xf32>,
        %get3A_160 = arith.index_cast %scan3A_101 : i32 to index
        %get3A_161 = arith.constant 96 : index
        %get3A_162 = tpu.vector_load %arg20[%get3A_160, %get3A_161] {strides = array<i32>} : memref<80x128xf32, #tpu.memory_space<vmem>>, vector<16xf32>,
        %get3A_163 = arith.index_cast %scan3A_101 : i32 to index
        %get3A_164 = arith.constant 96 : index
        %get3A_165 = tpu.vector_load %arg21[%get3A_163, %get3A_164] {strides = array<i32>} : memref<80x128xf32, #tpu.memory_space<vmem>>, vector<16xf32>,
        %add3A_166 = arith.addf %get3A_162, %get3A_165 : vector<16xf32>
        %swap3A_167 = arith.index_cast %scan3A_101 : i32 to index
        %swap3A_168 = arith.constant 96 : index
        %swap3A_169 = tpu.vector_load %arg20[%swap3A_167, %swap3A_168] {strides = array<i32>} : memref<80x128xf32, #tpu.memory_space<vmem>>, vector<16xf32>,
        tpu.vector_store %arg20[%swap3A_167, %swap3A_168], %add3A_166 {strides = array<i32>} : memref<80x128xf32, #tpu.memory_space<vmem>>, vector<16xf32>,
        %get3A_170 = arith.index_cast %scan3A_101 : i32 to index
        %get3A_171 = arith.constant 112 : index
        %get3A_172 = tpu.vector_load %arg20[%get3A_170, %get3A_171] {strides = array<i32>} : memref<80x128xf32, #tpu.memory_space<vmem>>, vector<16xf32>,
        %get3A_173 = arith.index_cast %scan3A_101 : i32 to index
        %get3A_174 = arith.constant 112 : index
        %get3A_175 = tpu.vector_load %arg21[%get3A_173, %get3A_174] {strides = array<i32>} : memref<80x128xf32, #tpu.memory_space<vmem>>, vector<16xf32>,
        %add3A_176 = arith.addf %get3A_172, %get3A_175 : vector<16xf32>
        %swap3A_177 = arith.index_cast %scan3A_101 : i32 to index
        %swap3A_178 = arith.constant 112 : index
        %swap3A_179 = tpu.vector_load %arg20[%swap3A_177, %swap3A_178] {strides = array<i32>} : memref<80x128xf32, #tpu.memory_space<vmem>>, vector<16xf32>,
        tpu.vector_store %arg20[%swap3A_177, %swap3A_178], %add3A_176 {strides = array<i32>} : memref<80x128xf32, #tpu.memory_space<vmem>>, vector<16xf32>,
      }
      %scan3A_93 = arith.constant 80 : i32
      %mul3A_94 = arith.constant 80 : i32
      %mul3A_95 = arith.muli %add3A_65, %mul3A_94 : i32
      %add3A_96 = arith.addi %mul3A_2, %mul3A_95 : i32
      %dma_start3A_97 = arith.constant 0 : i32
      %dma_start3A_98 = tpu.memref_slice %arg9[%add3A_96, %dma_start3A_97] : memref<327680x128xf32, #tpu.memory_space<hbm>> -> memref<80x128xf32, #tpu.memory_space<hbm>>
      %dma_start3A_99 = arith.constant 0 : i32
      %dma_start3A_100 = tpu.memref_slice %arg9[%add3A_96, %dma_start3A_99] : memref<327680x128xf32, #tpu.memory_space<hbm>> -> memref<80x128xf32, #tpu.memory_space<hbm>>
      tpu.enqueue_dma source(%arg20 : memref<80x128xf32, #tpu.memory_space<vmem>>) target(%dma_start3A_100 : memref<80x128xf32, #tpu.memory_space<hbm>>) target_semaphore(%arg28 : memref<!tpu.dma_semaphore, #tpu.memory_space<semaphore_mem>>)
    }
    %scan3A_22 = arith.constant 64 : i32
    %dma_wait3A = arith.constant 0 : i32
    %dma_wait3A_23 = tpu.memref_slice %arg9[%mul3A_2, %dma_wait3A] : memref<327680x128xf32, #tpu.memory_space<hbm>> -> memref<80x128xf32, #tpu.memory_space<hbm>>
    %dma_wait3A_24 = arith.constant 0 : i32
    %dma_wait3A_25 = tpu.memref_slice %arg9[%mul3A_2, %dma_wait3A_24] : memref<327680x128xf32, #tpu.memory_space<hbm>> -> memref<80x128xf32, #tpu.memory_space<hbm>>
    tpu.wait_dma2 semaphore(%arg28 : memref<!tpu.dma_semaphore, #tpu.memory_space<semaphore_mem>>) src(%arg20 : memref<80x128xf32, #tpu.memory_space<vmem>>) dst(%dma_wait3A_25 : memref<80x128xf32, #tpu.memory_space<hbm>>)
    return
  }
}

#map = affine_map<(d0, d1) -> (0, 0)>
#map1 = affine_map<(d0, d1) -> (0, 0, 0)>
module attributes {stable_mosaic.version = 14 : i64} {
  func.func @_scatter_agg_body(%arg0: i32, %arg1: i32, %arg2: memref<327680x128xf32, #tpu.memory_space<hbm>>, %arg3: memref<32x80x128xi32, #tpu.memory_space<hbm>>, %arg4: memref<10240x128xf32, #tpu.memory_space<hbm>>, %arg5: memref<2x10240x128xf32, #tpu.memory_space<hbm>>, %arg6: memref<80x128xi32, #tpu.memory_space<vmem>>, %arg7: memref<128x128xf32, #tpu.memory_space<vmem>>, %arg8: memref<128x128xf32, #tpu.memory_space<vmem>>, %arg9: memref<10240x128xf32, #tpu.memory_space<vmem_shared>>, %arg10: memref<!tpu.dma_semaphore, #tpu.memory_space<semaphore_mem>>, %arg11: memref<!tpu.dma_semaphore, #tpu.memory_space<semaphore_mem>>) attributes {dimension_semantics = [#tpu.dimension_semantics<core_parallel>, #tpu.dimension_semantics<subcore_parallel>], iteration_bounds = array<i64: 2, 16>, scalar_prefetch = 0 : i64, scratch_operands = 6 : i64, tpu.core_type = #tpu.core_type<sc_vector_subcore>, window_params = [{transform_indices = #map}, {transform_indices = #map1}, {transform_indices = #map}, {transform_indices = #map1}]} {
    %mul3A = arith.constant 2 : i32
    %mul3A_0 = arith.muli %arg1, %mul3A : i32
    %add3A = arith.addi %mul3A_0, %arg0 : i32
    %mul3A_1 = arith.constant 10240 : i32
    %mul3A_2 = arith.muli %add3A, %mul3A_1 : i32
    %mul3A_3 = arith.constant 640 : i32
    %mul3A_4 = arith.muli %arg1, %mul3A_3 : i32
    %mul3A_5 = arith.constant 640 : i32
    %mul3A_6 = arith.muli %arg1, %mul3A_5 : i32
    "tpu.region"() ({
      %run_scoped3A = tpu.sem_alloc : memref<!tpu.dma_semaphore, #tpu.memory_space<semaphore_mem>>
      %dma_start3A_20 = arith.constant 0 : i32
      %dma_start3A_21 = tpu.memref_slice %arg9[%mul3A_6, %dma_start3A_20] : memref<10240x128xf32, #tpu.memory_space<vmem_shared>> -> memref<640x128xf32, #tpu.memory_space<vmem_shared>>
      %dma_start3A_22 = arith.constant 0 : i32
      %dma_start3A_23 = tpu.memref_slice %arg4[%mul3A_4, %dma_start3A_22] : memref<10240x128xf32, #tpu.memory_space<hbm>> -> memref<640x128xf32, #tpu.memory_space<hbm>>
      tpu.enqueue_dma source(%dma_start3A_23 : memref<640x128xf32, #tpu.memory_space<hbm>>) target(%dma_start3A_21 : memref<640x128xf32, #tpu.memory_space<vmem_shared>>) target_semaphore(%run_scoped3A : memref<!tpu.dma_semaphore, #tpu.memory_space<semaphore_mem>>)
      %dma_wait3A = arith.constant 0 : i32
      %dma_wait3A_24 = tpu.memref_slice %arg9[%mul3A_6, %dma_wait3A] : memref<10240x128xf32, #tpu.memory_space<vmem_shared>> -> memref<640x128xf32, #tpu.memory_space<vmem_shared>>
      %dma_wait3A_25 = arith.constant 0 : i32
      %dma_wait3A_26 = tpu.memref_slice %arg4[%mul3A_4, %dma_wait3A_25] : memref<10240x128xf32, #tpu.memory_space<hbm>> -> memref<640x128xf32, #tpu.memory_space<hbm>>
      tpu.wait_dma2 semaphore(%run_scoped3A : memref<!tpu.dma_semaphore, #tpu.memory_space<semaphore_mem>>) src(%dma_wait3A_26 : memref<640x128xf32, #tpu.memory_space<hbm>>) dst(%dma_wait3A_24 : memref<640x128xf32, #tpu.memory_space<vmem_shared>>)
      tpu.yield
    }) : () -> ()
    "tpu.region"() ({
      %run_scoped3A = tpu.sem_alloc : memref<!tpu.dma_semaphore, #tpu.memory_space<semaphore_mem>>
      %dma_start3A_20 = arith.constant 0 : i32
      %dma_start3A_21 = arith.constant 0 : i32
      %dma_start3A_22 = tpu.memref_slice %arg3[%add3A, %dma_start3A_20, %dma_start3A_21] : memref<32x80x128xi32, #tpu.memory_space<hbm>> -> memref<1x80x128xi32, #tpu.memory_space<hbm>>
      %dma_start3A_23 = tpu.memref_squeeze %dma_start3A_22 : memref<1x80x128xi32, #tpu.memory_space<hbm>> -> memref<80x128xi32, #tpu.memory_space<hbm>>
      %dma_start3A_24 = arith.constant 0 : i32
      %dma_start3A_25 = arith.constant 0 : i32
      %dma_start3A_26 = tpu.memref_slice %arg3[%add3A, %dma_start3A_24, %dma_start3A_25] : memref<32x80x128xi32, #tpu.memory_space<hbm>> -> memref<1x80x128xi32, #tpu.memory_space<hbm>>
      %dma_start3A_27 = tpu.memref_squeeze %dma_start3A_26 : memref<1x80x128xi32, #tpu.memory_space<hbm>> -> memref<80x128xi32, #tpu.memory_space<hbm>>
      tpu.enqueue_dma source(%dma_start3A_27 : memref<80x128xi32, #tpu.memory_space<hbm>>) target(%arg6 : memref<80x128xi32, #tpu.memory_space<vmem>>) target_semaphore(%run_scoped3A : memref<!tpu.dma_semaphore, #tpu.memory_space<semaphore_mem>>)
      %dma_wait3A = arith.constant 0 : i32
      %dma_wait3A_28 = arith.constant 0 : i32
      %dma_wait3A_29 = tpu.memref_slice %arg3[%add3A, %dma_wait3A, %dma_wait3A_28] : memref<32x80x128xi32, #tpu.memory_space<hbm>> -> memref<1x80x128xi32, #tpu.memory_space<hbm>>
      %dma_wait3A_30 = tpu.memref_squeeze %dma_wait3A_29 : memref<1x80x128xi32, #tpu.memory_space<hbm>> -> memref<80x128xi32, #tpu.memory_space<hbm>>
      %dma_wait3A_31 = arith.constant 0 : i32
      %dma_wait3A_32 = arith.constant 0 : i32
      %dma_wait3A_33 = tpu.memref_slice %arg3[%add3A, %dma_wait3A_31, %dma_wait3A_32] : memref<32x80x128xi32, #tpu.memory_space<hbm>> -> memref<1x80x128xi32, #tpu.memory_space<hbm>>
      %dma_wait3A_34 = tpu.memref_squeeze %dma_wait3A_33 : memref<1x80x128xi32, #tpu.memory_space<hbm>> -> memref<80x128xi32, #tpu.memory_space<hbm>>
      tpu.wait_dma2 semaphore(%run_scoped3A : memref<!tpu.dma_semaphore, #tpu.memory_space<semaphore_mem>>) src(%dma_wait3A_34 : memref<80x128xi32, #tpu.memory_space<hbm>>) dst(%arg6 : memref<80x128xi32, #tpu.memory_space<vmem>>)
      tpu.yield
    }) : () -> ()
    %barrier3A = arith.constant 0 : index
    tpu.barrier barrier_id(%barrier3A)
    %dma_start3A = arith.constant 0 : i32
    %dma_start3A_7 = tpu.memref_slice %arg2[%mul3A_2, %dma_start3A] : memref<327680x128xf32, #tpu.memory_space<hbm>> -> memref<128x128xf32, #tpu.memory_space<hbm>>
    %dma_start3A_8 = arith.constant 0 : i32
    %dma_start3A_9 = tpu.memref_slice %arg2[%mul3A_2, %dma_start3A_8] : memref<327680x128xf32, #tpu.memory_space<hbm>> -> memref<128x128xf32, #tpu.memory_space<hbm>>
    tpu.enqueue_dma source(%dma_start3A_9 : memref<128x128xf32, #tpu.memory_space<hbm>>) target(%arg7 : memref<128x128xf32, #tpu.memory_space<vmem>>) target_semaphore(%arg10 : memref<!tpu.dma_semaphore, #tpu.memory_space<semaphore_mem>>)
    %scan3A = arith.constant 0 : i32
    %scan3A_10 = arith.constant 0 : i32
    %scan3A_11 = arith.constant 40 : i32
    %scan3A_12 = arith.addi %scan3A_10, %scan3A_11 : i32
    %scan3A_13 = arith.constant 1 : i32
    scf.for %scan3A_20 = %scan3A_10 to %scan3A_12 step %scan3A_13  : i32 {
      %mul3A_21 = arith.constant 2 : i32
      %mul3A_22 = arith.muli %mul3A_21, %scan3A_20 : i32
      %add3A_23 = arith.constant 0 : i32
      %add3A_24 = arith.addi %mul3A_22, %add3A_23 : i32
      %lt3A = arith.constant 79 : i32
      %lt3A_25 = arith.cmpi slt, %add3A_24, %lt3A : i32
      %convert_element_type3A = arith.extui %lt3A_25 : i1 to i32
      %cond3A = arith.constant 0 : i32
      %cond3A_26 = arith.cmpi ne, %convert_element_type3A, %cond3A : i32
      scf.if %cond3A_26 {
        %add3A_43 = arith.constant 1 : i32
        %add3A_44 = arith.addi %add3A_24, %add3A_43 : i32
        %mul3A_45 = arith.constant 128 : i32
        %mul3A_46 = arith.muli %add3A_44, %mul3A_45 : i32
        %add3A_47 = arith.addi %mul3A_2, %mul3A_46 : i32
        %dma_start3A_48 = arith.constant 0 : i32
        %dma_start3A_49 = tpu.memref_slice %arg2[%add3A_47, %dma_start3A_48] : memref<327680x128xf32, #tpu.memory_space<hbm>> -> memref<128x128xf32, #tpu.memory_space<hbm>>
        %dma_start3A_50 = arith.constant 0 : i32
        %dma_start3A_51 = tpu.memref_slice %arg2[%add3A_47, %dma_start3A_50] : memref<327680x128xf32, #tpu.memory_space<hbm>> -> memref<128x128xf32, #tpu.memory_space<hbm>>
        tpu.enqueue_dma source(%dma_start3A_51 : memref<128x128xf32, #tpu.memory_space<hbm>>) target(%arg8 : memref<128x128xf32, #tpu.memory_space<vmem>>) target_semaphore(%arg11 : memref<!tpu.dma_semaphore, #tpu.memory_space<semaphore_mem>>)
      } else {
      }
      %dma_wait3A = arith.constant 0 : i32
      %dma_wait3A_27 = tpu.memref_slice %arg2[%mul3A_2, %dma_wait3A] : memref<327680x128xf32, #tpu.memory_space<hbm>> -> memref<128x128xf32, #tpu.memory_space<hbm>>
      %dma_wait3A_28 = arith.constant 0 : i32
      %dma_wait3A_29 = tpu.memref_slice %arg2[%mul3A_2, %dma_wait3A_28] : memref<327680x128xf32, #tpu.memory_space<hbm>> -> memref<128x128xf32, #tpu.memory_space<hbm>>
      tpu.wait_dma2 semaphore(%arg10 : memref<!tpu.dma_semaphore, #tpu.memory_space<semaphore_mem>>) src(%dma_wait3A_29 : memref<128x128xf32, #tpu.memory_space<hbm>>) dst(%arg7 : memref<128x128xf32, #tpu.memory_space<vmem>>)
      "tpu.region"() ({
        %run_scoped3A = tpu.sem_alloc : memref<!tpu.dma_semaphore, #tpu.memory_space<semaphore_mem>>
        %dma_start3A_43 = arith.constant 0 : i32
        %dma_start3A_44 = tpu.memref_slice %arg6[%add3A_24, %dma_start3A_43] : memref<80x128xi32, #tpu.memory_space<vmem>> -> memref<1x128xi32, #tpu.memory_space<vmem>>
        %dma_start3A_45 = tpu.memref_squeeze %dma_start3A_44 : memref<1x128xi32, #tpu.memory_space<vmem>> -> memref<128xi32, #tpu.memory_space<vmem>>
        %dma_start3A_46 = arith.constant 0 : i32
        %dma_start3A_47 = arith.constant 0 : i32
        %dma_start3A_48 = tpu.memref_slice %arg9[%dma_start3A_46, %dma_start3A_47] : memref<10240x128xf32, #tpu.memory_space<vmem_shared>> -> memref<10240x128xf32, #tpu.memory_space<vmem_shared>>
        tpu.enqueue_indirect_dma source(%arg7 : memref<128x128xf32, #tpu.memory_space<vmem>>) target(%dma_start3A_48 : memref<10240x128xf32, #tpu.memory_space<vmem_shared>>) offsets(%dma_start3A_45 : memref<128xi32, #tpu.memory_space<vmem>>) semaphore(%run_scoped3A : memref<!tpu.dma_semaphore, #tpu.memory_space<semaphore_mem>>) {add = true}
        %dma_wait3A_49 = arith.constant 0 : i32
        %dma_wait3A_50 = tpu.memref_slice %arg6[%add3A_24, %dma_wait3A_49] : memref<80x128xi32, #tpu.memory_space<vmem>> -> memref<1x128xi32, #tpu.memory_space<vmem>>
        %dma_wait3A_51 = tpu.memref_squeeze %dma_wait3A_50 : memref<1x128xi32, #tpu.memory_space<vmem>> -> memref<128xi32, #tpu.memory_space<vmem>>
        %dma_wait3A_52 = arith.constant 0 : i32
        %dma_wait3A_53 = arith.constant 0 : i32
        %dma_wait3A_54 = tpu.memref_slice %arg9[%dma_wait3A_52, %dma_wait3A_53] : memref<10240x128xf32, #tpu.memory_space<vmem_shared>> -> memref<10240x128xf32, #tpu.memory_space<vmem_shared>>
        tpu.wait_indirect_dma semaphore(%run_scoped3A : memref<!tpu.dma_semaphore, #tpu.memory_space<semaphore_mem>>) src(%arg7 : memref<128x128xf32, #tpu.memory_space<vmem>>) dst(%dma_wait3A_54 : memref<10240x128xf32, #tpu.memory_space<vmem_shared>>)
        tpu.yield
      }) : () -> ()
      %mul3A_30 = arith.constant 2 : i32
      %mul3A_31 = arith.muli %mul3A_30, %scan3A_20 : i32
      %add3A_32 = arith.constant 1 : i32
      %add3A_33 = arith.addi %mul3A_31, %add3A_32 : i32
      %lt3A_34 = arith.constant 79 : i32
      %lt3A_35 = arith.cmpi slt, %add3A_33, %lt3A_34 : i32
      %convert_element_type3A_36 = arith.extui %lt3A_35 : i1 to i32
      %cond3A_37 = arith.constant 0 : i32
      %cond3A_38 = arith.cmpi ne, %convert_element_type3A_36, %cond3A_37 : i32
      scf.if %cond3A_38 {
        %add3A_43 = arith.constant 1 : i32
        %add3A_44 = arith.addi %add3A_33, %add3A_43 : i32
        %mul3A_45 = arith.constant 128 : i32
        %mul3A_46 = arith.muli %add3A_44, %mul3A_45 : i32
        %add3A_47 = arith.addi %mul3A_2, %mul3A_46 : i32
        %dma_start3A_48 = arith.constant 0 : i32
        %dma_start3A_49 = tpu.memref_slice %arg2[%add3A_47, %dma_start3A_48] : memref<327680x128xf32, #tpu.memory_space<hbm>> -> memref<128x128xf32, #tpu.memory_space<hbm>>
        %dma_start3A_50 = arith.constant 0 : i32
        %dma_start3A_51 = tpu.memref_slice %arg2[%add3A_47, %dma_start3A_50] : memref<327680x128xf32, #tpu.memory_space<hbm>> -> memref<128x128xf32, #tpu.memory_space<hbm>>
        tpu.enqueue_dma source(%dma_start3A_51 : memref<128x128xf32, #tpu.memory_space<hbm>>) target(%arg7 : memref<128x128xf32, #tpu.memory_space<vmem>>) target_semaphore(%arg10 : memref<!tpu.dma_semaphore, #tpu.memory_space<semaphore_mem>>)
      } else {
      }
      %dma_wait3A_39 = arith.constant 0 : i32
      %dma_wait3A_40 = tpu.memref_slice %arg2[%mul3A_2, %dma_wait3A_39] : memref<327680x128xf32, #tpu.memory_space<hbm>> -> memref<128x128xf32, #tpu.memory_space<hbm>>
      %dma_wait3A_41 = arith.constant 0 : i32
      %dma_wait3A_42 = tpu.memref_slice %arg2[%mul3A_2, %dma_wait3A_41] : memref<327680x128xf32, #tpu.memory_space<hbm>> -> memref<128x128xf32, #tpu.memory_space<hbm>>
      tpu.wait_dma2 semaphore(%arg11 : memref<!tpu.dma_semaphore, #tpu.memory_space<semaphore_mem>>) src(%dma_wait3A_42 : memref<128x128xf32, #tpu.memory_space<hbm>>) dst(%arg8 : memref<128x128xf32, #tpu.memory_space<vmem>>)
      "tpu.region"() ({
        %run_scoped3A = tpu.sem_alloc : memref<!tpu.dma_semaphore, #tpu.memory_space<semaphore_mem>>
        %dma_start3A_43 = arith.constant 0 : i32
        %dma_start3A_44 = tpu.memref_slice %arg6[%add3A_33, %dma_start3A_43] : memref<80x128xi32, #tpu.memory_space<vmem>> -> memref<1x128xi32, #tpu.memory_space<vmem>>
        %dma_start3A_45 = tpu.memref_squeeze %dma_start3A_44 : memref<1x128xi32, #tpu.memory_space<vmem>> -> memref<128xi32, #tpu.memory_space<vmem>>
        %dma_start3A_46 = arith.constant 0 : i32
        %dma_start3A_47 = arith.constant 0 : i32
        %dma_start3A_48 = tpu.memref_slice %arg9[%dma_start3A_46, %dma_start3A_47] : memref<10240x128xf32, #tpu.memory_space<vmem_shared>> -> memref<10240x128xf32, #tpu.memory_space<vmem_shared>>
        tpu.enqueue_indirect_dma source(%arg8 : memref<128x128xf32, #tpu.memory_space<vmem>>) target(%dma_start3A_48 : memref<10240x128xf32, #tpu.memory_space<vmem_shared>>) offsets(%dma_start3A_45 : memref<128xi32, #tpu.memory_space<vmem>>) semaphore(%run_scoped3A : memref<!tpu.dma_semaphore, #tpu.memory_space<semaphore_mem>>) {add = true}
        %dma_wait3A_49 = arith.constant 0 : i32
        %dma_wait3A_50 = tpu.memref_slice %arg6[%add3A_33, %dma_wait3A_49] : memref<80x128xi32, #tpu.memory_space<vmem>> -> memref<1x128xi32, #tpu.memory_space<vmem>>
        %dma_wait3A_51 = tpu.memref_squeeze %dma_wait3A_50 : memref<1x128xi32, #tpu.memory_space<vmem>> -> memref<128xi32, #tpu.memory_space<vmem>>
        %dma_wait3A_52 = arith.constant 0 : i32
        %dma_wait3A_53 = arith.constant 0 : i32
        %dma_wait3A_54 = tpu.memref_slice %arg9[%dma_wait3A_52, %dma_wait3A_53] : memref<10240x128xf32, #tpu.memory_space<vmem_shared>> -> memref<10240x128xf32, #tpu.memory_space<vmem_shared>>
        tpu.wait_indirect_dma semaphore(%run_scoped3A : memref<!tpu.dma_semaphore, #tpu.memory_space<semaphore_mem>>) src(%arg8 : memref<128x128xf32, #tpu.memory_space<vmem>>) dst(%dma_wait3A_54 : memref<10240x128xf32, #tpu.memory_space<vmem_shared>>)
        tpu.yield
      }) : () -> ()
    }
    %scan3A_14 = arith.constant 40 : i32
    %barrier3A_15 = arith.constant 0 : index
    tpu.barrier barrier_id(%barrier3A_15)
    %mul3A_16 = arith.constant 640 : i32
    %mul3A_17 = arith.muli %arg1, %mul3A_16 : i32
    %mul3A_18 = arith.constant 640 : i32
    %mul3A_19 = arith.muli %arg1, %mul3A_18 : i32
    "tpu.region"() ({
      %run_scoped3A = tpu.sem_alloc : memref<!tpu.dma_semaphore, #tpu.memory_space<semaphore_mem>>
      %dma_start3A_20 = arith.constant 0 : i32
      %dma_start3A_21 = tpu.memref_slice %arg5[%arg0, %mul3A_19, %dma_start3A_20] : memref<2x10240x128xf32, #tpu.memory_space<hbm>> -> memref<1x640x128xf32, #tpu.memory_space<hbm>>
      %dma_start3A_22 = tpu.memref_squeeze %dma_start3A_21 : memref<1x640x128xf32, #tpu.memory_space<hbm>> -> memref<640x128xf32, #tpu.memory_space<hbm>>
      %dma_start3A_23 = arith.constant 0 : i32
      %dma_start3A_24 = tpu.memref_slice %arg9[%mul3A_17, %dma_start3A_23] : memref<10240x128xf32, #tpu.memory_space<vmem_shared>> -> memref<640x128xf32, #tpu.memory_space<vmem_shared>>
      tpu.enqueue_dma source(%dma_start3A_24 : memref<640x128xf32, #tpu.memory_space<vmem_shared>>) target(%dma_start3A_22 : memref<640x128xf32, #tpu.memory_space<hbm>>) target_semaphore(%run_scoped3A : memref<!tpu.dma_semaphore, #tpu.memory_space<semaphore_mem>>)
      %dma_wait3A = arith.constant 0 : i32
      %dma_wait3A_25 = tpu.memref_slice %arg5[%arg0, %mul3A_19, %dma_wait3A] : memref<2x10240x128xf32, #tpu.memory_space<hbm>> -> memref<1x640x128xf32, #tpu.memory_space<hbm>>
      %dma_wait3A_26 = tpu.memref_squeeze %dma_wait3A_25 : memref<1x640x128xf32, #tpu.memory_space<hbm>> -> memref<640x128xf32, #tpu.memory_space<hbm>>
      %dma_wait3A_27 = arith.constant 0 : i32
      %dma_wait3A_28 = tpu.memref_slice %arg9[%mul3A_17, %dma_wait3A_27] : memref<10240x128xf32, #tpu.memory_space<vmem_shared>> -> memref<640x128xf32, #tpu.memory_space<vmem_shared>>
      tpu.wait_dma2 semaphore(%run_scoped3A : memref<!tpu.dma_semaphore, #tpu.memory_space<semaphore_mem>>) src(%dma_wait3A_28 : memref<640x128xf32, #tpu.memory_space<vmem_shared>>) dst(%dma_wait3A_26 : memref<640x128xf32, #tpu.memory_space<hbm>>)
      tpu.yield
    }) : () -> ()
    return
  }
}

module attributes {stable_mosaic.version = 14 : i64} {
  func.func @_precompute_body(%arg0: i32, %arg1: memref<2000x128xf32, #tpu.memory_space<vmem>>, %arg2: memref<128x128xf32, #tpu.memory_space<vmem>>, %arg3: memref<128x128xf32, #tpu.memory_space<vmem>>, %arg4: memref<2000x128xf32, #tpu.memory_space<vmem>>, %arg5: memref<2000x128xf32, #tpu.memory_space<vmem>>) attributes {dimension_semantics = [#tpu.dimension_semantics<arbitrary>], iteration_bounds = array<i64: 5>, scalar_prefetch = 0 : i64, scratch_operands = 0 : i64, tpu.core_type = #tpu.core_type<tc>, window_params = [{transform_indices = @transform_0, window_bounds = array<i64: 2000, 128>}, {pipeline_mode = #tpu.pipeline_mode<synchronous>, transform_indices = @transform_1, window_bounds = array<i64: 128, 128>}, {pipeline_mode = #tpu.pipeline_mode<synchronous>, transform_indices = @transform_2, window_bounds = array<i64: 128, 128>}, {transform_indices = @transform_3, window_bounds = array<i64: 2000, 128>}, {transform_indices = @transform_4, window_bounds = array<i64: 2000, 128>}]} {
    %get3A = arith.constant 0 : index
    %get3A_0 = arith.constant 0 : index
    %get3A_1 = vector.load %arg1[%get3A, %get3A_0] : memref<2000x128xf32, #tpu.memory_space<vmem>>, vector<2000x128xf32>
    %get3A_2 = arith.constant 0 : index
    %get3A_3 = arith.constant 0 : index
    %get3A_4 = vector.load %arg2[%get3A_2, %get3A_3] : memref<128x128xf32, #tpu.memory_space<vmem>>, vector<128x128xf32>
    %dot_general3A = arith.constant dense<0.000000e+00> : vector<2000x128xf32>
    %dot_general3A_5 = tpu.matmul %get3A_1, %get3A_4, %dot_general3A {dimension_numbers = #tpu.dot_dimension_numbers<[1], [0], [0], [1], [0, 0, 1, 1], [], []>, transpose_lhs_hint = false} : vector<2000x128xf32>, vector<128x128xf32>, vector<2000x128xf32> -> vector<2000x128xf32>
    %swap3A = arith.constant 0 : index
    %swap3A_6 = arith.constant 0 : index
    %swap3A_7 = vector.load %arg4[%swap3A, %swap3A_6] : memref<2000x128xf32, #tpu.memory_space<vmem>>, vector<2000x128xf32>
    tpu.vector_store %arg4[%swap3A, %swap3A_6], %dot_general3A_5 {strides = array<i32>} : memref<2000x128xf32, #tpu.memory_space<vmem>>, vector<2000x128xf32>,
    %get3A_8 = arith.constant 0 : index
    %get3A_9 = arith.constant 0 : index
    %get3A_10 = vector.load %arg3[%get3A_8, %get3A_9] : memref<128x128xf32, #tpu.memory_space<vmem>>, vector<128x128xf32>
    %dot_general3A_11 = arith.constant dense<0.000000e+00> : vector<2000x128xf32>
    %dot_general3A_12 = tpu.matmul %get3A_1, %get3A_10, %dot_general3A_11 {dimension_numbers = #tpu.dot_dimension_numbers<[1], [0], [0], [1], [0, 0, 1, 1], [], []>, transpose_lhs_hint = false} : vector<2000x128xf32>, vector<128x128xf32>, vector<2000x128xf32> -> vector<2000x128xf32>
    %swap3A_13 = arith.constant 0 : index
    %swap3A_14 = arith.constant 0 : index
    %swap3A_15 = vector.load %arg5[%swap3A_13, %swap3A_14] : memref<2000x128xf32, #tpu.memory_space<vmem>>, vector<2000x128xf32>
    tpu.vector_store %arg5[%swap3A_13, %swap3A_14], %dot_general3A_12 {strides = array<i32>} : memref<2000x128xf32, #tpu.memory_space<vmem>>, vector<2000x128xf32>,
    return
  }
  func.func @transform_0(%arg0: i32) -> (i32, i32) {
    %c0_i32 = arith.constant 0 : i32
    %c0_i32_0 = arith.constant 0 : i32
    return %arg0, %c0_i32 : i32, i32
  }
  func.func @transform_1(%arg0: i32) -> (i32, i32) {
    %c0_i32 = arith.constant 0 : i32
    %c0_i32_0 = arith.constant 0 : i32
    %c0_i32_1 = arith.constant 0 : i32
    return %c0_i32, %c0_i32_0 : i32, i32
  }
  func.func @transform_2(%arg0: i32) -> (i32, i32) {
    %c0_i32 = arith.constant 0 : i32
    %c0_i32_0 = arith.constant 0 : i32
    %c0_i32_1 = arith.constant 0 : i32
    return %c0_i32, %c0_i32_0 : i32, i32
  }
  func.func @transform_3(%arg0: i32) -> (i32, i32) {
    %c0_i32 = arith.constant 0 : i32
    %c0_i32_0 = arith.constant 0 : i32
    return %arg0, %c0_i32 : i32, i32
  }
  func.func @transform_4(%arg0: i32) -> (i32, i32) {
    %c0_i32 = arith.constant 0 : i32
    %c0_i32_0 = arith.constant 0 : i32
    return %arg0, %c0_i32 : i32, i32
  }
}

module attributes {stable_mosaic.version = 14 : i64} {
  func.func @_edge_body(%arg0: i32, %arg1: memref<1280x128xf32, #tpu.memory_space<vmem>>, %arg2: memref<1x10x128xf32, #tpu.memory_space<vmem>>, %arg3: memref<1x10x128xf32, #tpu.memory_space<vmem>>, %arg4: memref<1x10x128xf32, #tpu.memory_space<vmem>>, %arg5: memref<1x128xf32, #tpu.memory_space<vmem>>, %arg6: memref<1x128xf32, #tpu.memory_space<vmem>>, %arg7: memref<128x128xf32, #tpu.memory_space<vmem>>, %arg8: memref<1x128xf32, #tpu.memory_space<vmem>>, %arg9: memref<128x128xf32, #tpu.memory_space<vmem>>, %arg10: memref<1x128xf32, #tpu.memory_space<vmem>>, %arg11: memref<1x128xf32, #tpu.memory_space<vmem>>, %arg12: memref<1280x128xf32, #tpu.memory_space<vmem>>, %arg13: memref<1x10x128xf32, #tpu.memory_space<vmem>>) attributes {dimension_semantics = [#tpu.dimension_semantics<arbitrary>], iteration_bounds = array<i64: 256>, scalar_prefetch = 0 : i64, scratch_operands = 0 : i64, tpu.core_type = #tpu.core_type<tc>, window_params = [{transform_indices = @transform_0, window_bounds = array<i64: 1280, 128>}, {transform_indices = @transform_1, window_bounds = array<i64: 1, 10, 128>}, {transform_indices = @transform_2, window_bounds = array<i64: 1, 10, 128>}, {transform_indices = @transform_3, window_bounds = array<i64: 1, 10, 128>}, {pipeline_mode = #tpu.pipeline_mode<synchronous>, transform_indices = @transform_4, window_bounds = array<i64: 1, 128>}, {pipeline_mode = #tpu.pipeline_mode<synchronous>, transform_indices = @transform_5, window_bounds = array<i64: 1, 128>}, {pipeline_mode = #tpu.pipeline_mode<synchronous>, transform_indices = @transform_6, window_bounds = array<i64: 128, 128>}, {pipeline_mode = #tpu.pipeline_mode<synchronous>, transform_indices = @transform_7, window_bounds = array<i64: 1, 128>}, {pipeline_mode = #tpu.pipeline_mode<synchronous>, transform_indices = @transform_8, window_bounds = array<i64: 128, 128>}, {pipeline_mode = #tpu.pipeline_mode<synchronous>, transform_indices = @transform_9, window_bounds = array<i64: 1, 128>}, {pipeline_mode = #tpu.pipeline_mode<synchronous>, transform_indices = @transform_10, window_bounds = array<i64: 1, 128>}, {transform_indices = @transform_11, window_bounds = array<i64: 1280, 128>}, {transform_indices = @transform_12, window_bounds = array<i64: 1, 10, 128>}]} {
    %get3A = arith.constant 0 : index
    %get3A_0 = arith.constant 0 : index
    %get3A_1 = arith.constant 0 : index
    %get3A_2 = vector.load %arg2[%get3A, %get3A_0, %get3A_1] : memref<1x10x128xf32, #tpu.memory_space<vmem>>, vector<1x10x128xf32>
    %reshape3A = vector.shape_cast %get3A_2 : vector<1x10x128xf32> to vector<10x128xf32>
    %get3A_3 = arith.constant 0 : index
    %get3A_4 = arith.constant 0 : index
    %get3A_5 = arith.constant 0 : index
    %get3A_6 = vector.load %arg3[%get3A_3, %get3A_4, %get3A_5] : memref<1x10x128xf32, #tpu.memory_space<vmem>>, vector<1x10x128xf32>
    %reshape3A_7 = vector.shape_cast %get3A_6 : vector<1x10x128xf32> to vector<10x128xf32>
    %get3A_8 = arith.constant 0 : index
    %get3A_9 = arith.constant 0 : index
    %get3A_10 = arith.constant 0 : index
    %get3A_11 = vector.load %arg4[%get3A_8, %get3A_9, %get3A_10] : memref<1x10x128xf32, #tpu.memory_space<vmem>>, vector<1x10x128xf32>
    %reshape3A_12 = vector.shape_cast %get3A_11 : vector<1x10x128xf32> to vector<10x128xf32>
    %mul3A = arith.mulf %reshape3A, %reshape3A : vector<10x128xf32>
    %mul3A_13 = arith.mulf %reshape3A_7, %reshape3A_7 : vector<10x128xf32>
    %add3A = arith.addf %mul3A, %mul3A_13 : vector<10x128xf32>
    %mul3A_14 = arith.mulf %reshape3A_12, %reshape3A_12 : vector<10x128xf32>
    %add3A_15 = arith.addf %add3A, %mul3A_14 : vector<10x128xf32>
    %sqrt3A = math.sqrt %add3A_15 : vector<10x128xf32>
    %max3A = arith.constant 9.99999997E-7 : f32
    %max3A_16 = vector.broadcast %max3A : f32 to vector<10x128xf32>
    %max3A_17 = arith.maximumf %sqrt3A, %max3A_16 : vector<10x128xf32>
    %slice3A = vector.extract_strided_slice %max3A_17 {offsets = [0, 0], sizes = [1, 128], strides = [1, 1]} : vector<10x128xf32> to vector<1x128xf32>
    %get3A_18 = arith.constant 0 : index
    %get3A_19 = arith.constant 0 : index
    %get3A_20 = vector.load %arg5[%get3A_18, %get3A_19] : memref<1x128xf32, #tpu.memory_space<vmem>>, vector<1x128xf32>
    %dot_general3A = arith.constant dense<0.000000e+00> : vector<128x128xf32>
    %dot_general3A_21 = tpu.matmul %slice3A, %get3A_20, %dot_general3A {dimension_numbers = #tpu.dot_dimension_numbers<[0], [0], [1], [1], [0, 1, 1, 1], [], []>, transpose_lhs_hint = false} : vector<1x128xf32>, vector<1x128xf32>, vector<128x128xf32> -> vector<128x128xf32>
    %slice3A_22 = vector.extract_strided_slice %max3A_17 {offsets = [1, 0], sizes = [1, 128], strides = [1, 1]} : vector<10x128xf32> to vector<1x128xf32>
    %get3A_23 = arith.constant 0 : index
    %get3A_24 = arith.constant 0 : index
    %get3A_25 = vector.load %arg5[%get3A_23, %get3A_24] : memref<1x128xf32, #tpu.memory_space<vmem>>, vector<1x128xf32>
    %dot_general3A_26 = arith.constant dense<0.000000e+00> : vector<128x128xf32>
    %dot_general3A_27 = tpu.matmul %slice3A_22, %get3A_25, %dot_general3A_26 {dimension_numbers = #tpu.dot_dimension_numbers<[0], [0], [1], [1], [0, 1, 1, 1], [], []>, transpose_lhs_hint = false} : vector<1x128xf32>, vector<1x128xf32>, vector<128x128xf32> -> vector<128x128xf32>
    %slice3A_28 = vector.extract_strided_slice %max3A_17 {offsets = [2, 0], sizes = [1, 128], strides = [1, 1]} : vector<10x128xf32> to vector<1x128xf32>
    %get3A_29 = arith.constant 0 : index
    %get3A_30 = arith.constant 0 : index
    %get3A_31 = vector.load %arg5[%get3A_29, %get3A_30] : memref<1x128xf32, #tpu.memory_space<vmem>>, vector<1x128xf32>
    %dot_general3A_32 = arith.constant dense<0.000000e+00> : vector<128x128xf32>
    %dot_general3A_33 = tpu.matmul %slice3A_28, %get3A_31, %dot_general3A_32 {dimension_numbers = #tpu.dot_dimension_numbers<[0], [0], [1], [1], [0, 1, 1, 1], [], []>, transpose_lhs_hint = false} : vector<1x128xf32>, vector<1x128xf32>, vector<128x128xf32> -> vector<128x128xf32>
    %slice3A_34 = vector.extract_strided_slice %max3A_17 {offsets = [3, 0], sizes = [1, 128], strides = [1, 1]} : vector<10x128xf32> to vector<1x128xf32>
    %get3A_35 = arith.constant 0 : index
    %get3A_36 = arith.constant 0 : index
    %get3A_37 = vector.load %arg5[%get3A_35, %get3A_36] : memref<1x128xf32, #tpu.memory_space<vmem>>, vector<1x128xf32>
    %dot_general3A_38 = arith.constant dense<0.000000e+00> : vector<128x128xf32>
    %dot_general3A_39 = tpu.matmul %slice3A_34, %get3A_37, %dot_general3A_38 {dimension_numbers = #tpu.dot_dimension_numbers<[0], [0], [1], [1], [0, 1, 1, 1], [], []>, transpose_lhs_hint = false} : vector<1x128xf32>, vector<1x128xf32>, vector<128x128xf32> -> vector<128x128xf32>
    %slice3A_40 = vector.extract_strided_slice %max3A_17 {offsets = [4, 0], sizes = [1, 128], strides = [1, 1]} : vector<10x128xf32> to vector<1x128xf32>
    %get3A_41 = arith.constant 0 : index
    %get3A_42 = arith.constant 0 : index
    %get3A_43 = vector.load %arg5[%get3A_41, %get3A_42] : memref<1x128xf32, #tpu.memory_space<vmem>>, vector<1x128xf32>
    %dot_general3A_44 = arith.constant dense<0.000000e+00> : vector<128x128xf32>
    %dot_general3A_45 = tpu.matmul %slice3A_40, %get3A_43, %dot_general3A_44 {dimension_numbers = #tpu.dot_dimension_numbers<[0], [0], [1], [1], [0, 1, 1, 1], [], []>, transpose_lhs_hint = false} : vector<1x128xf32>, vector<1x128xf32>, vector<128x128xf32> -> vector<128x128xf32>
    %slice3A_46 = vector.extract_strided_slice %max3A_17 {offsets = [5, 0], sizes = [1, 128], strides = [1, 1]} : vector<10x128xf32> to vector<1x128xf32>
    %get3A_47 = arith.constant 0 : index
    %get3A_48 = arith.constant 0 : index
    %get3A_49 = vector.load %arg5[%get3A_47, %get3A_48] : memref<1x128xf32, #tpu.memory_space<vmem>>, vector<1x128xf32>
    %dot_general3A_50 = arith.constant dense<0.000000e+00> : vector<128x128xf32>
    %dot_general3A_51 = tpu.matmul %slice3A_46, %get3A_49, %dot_general3A_50 {dimension_numbers = #tpu.dot_dimension_numbers<[0], [0], [1], [1], [0, 1, 1, 1], [], []>, transpose_lhs_hint = false} : vector<1x128xf32>, vector<1x128xf32>, vector<128x128xf32> -> vector<128x128xf32>
    %slice3A_52 = vector.extract_strided_slice %max3A_17 {offsets = [6, 0], sizes = [1, 128], strides = [1, 1]} : vector<10x128xf32> to vector<1x128xf32>
    %get3A_53 = arith.constant 0 : index
    %get3A_54 = arith.constant 0 : index
    %get3A_55 = vector.load %arg5[%get3A_53, %get3A_54] : memref<1x128xf32, #tpu.memory_space<vmem>>, vector<1x128xf32>
    %dot_general3A_56 = arith.constant dense<0.000000e+00> : vector<128x128xf32>
    %dot_general3A_57 = tpu.matmul %slice3A_52, %get3A_55, %dot_general3A_56 {dimension_numbers = #tpu.dot_dimension_numbers<[0], [0], [1], [1], [0, 1, 1, 1], [], []>, transpose_lhs_hint = false} : vector<1x128xf32>, vector<1x128xf32>, vector<128x128xf32> -> vector<128x128xf32>
    %slice3A_58 = vector.extract_strided_slice %max3A_17 {offsets = [7, 0], sizes = [1, 128], strides = [1, 1]} : vector<10x128xf32> to vector<1x128xf32>
    %get3A_59 = arith.constant 0 : index
    %get3A_60 = arith.constant 0 : index
    %get3A_61 = vector.load %arg5[%get3A_59, %get3A_60] : memref<1x128xf32, #tpu.memory_space<vmem>>, vector<1x128xf32>
    %dot_general3A_62 = arith.constant dense<0.000000e+00> : vector<128x128xf32>
    %dot_general3A_63 = tpu.matmul %slice3A_58, %get3A_61, %dot_general3A_62 {dimension_numbers = #tpu.dot_dimension_numbers<[0], [0], [1], [1], [0, 1, 1, 1], [], []>, transpose_lhs_hint = false} : vector<1x128xf32>, vector<1x128xf32>, vector<128x128xf32> -> vector<128x128xf32>
    %slice3A_64 = vector.extract_strided_slice %max3A_17 {offsets = [8, 0], sizes = [1, 128], strides = [1, 1]} : vector<10x128xf32> to vector<1x128xf32>
    %get3A_65 = arith.constant 0 : index
    %get3A_66 = arith.constant 0 : index
    %get3A_67 = vector.load %arg5[%get3A_65, %get3A_66] : memref<1x128xf32, #tpu.memory_space<vmem>>, vector<1x128xf32>
    %dot_general3A_68 = arith.constant dense<0.000000e+00> : vector<128x128xf32>
    %dot_general3A_69 = tpu.matmul %slice3A_64, %get3A_67, %dot_general3A_68 {dimension_numbers = #tpu.dot_dimension_numbers<[0], [0], [1], [1], [0, 1, 1, 1], [], []>, transpose_lhs_hint = false} : vector<1x128xf32>, vector<1x128xf32>, vector<128x128xf32> -> vector<128x128xf32>
    %slice3A_70 = vector.extract_strided_slice %max3A_17 {offsets = [9, 0], sizes = [1, 128], strides = [1, 1]} : vector<10x128xf32> to vector<1x128xf32>
    %get3A_71 = arith.constant 0 : index
    %get3A_72 = arith.constant 0 : index
    %get3A_73 = vector.load %arg5[%get3A_71, %get3A_72] : memref<1x128xf32, #tpu.memory_space<vmem>>, vector<1x128xf32>
    %dot_general3A_74 = arith.constant dense<0.000000e+00> : vector<128x128xf32>
    %dot_general3A_75 = tpu.matmul %slice3A_70, %get3A_73, %dot_general3A_74 {dimension_numbers = #tpu.dot_dimension_numbers<[0], [0], [1], [1], [0, 1, 1, 1], [], []>, transpose_lhs_hint = false} : vector<1x128xf32>, vector<1x128xf32>, vector<128x128xf32> -> vector<128x128xf32>
    %concatenate3A = tpu.concatenate %dot_general3A_21, %dot_general3A_27, %dot_general3A_33, %dot_general3A_39, %dot_general3A_45, %dot_general3A_51, %dot_general3A_57, %dot_general3A_63, %dot_general3A_69, %dot_general3A_75 in 0 : vector<128x128xf32>, vector<128x128xf32>, vector<128x128xf32>, vector<128x128xf32>, vector<128x128xf32>, vector<128x128xf32>, vector<128x128xf32>, vector<128x128xf32>, vector<128x128xf32>, vector<128x128xf32> -> vector<1280x128xf32>
    %get3A_76 = arith.constant 0 : index
    %get3A_77 = arith.constant 0 : index
    %get3A_78 = vector.load %arg1[%get3A_76, %get3A_77] : memref<1280x128xf32, #tpu.memory_space<vmem>>, vector<1280x128xf32>
    %add3A_79 = arith.addf %get3A_78, %concatenate3A : vector<1280x128xf32>
    %get3A_80 = arith.constant 0 : index
    %get3A_81 = arith.constant 0 : index
    %get3A_82 = vector.load %arg6[%get3A_80, %get3A_81] : memref<1x128xf32, #tpu.memory_space<vmem>>, vector<1x128xf32>
    %add3A_83 = vector.broadcast %get3A_82 : vector<1x128xf32> to vector<1280x128xf32>
    %add3A_84 = arith.addf %add3A_79, %add3A_83 : vector<1280x128xf32>
    %neg3A = arith.constant 0.000000e+00 : f32
    %neg3A_85 = vector.broadcast %neg3A : f32 to vector<1280x128xf32>
    %neg3A_86 = arith.subf %neg3A_85, %add3A_84 : vector<1280x128xf32>
    %exp3A = math.exp %neg3A_86 : vector<1280x128xf32>
    %add3A_87 = arith.constant 1.000000e+00 : f32
    %add3A_88 = vector.broadcast %add3A_87 : f32 to vector<1280x128xf32>
    %add3A_89 = arith.addf %add3A_88, %exp3A : vector<1280x128xf32>
    %div3A = arith.divf %add3A_84, %add3A_89 : vector<1280x128xf32>
    %get3A_90 = arith.constant 0 : index
    %get3A_91 = arith.constant 0 : index
    %get3A_92 = vector.load %arg7[%get3A_90, %get3A_91] : memref<128x128xf32, #tpu.memory_space<vmem>>, vector<128x128xf32>
    %dot_general3A_93 = arith.constant dense<0.000000e+00> : vector<1280x128xf32>
    %dot_general3A_94 = tpu.matmul %div3A, %get3A_92, %dot_general3A_93 {dimension_numbers = #tpu.dot_dimension_numbers<[1], [0], [0], [1], [0, 0, 1, 1], [], []>, transpose_lhs_hint = false} : vector<1280x128xf32>, vector<128x128xf32>, vector<1280x128xf32> -> vector<1280x128xf32>
    %get3A_95 = arith.constant 0 : index
    %get3A_96 = arith.constant 0 : index
    %get3A_97 = vector.load %arg8[%get3A_95, %get3A_96] : memref<1x128xf32, #tpu.memory_space<vmem>>, vector<1x128xf32>
    %add3A_98 = vector.broadcast %get3A_97 : vector<1x128xf32> to vector<1280x128xf32>
    %add3A_99 = arith.addf %dot_general3A_94, %add3A_98 : vector<1280x128xf32>
    %neg3A_100 = arith.constant 0.000000e+00 : f32
    %neg3A_101 = vector.broadcast %neg3A_100 : f32 to vector<1280x128xf32>
    %neg3A_102 = arith.subf %neg3A_101, %add3A_99 : vector<1280x128xf32>
    %exp3A_103 = math.exp %neg3A_102 : vector<1280x128xf32>
    %add3A_104 = arith.constant 1.000000e+00 : f32
    %add3A_105 = vector.broadcast %add3A_104 : f32 to vector<1280x128xf32>
    %add3A_106 = arith.addf %add3A_105, %exp3A_103 : vector<1280x128xf32>
    %div3A_107 = arith.divf %add3A_99, %add3A_106 : vector<1280x128xf32>
    %swap3A = arith.constant 0 : index
    %swap3A_108 = arith.constant 0 : index
    %swap3A_109 = vector.load %arg12[%swap3A, %swap3A_108] : memref<1280x128xf32, #tpu.memory_space<vmem>>, vector<1280x128xf32>
    tpu.vector_store %arg12[%swap3A, %swap3A_108], %div3A_107 {strides = array<i32>} : memref<1280x128xf32, #tpu.memory_space<vmem>>, vector<1280x128xf32>,
    %get3A_110 = arith.constant 0 : index
    %get3A_111 = arith.constant 0 : index
    %get3A_112 = vector.load %arg9[%get3A_110, %get3A_111] : memref<128x128xf32, #tpu.memory_space<vmem>>, vector<128x128xf32>
    %dot_general3A_113 = arith.constant dense<0.000000e+00> : vector<1280x128xf32>
    %dot_general3A_114 = tpu.matmul %div3A_107, %get3A_112, %dot_general3A_113 {dimension_numbers = #tpu.dot_dimension_numbers<[1], [0], [0], [1], [0, 0, 1, 1], [], []>, transpose_lhs_hint = false} : vector<1280x128xf32>, vector<128x128xf32>, vector<1280x128xf32> -> vector<1280x128xf32>
    %get3A_115 = arith.constant 0 : index
    %get3A_116 = arith.constant 0 : index
    %get3A_117 = vector.load %arg10[%get3A_115, %get3A_116] : memref<1x128xf32, #tpu.memory_space<vmem>>, vector<1x128xf32>
    %add3A_118 = vector.broadcast %get3A_117 : vector<1x128xf32> to vector<1280x128xf32>
    %add3A_119 = arith.addf %dot_general3A_114, %add3A_118 : vector<1280x128xf32>
    %neg3A_120 = arith.constant 0.000000e+00 : f32
    %neg3A_121 = vector.broadcast %neg3A_120 : f32 to vector<1280x128xf32>
    %neg3A_122 = arith.subf %neg3A_121, %add3A_119 : vector<1280x128xf32>
    %exp3A_123 = math.exp %neg3A_122 : vector<1280x128xf32>
    %add3A_124 = arith.constant 1.000000e+00 : f32
    %add3A_125 = vector.broadcast %add3A_124 : f32 to vector<1280x128xf32>
    %add3A_126 = arith.addf %add3A_125, %exp3A_123 : vector<1280x128xf32>
    %div3A_127 = arith.divf %add3A_119, %add3A_126 : vector<1280x128xf32>
    %get3A_128 = arith.constant 0 : index
    %get3A_129 = arith.constant 0 : index
    %get3A_130 = vector.load %arg11[%get3A_128, %get3A_129] : memref<1x128xf32, #tpu.memory_space<vmem>>, vector<1x128xf32>
    %slice3A_131 = vector.extract_strided_slice %div3A_127 {offsets = [0, 0], sizes = [128, 128], strides = [1, 1]} : vector<1280x128xf32> to vector<128x128xf32>
    %dot_general3A_132 = arith.constant dense<0.000000e+00> : vector<1x128xf32>
    %dot_general3A_133 = tpu.matmul %get3A_130, %slice3A_131, %dot_general3A_132 {dimension_numbers = #tpu.dot_dimension_numbers<[1], [1], [0], [0], [0, 0, 1, 0], [], []>, transpose_lhs_hint = false} : vector<1x128xf32>, vector<128x128xf32>, vector<1x128xf32> -> vector<1x128xf32>
    %get3A_134 = arith.constant 0 : index
    %get3A_135 = arith.constant 0 : index
    %get3A_136 = vector.load %arg11[%get3A_134, %get3A_135] : memref<1x128xf32, #tpu.memory_space<vmem>>, vector<1x128xf32>
    %slice3A_137 = vector.extract_strided_slice %div3A_127 {offsets = [128, 0], sizes = [128, 128], strides = [1, 1]} : vector<1280x128xf32> to vector<128x128xf32>
    %dot_general3A_138 = arith.constant dense<0.000000e+00> : vector<1x128xf32>
    %dot_general3A_139 = tpu.matmul %get3A_136, %slice3A_137, %dot_general3A_138 {dimension_numbers = #tpu.dot_dimension_numbers<[1], [1], [0], [0], [0, 0, 1, 0], [], []>, transpose_lhs_hint = false} : vector<1x128xf32>, vector<128x128xf32>, vector<1x128xf32> -> vector<1x128xf32>
    %get3A_140 = arith.constant 0 : index
    %get3A_141 = arith.constant 0 : index
    %get3A_142 = vector.load %arg11[%get3A_140, %get3A_141] : memref<1x128xf32, #tpu.memory_space<vmem>>, vector<1x128xf32>
    %slice3A_143 = vector.extract_strided_slice %div3A_127 {offsets = [256, 0], sizes = [128, 128], strides = [1, 1]} : vector<1280x128xf32> to vector<128x128xf32>
    %dot_general3A_144 = arith.constant dense<0.000000e+00> : vector<1x128xf32>
    %dot_general3A_145 = tpu.matmul %get3A_142, %slice3A_143, %dot_general3A_144 {dimension_numbers = #tpu.dot_dimension_numbers<[1], [1], [0], [0], [0, 0, 1, 0], [], []>, transpose_lhs_hint = false} : vector<1x128xf32>, vector<128x128xf32>, vector<1x128xf32> -> vector<1x128xf32>
    %get3A_146 = arith.constant 0 : index
    %get3A_147 = arith.constant 0 : index
    %get3A_148 = vector.load %arg11[%get3A_146, %get3A_147] : memref<1x128xf32, #tpu.memory_space<vmem>>, vector<1x128xf32>
    %slice3A_149 = vector.extract_strided_slice %div3A_127 {offsets = [384, 0], sizes = [128, 128], strides = [1, 1]} : vector<1280x128xf32> to vector<128x128xf32>
    %dot_general3A_150 = arith.constant dense<0.000000e+00> : vector<1x128xf32>
    %dot_general3A_151 = tpu.matmul %get3A_148, %slice3A_149, %dot_general3A_150 {dimension_numbers = #tpu.dot_dimension_numbers<[1], [1], [0], [0], [0, 0, 1, 0], [], []>, transpose_lhs_hint = false} : vector<1x128xf32>, vector<128x128xf32>, vector<1x128xf32> -> vector<1x128xf32>
    %get3A_152 = arith.constant 0 : index
    %get3A_153 = arith.constant 0 : index
    %get3A_154 = vector.load %arg11[%get3A_152, %get3A_153] : memref<1x128xf32, #tpu.memory_space<vmem>>, vector<1x128xf32>
    %slice3A_155 = vector.extract_strided_slice %div3A_127 {offsets = [512, 0], sizes = [128, 128], strides = [1, 1]} : vector<1280x128xf32> to vector<128x128xf32>
    %dot_general3A_156 = arith.constant dense<0.000000e+00> : vector<1x128xf32>
    %dot_general3A_157 = tpu.matmul %get3A_154, %slice3A_155, %dot_general3A_156 {dimension_numbers = #tpu.dot_dimension_numbers<[1], [1], [0], [0], [0, 0, 1, 0], [], []>, transpose_lhs_hint = false} : vector<1x128xf32>, vector<128x128xf32>, vector<1x128xf32> -> vector<1x128xf32>
    %get3A_158 = arith.constant 0 : index
    %get3A_159 = arith.constant 0 : index
    %get3A_160 = vector.load %arg11[%get3A_158, %get3A_159] : memref<1x128xf32, #tpu.memory_space<vmem>>, vector<1x128xf32>
    %slice3A_161 = vector.extract_strided_slice %div3A_127 {offsets = [640, 0], sizes = [128, 128], strides = [1, 1]} : vector<1280x128xf32> to vector<128x128xf32>
    %dot_general3A_162 = arith.constant dense<0.000000e+00> : vector<1x128xf32>
    %dot_general3A_163 = tpu.matmul %get3A_160, %slice3A_161, %dot_general3A_162 {dimension_numbers = #tpu.dot_dimension_numbers<[1], [1], [0], [0], [0, 0, 1, 0], [], []>, transpose_lhs_hint = false} : vector<1x128xf32>, vector<128x128xf32>, vector<1x128xf32> -> vector<1x128xf32>
    %get3A_164 = arith.constant 0 : index
    %get3A_165 = arith.constant 0 : index
    %get3A_166 = vector.load %arg11[%get3A_164, %get3A_165] : memref<1x128xf32, #tpu.memory_space<vmem>>, vector<1x128xf32>
    %slice3A_167 = vector.extract_strided_slice %div3A_127 {offsets = [768, 0], sizes = [128, 128], strides = [1, 1]} : vector<1280x128xf32> to vector<128x128xf32>
    %dot_general3A_168 = arith.constant dense<0.000000e+00> : vector<1x128xf32>
    %dot_general3A_169 = tpu.matmul %get3A_166, %slice3A_167, %dot_general3A_168 {dimension_numbers = #tpu.dot_dimension_numbers<[1], [1], [0], [0], [0, 0, 1, 0], [], []>, transpose_lhs_hint = false} : vector<1x128xf32>, vector<128x128xf32>, vector<1x128xf32> -> vector<1x128xf32>
    %get3A_170 = arith.constant 0 : index
    %get3A_171 = arith.constant 0 : index
    %get3A_172 = vector.load %arg11[%get3A_170, %get3A_171] : memref<1x128xf32, #tpu.memory_space<vmem>>, vector<1x128xf32>
    %slice3A_173 = vector.extract_strided_slice %div3A_127 {offsets = [896, 0], sizes = [128, 128], strides = [1, 1]} : vector<1280x128xf32> to vector<128x128xf32>
    %dot_general3A_174 = arith.constant dense<0.000000e+00> : vector<1x128xf32>
    %dot_general3A_175 = tpu.matmul %get3A_172, %slice3A_173, %dot_general3A_174 {dimension_numbers = #tpu.dot_dimension_numbers<[1], [1], [0], [0], [0, 0, 1, 0], [], []>, transpose_lhs_hint = false} : vector<1x128xf32>, vector<128x128xf32>, vector<1x128xf32> -> vector<1x128xf32>
    %get3A_176 = arith.constant 0 : index
    %get3A_177 = arith.constant 0 : index
    %get3A_178 = vector.load %arg11[%get3A_176, %get3A_177] : memref<1x128xf32, #tpu.memory_space<vmem>>, vector<1x128xf32>
    %slice3A_179 = vector.extract_strided_slice %div3A_127 {offsets = [1024, 0], sizes = [128, 128], strides = [1, 1]} : vector<1280x128xf32> to vector<128x128xf32>
    %dot_general3A_180 = arith.constant dense<0.000000e+00> : vector<1x128xf32>
    %dot_general3A_181 = tpu.matmul %get3A_178, %slice3A_179, %dot_general3A_180 {dimension_numbers = #tpu.dot_dimension_numbers<[1], [1], [0], [0], [0, 0, 1, 0], [], []>, transpose_lhs_hint = false} : vector<1x128xf32>, vector<128x128xf32>, vector<1x128xf32> -> vector<1x128xf32>
    %get3A_182 = arith.constant 0 : index
    %get3A_183 = arith.constant 0 : index
    %get3A_184 = vector.load %arg11[%get3A_182, %get3A_183] : memref<1x128xf32, #tpu.memory_space<vmem>>, vector<1x128xf32>
    %slice3A_185 = vector.extract_strided_slice %div3A_127 {offsets = [1152, 0], sizes = [128, 128], strides = [1, 1]} : vector<1280x128xf32> to vector<128x128xf32>
    %dot_general3A_186 = arith.constant dense<0.000000e+00> : vector<1x128xf32>
    %dot_general3A_187 = tpu.matmul %get3A_184, %slice3A_185, %dot_general3A_186 {dimension_numbers = #tpu.dot_dimension_numbers<[1], [1], [0], [0], [0, 0, 1, 0], [], []>, transpose_lhs_hint = false} : vector<1x128xf32>, vector<128x128xf32>, vector<1x128xf32> -> vector<1x128xf32>
    %concatenate3A_188 = tpu.concatenate %dot_general3A_133, %dot_general3A_139, %dot_general3A_145, %dot_general3A_151, %dot_general3A_157, %dot_general3A_163, %dot_general3A_169, %dot_general3A_175, %dot_general3A_181, %dot_general3A_187 in 0 : vector<1x128xf32>, vector<1x128xf32>, vector<1x128xf32>, vector<1x128xf32>, vector<1x128xf32>, vector<1x128xf32>, vector<1x128xf32>, vector<1x128xf32>, vector<1x128xf32>, vector<1x128xf32> -> vector<10x128xf32>
    %jit3A = arith.constant -1.000000e+00 : f32
    %jit3A_189 = arith.constant 1.000000e+00 : f32
    %max3A_190 = vector.broadcast %jit3A : f32 to vector<10x128xf32>
    %max3A_191 = arith.maximumf %max3A_190, %concatenate3A_188 : vector<10x128xf32>
    %min3A = vector.broadcast %jit3A_189 : f32 to vector<10x128xf32>
    %min3A_192 = arith.minimumf %min3A, %max3A_191 : vector<10x128xf32>
    %div3A_193 = arith.divf %min3A_192, %max3A_17 : vector<10x128xf32>
    %reshape3A_194 = vector.shape_cast %div3A_193 : vector<10x128xf32> to vector<1x10x128xf32>
    %swap3A_195 = arith.constant 0 : index
    %swap3A_196 = arith.constant 0 : index
    %swap3A_197 = arith.constant 0 : index
    %swap3A_198 = vector.load %arg13[%swap3A_195, %swap3A_196, %swap3A_197] : memref<1x10x128xf32, #tpu.memory_space<vmem>>, vector<1x10x128xf32>
    tpu.vector_store %arg13[%swap3A_195, %swap3A_196, %swap3A_197], %reshape3A_194 {strides = array<i32>} : memref<1x10x128xf32, #tpu.memory_space<vmem>>, vector<1x10x128xf32>,
    return
  }
  func.func @transform_0(%arg0: i32) -> (i32, i32) {
    %c0_i32 = arith.constant 0 : i32
    %c0_i32_0 = arith.constant 0 : i32
    return %arg0, %c0_i32 : i32, i32
  }
  func.func @transform_1(%arg0: i32) -> (i32, i32, i32) {
    %c0_i32 = arith.constant 0 : i32
    %c0_i32_0 = arith.constant 0 : i32
    %c0_i32_1 = arith.constant 0 : i32
    return %arg0, %c0_i32, %c0_i32_0 : i32, i32, i32
  }
  func.func @transform_2(%arg0: i32) -> (i32, i32, i32) {
    %c0_i32 = arith.constant 0 : i32
    %c0_i32_0 = arith.constant 0 : i32
    %c0_i32_1 = arith.constant 0 : i32
    return %arg0, %c0_i32, %c0_i32_0 : i32, i32, i32
  }
  func.func @transform_3(%arg0: i32) -> (i32, i32, i32) {
    %c0_i32 = arith.constant 0 : i32
    %c0_i32_0 = arith.constant 0 : i32
    %c0_i32_1 = arith.constant 0 : i32
    return %arg0, %c0_i32, %c0_i32_0 : i32, i32, i32
  }
  func.func @transform_4(%arg0: i32) -> (i32, i32) {
    %c0_i32 = arith.constant 0 : i32
    %c0_i32_0 = arith.constant 0 : i32
    %c0_i32_1 = arith.constant 0 : i32
    return %c0_i32, %c0_i32_0 : i32, i32
  }
  func.func @transform_5(%arg0: i32) -> (i32, i32) {
    %c0_i32 = arith.constant 0 : i32
    %c0_i32_0 = arith.constant 0 : i32
    %c0_i32_1 = arith.constant 0 : i32
    return %c0_i32, %c0_i32_0 : i32, i32
  }
  func.func @transform_6(%arg0: i32) -> (i32, i32) {
    %c0_i32 = arith.constant 0 : i32
    %c0_i32_0 = arith.constant 0 : i32
    %c0_i32_1 = arith.constant 0 : i32
    return %c0_i32, %c0_i32_0 : i32, i32
  }
  func.func @transform_7(%arg0: i32) -> (i32, i32) {
    %c0_i32 = arith.constant 0 : i32
    %c0_i32_0 = arith.constant 0 : i32
    %c0_i32_1 = arith.constant 0 : i32
    return %c0_i32, %c0_i32_0 : i32, i32
  }
  func.func @transform_8(%arg0: i32) -> (i32, i32) {
    %c0_i32 = arith.constant 0 : i32
    %c0_i32_0 = arith.constant 0 : i32
    %c0_i32_1 = arith.constant 0 : i32
    return %c0_i32, %c0_i32_0 : i32, i32
  }
  func.func @transform_9(%arg0: i32) -> (i32, i32) {
    %c0_i32 = arith.constant 0 : i32
    %c0_i32_0 = arith.constant 0 : i32
    %c0_i32_1 = arith.constant 0 : i32
    return %c0_i32, %c0_i32_0 : i32, i32
  }
  func.func @transform_10(%arg0: i32) -> (i32, i32) {
    %c0_i32 = arith.constant 0 : i32
    %c0_i32_0 = arith.constant 0 : i32
    %c0_i32_1 = arith.constant 0 : i32
    return %c0_i32, %c0_i32_0 : i32, i32
  }
  func.func @transform_11(%arg0: i32) -> (i32, i32) {
    %c0_i32 = arith.constant 0 : i32
    %c0_i32_0 = arith.constant 0 : i32
    return %arg0, %c0_i32 : i32, i32
  }
  func.func @transform_12(%arg0: i32) -> (i32, i32, i32) {
    %c0_i32 = arith.constant 0 : i32
    %c0_i32_0 = arith.constant 0 : i32
    %c0_i32_1 = arith.constant 0 : i32
    return %arg0, %c0_i32, %c0_i32_0 : i32, i32, i32
  }
}

module attributes {stable_mosaic.version = 14 : i64} {
  func.func @_node_body(%arg0: i32, %arg1: memref<2000x128xf32, #tpu.memory_space<vmem>>, %arg2: memref<2000x128xf32, #tpu.memory_space<vmem>>, %arg3: memref<2000x128xf32, #tpu.memory_space<vmem>>, %arg4: memref<32x1x10240xf32, #tpu.memory_space<vmem>>, %arg5: memref<32x1x10240xf32, #tpu.memory_space<vmem>>, %arg6: memref<32x1x10240xf32, #tpu.memory_space<vmem>>, %arg7: memref<1x10240xf32, #tpu.memory_space<vmem>>, %arg8: memref<1x10240xf32, #tpu.memory_space<vmem>>, %arg9: memref<1x10240xf32, #tpu.memory_space<vmem>>, %arg10: memref<128x128xf32, #tpu.memory_space<vmem>>, %arg11: memref<128x128xf32, #tpu.memory_space<vmem>>, %arg12: memref<1x128xf32, #tpu.memory_space<vmem>>, %arg13: memref<128x128xf32, #tpu.memory_space<vmem>>, %arg14: memref<1x128xf32, #tpu.memory_space<vmem>>, %arg15: memref<2000x128xf32, #tpu.memory_space<vmem>>, %arg16: memref<1x10240xf32, #tpu.memory_space<vmem>>, %arg17: memref<1x10240xf32, #tpu.memory_space<vmem>>, %arg18: memref<1x10240xf32, #tpu.memory_space<vmem>>) attributes {dimension_semantics = [#tpu.dimension_semantics<arbitrary>], iteration_bounds = array<i64: 5>, scalar_prefetch = 0 : i64, scratch_operands = 0 : i64, tpu.core_type = #tpu.core_type<tc>, window_params = [{transform_indices = @transform_0, window_bounds = array<i64: 2000, 128>}, {transform_indices = @transform_1, window_bounds = array<i64: 2000, 128>}, {transform_indices = @transform_2, window_bounds = array<i64: 2000, 128>}, {pipeline_mode = #tpu.pipeline_mode<synchronous>, transform_indices = @transform_3, window_bounds = array<i64: 32, 1, 10240>}, {pipeline_mode = #tpu.pipeline_mode<synchronous>, transform_indices = @transform_4, window_bounds = array<i64: 32, 1, 10240>}, {pipeline_mode = #tpu.pipeline_mode<synchronous>, transform_indices = @transform_5, window_bounds = array<i64: 32, 1, 10240>}, {pipeline_mode = #tpu.pipeline_mode<synchronous>, transform_indices = @transform_6, window_bounds = array<i64: 1, 10240>}, {pipeline_mode = #tpu.pipeline_mode<synchronous>, transform_indices = @transform_7, window_bounds = array<i64: 1, 10240>}, {pipeline_mode = #tpu.pipeline_mode<synchronous>, transform_indices = @transform_8, window_bounds = array<i64: 1, 10240>}, {pipeline_mode = #tpu.pipeline_mode<synchronous>, transform_indices = @transform_9, window_bounds = array<i64: 128, 128>}, {pipeline_mode = #tpu.pipeline_mode<synchronous>, transform_indices = @transform_10, window_bounds = array<i64: 128, 128>}, {pipeline_mode = #tpu.pipeline_mode<synchronous>, transform_indices = @transform_11, window_bounds = array<i64: 1, 128>}, {pipeline_mode = #tpu.pipeline_mode<synchronous>, transform_indices = @transform_12, window_bounds = array<i64: 128, 128>}, {pipeline_mode = #tpu.pipeline_mode<synchronous>, transform_indices = @transform_13, window_bounds = array<i64: 1, 128>}, {transform_indices = @transform_14, window_bounds = array<i64: 2000, 128>}, {pipeline_mode = #tpu.pipeline_mode<synchronous>, transform_indices = @transform_15, window_bounds = array<i64: 1, 10240>}, {pipeline_mode = #tpu.pipeline_mode<synchronous>, transform_indices = @transform_16, window_bounds = array<i64: 1, 10240>}, {pipeline_mode = #tpu.pipeline_mode<synchronous>, transform_indices = @transform_17, window_bounds = array<i64: 1, 10240>}]} {
    %get3A = arith.constant 0 : index
    %get3A_0 = arith.constant 0 : index
    %get3A_1 = vector.load %arg1[%get3A, %get3A_0] : memref<2000x128xf32, #tpu.memory_space<vmem>>, vector<2000x128xf32>
    %get3A_2 = arith.constant 0 : index
    %get3A_3 = arith.constant 0 : index
    %get3A_4 = vector.load %arg2[%get3A_2, %get3A_3] : memref<2000x128xf32, #tpu.memory_space<vmem>>, vector<2000x128xf32>
    %get3A_5 = arith.constant 0 : index
    %get3A_6 = arith.constant 0 : index
    %get3A_7 = vector.load %arg3[%get3A_5, %get3A_6] : memref<2000x128xf32, #tpu.memory_space<vmem>>, vector<2000x128xf32>
    %add3A = arith.addf %get3A_4, %get3A_7 : vector<2000x128xf32>
    %get3A_8 = arith.constant 0 : index
    %get3A_9 = arith.constant 0 : index
    %get3A_10 = vector.load %arg10[%get3A_8, %get3A_9] : memref<128x128xf32, #tpu.memory_space<vmem>>, vector<128x128xf32>
    %dot_general3A = arith.constant dense<0.000000e+00> : vector<2000x128xf32>
    %dot_general3A_11 = tpu.matmul %get3A_1, %get3A_10, %dot_general3A {dimension_numbers = #tpu.dot_dimension_numbers<[1], [0], [0], [1], [0, 0, 1, 1], [], []>, transpose_lhs_hint = false} : vector<2000x128xf32>, vector<128x128xf32>, vector<2000x128xf32> -> vector<2000x128xf32>
    %get3A_12 = arith.constant 0 : index
    %get3A_13 = arith.constant 0 : index
    %get3A_14 = vector.load %arg11[%get3A_12, %get3A_13] : memref<128x128xf32, #tpu.memory_space<vmem>>, vector<128x128xf32>
    %dot_general3A_15 = arith.constant dense<0.000000e+00> : vector<2000x128xf32>
    %dot_general3A_16 = tpu.matmul %add3A, %get3A_14, %dot_general3A_15 {dimension_numbers = #tpu.dot_dimension_numbers<[1], [0], [0], [1], [0, 0, 1, 1], [], []>, transpose_lhs_hint = false} : vector<2000x128xf32>, vector<128x128xf32>, vector<2000x128xf32> -> vector<2000x128xf32>
    %add3A_17 = arith.addf %dot_general3A_11, %dot_general3A_16 : vector<2000x128xf32>
    %get3A_18 = arith.constant 0 : index
    %get3A_19 = arith.constant 0 : index
    %get3A_20 = vector.load %arg12[%get3A_18, %get3A_19] : memref<1x128xf32, #tpu.memory_space<vmem>>, vector<1x128xf32>
    %add3A_21 = vector.broadcast %get3A_20 : vector<1x128xf32> to vector<2000x128xf32>
    %add3A_22 = arith.addf %add3A_17, %add3A_21 : vector<2000x128xf32>
    %neg3A = arith.constant 0.000000e+00 : f32
    %neg3A_23 = vector.broadcast %neg3A : f32 to vector<2000x128xf32>
    %neg3A_24 = arith.subf %neg3A_23, %add3A_22 : vector<2000x128xf32>
    %exp3A = math.exp %neg3A_24 : vector<2000x128xf32>
    %add3A_25 = arith.constant 1.000000e+00 : f32
    %add3A_26 = vector.broadcast %add3A_25 : f32 to vector<2000x128xf32>
    %add3A_27 = arith.addf %add3A_26, %exp3A : vector<2000x128xf32>
    %div3A = arith.divf %add3A_22, %add3A_27 : vector<2000x128xf32>
    %get3A_28 = arith.constant 0 : index
    %get3A_29 = arith.constant 0 : index
    %get3A_30 = vector.load %arg13[%get3A_28, %get3A_29] : memref<128x128xf32, #tpu.memory_space<vmem>>, vector<128x128xf32>
    %dot_general3A_31 = arith.constant dense<0.000000e+00> : vector<2000x128xf32>
    %dot_general3A_32 = tpu.matmul %div3A, %get3A_30, %dot_general3A_31 {dimension_numbers = #tpu.dot_dimension_numbers<[1], [0], [0], [1], [0, 0, 1, 1], [], []>, transpose_lhs_hint = false} : vector<2000x128xf32>, vector<128x128xf32>, vector<2000x128xf32> -> vector<2000x128xf32>
    %get3A_33 = arith.constant 0 : index
    %get3A_34 = arith.constant 0 : index
    %get3A_35 = vector.load %arg14[%get3A_33, %get3A_34] : memref<1x128xf32, #tpu.memory_space<vmem>>, vector<1x128xf32>
    %add3A_36 = vector.broadcast %get3A_35 : vector<1x128xf32> to vector<2000x128xf32>
    %add3A_37 = arith.addf %dot_general3A_32, %add3A_36 : vector<2000x128xf32>
    %add3A_38 = arith.addf %get3A_1, %add3A_37 : vector<2000x128xf32>
    %swap3A = arith.constant 0 : index
    %swap3A_39 = arith.constant 0 : index
    %swap3A_40 = vector.load %arg15[%swap3A, %swap3A_39] : memref<2000x128xf32, #tpu.memory_space<vmem>>, vector<2000x128xf32>
    tpu.vector_store %arg15[%swap3A, %swap3A_39], %add3A_38 {strides = array<i32>} : memref<2000x128xf32, #tpu.memory_space<vmem>>, vector<2000x128xf32>,
    %get3A_41 = arith.constant 0 : index
    %get3A_42 = arith.constant 0 : index
    %get3A_43 = vector.load %arg7[%get3A_41, %get3A_42] : memref<1x10240xf32, #tpu.memory_space<vmem>>, vector<1x10240xf32>
    %get3A_44 = arith.constant 0 : index
    %get3A_45 = arith.constant 0 : index
    %get3A_46 = arith.constant 0 : index
    %get3A_47 = vector.load %arg4[%get3A_44, %get3A_45, %get3A_46] : memref<32x1x10240xf32, #tpu.memory_space<vmem>>, vector<32x1x10240xf32>
    %reshape3A = vector.shape_cast %get3A_47 : vector<32x1x10240xf32> to vector<32x10240xf32>
    %reduce_sum3A = arith.constant dense<0.000000e+00> : vector<10240xf32>
    %reduce_sum3A_48 = vector.multi_reduction <add>, %reshape3A, %reduce_sum3A [0] : vector<32x10240xf32> to vector<10240xf32>
    %broadcast_in_dim3A = vector.shape_cast %reduce_sum3A_48 : vector<10240xf32> to vector<1x10240xf32>
    %add3A_49 = arith.addf %get3A_43, %broadcast_in_dim3A : vector<1x10240xf32>
    %swap3A_50 = arith.constant 0 : index
    %swap3A_51 = arith.constant 0 : index
    %swap3A_52 = vector.load %arg16[%swap3A_50, %swap3A_51] : memref<1x10240xf32, #tpu.memory_space<vmem>>, vector<1x10240xf32>
    tpu.vector_store %arg16[%swap3A_50, %swap3A_51], %add3A_49 {strides = array<i32>} : memref<1x10240xf32, #tpu.memory_space<vmem>>, vector<1x10240xf32>,
    %get3A_53 = arith.constant 0 : index
    %get3A_54 = arith.constant 0 : index
    %get3A_55 = vector.load %arg8[%get3A_53, %get3A_54] : memref<1x10240xf32, #tpu.memory_space<vmem>>, vector<1x10240xf32>
    %get3A_56 = arith.constant 0 : index
    %get3A_57 = arith.constant 0 : index
    %get3A_58 = arith.constant 0 : index
    %get3A_59 = vector.load %arg5[%get3A_56, %get3A_57, %get3A_58] : memref<32x1x10240xf32, #tpu.memory_space<vmem>>, vector<32x1x10240xf32>
    %reshape3A_60 = vector.shape_cast %get3A_59 : vector<32x1x10240xf32> to vector<32x10240xf32>
    %reduce_sum3A_61 = arith.constant dense<0.000000e+00> : vector<10240xf32>
    %reduce_sum3A_62 = vector.multi_reduction <add>, %reshape3A_60, %reduce_sum3A_61 [0] : vector<32x10240xf32> to vector<10240xf32>
    %broadcast_in_dim3A_63 = vector.shape_cast %reduce_sum3A_62 : vector<10240xf32> to vector<1x10240xf32>
    %add3A_64 = arith.addf %get3A_55, %broadcast_in_dim3A_63 : vector<1x10240xf32>
    %swap3A_65 = arith.constant 0 : index
    %swap3A_66 = arith.constant 0 : index
    %swap3A_67 = vector.load %arg17[%swap3A_65, %swap3A_66] : memref<1x10240xf32, #tpu.memory_space<vmem>>, vector<1x10240xf32>
    tpu.vector_store %arg17[%swap3A_65, %swap3A_66], %add3A_64 {strides = array<i32>} : memref<1x10240xf32, #tpu.memory_space<vmem>>, vector<1x10240xf32>,
    %get3A_68 = arith.constant 0 : index
    %get3A_69 = arith.constant 0 : index
    %get3A_70 = vector.load %arg9[%get3A_68, %get3A_69] : memref<1x10240xf32, #tpu.memory_space<vmem>>, vector<1x10240xf32>
    %get3A_71 = arith.constant 0 : index
    %get3A_72 = arith.constant 0 : index
    %get3A_73 = arith.constant 0 : index
    %get3A_74 = vector.load %arg6[%get3A_71, %get3A_72, %get3A_73] : memref<32x1x10240xf32, #tpu.memory_space<vmem>>, vector<32x1x10240xf32>
    %reshape3A_75 = vector.shape_cast %get3A_74 : vector<32x1x10240xf32> to vector<32x10240xf32>
    %reduce_sum3A_76 = arith.constant dense<0.000000e+00> : vector<10240xf32>
    %reduce_sum3A_77 = vector.multi_reduction <add>, %reshape3A_75, %reduce_sum3A_76 [0] : vector<32x10240xf32> to vector<10240xf32>
    %broadcast_in_dim3A_78 = vector.shape_cast %reduce_sum3A_77 : vector<10240xf32> to vector<1x10240xf32>
    %add3A_79 = arith.addf %get3A_70, %broadcast_in_dim3A_78 : vector<1x10240xf32>
    %swap3A_80 = arith.constant 0 : index
    %swap3A_81 = arith.constant 0 : index
    %swap3A_82 = vector.load %arg18[%swap3A_80, %swap3A_81] : memref<1x10240xf32, #tpu.memory_space<vmem>>, vector<1x10240xf32>
    tpu.vector_store %arg18[%swap3A_80, %swap3A_81], %add3A_79 {strides = array<i32>} : memref<1x10240xf32, #tpu.memory_space<vmem>>, vector<1x10240xf32>,
    return
  }
  func.func @transform_0(%arg0: i32) -> (i32, i32) {
    %c0_i32 = arith.constant 0 : i32
    %c0_i32_0 = arith.constant 0 : i32
    return %arg0, %c0_i32 : i32, i32
  }
  func.func @transform_1(%arg0: i32) -> (i32, i32) {
    %c0_i32 = arith.constant 0 : i32
    %c0_i32_0 = arith.constant 0 : i32
    return %arg0, %c0_i32 : i32, i32
  }
  func.func @transform_2(%arg0: i32) -> (i32, i32) {
    %c0_i32 = arith.constant 0 : i32
    %c0_i32_0 = arith.constant 0 : i32
    return %arg0, %c0_i32 : i32, i32
  }
  func.func @transform_3(%arg0: i32) -> (i32, i32, i32) {
    %c0_i32 = arith.constant 0 : i32
    %c0_i32_0 = arith.constant 0 : i32
    %c0_i32_1 = arith.constant 0 : i32
    %c0_i32_2 = arith.constant 0 : i32
    return %c0_i32, %c0_i32_0, %c0_i32_1 : i32, i32, i32
  }
  func.func @transform_4(%arg0: i32) -> (i32, i32, i32) {
    %c0_i32 = arith.constant 0 : i32
    %c0_i32_0 = arith.constant 0 : i32
    %c0_i32_1 = arith.constant 0 : i32
    %c0_i32_2 = arith.constant 0 : i32
    return %c0_i32, %c0_i32_0, %c0_i32_1 : i32, i32, i32
  }
  func.func @transform_5(%arg0: i32) -> (i32, i32, i32) {
    %c0_i32 = arith.constant 0 : i32
    %c0_i32_0 = arith.constant 0 : i32
    %c0_i32_1 = arith.constant 0 : i32
    %c0_i32_2 = arith.constant 0 : i32
    return %c0_i32, %c0_i32_0, %c0_i32_1 : i32, i32, i32
  }
  func.func @transform_6(%arg0: i32) -> (i32, i32) {
    %c0_i32 = arith.constant 0 : i32
    %c0_i32_0 = arith.constant 0 : i32
    %c0_i32_1 = arith.constant 0 : i32
    return %c0_i32, %c0_i32_0 : i32, i32
  }
  func.func @transform_7(%arg0: i32) -> (i32, i32) {
    %c0_i32 = arith.constant 0 : i32
    %c0_i32_0 = arith.constant 0 : i32
    %c0_i32_1 = arith.constant 0 : i32
    return %c0_i32, %c0_i32_0 : i32, i32
  }
  func.func @transform_8(%arg0: i32) -> (i32, i32) {
    %c0_i32 = arith.constant 0 : i32
    %c0_i32_0 = arith.constant 0 : i32
    %c0_i32_1 = arith.constant 0 : i32
    return %c0_i32, %c0_i32_0 : i32, i32
  }
  func.func @transform_9(%arg0: i32) -> (i32, i32) {
    %c0_i32 = arith.constant 0 : i32
    %c0_i32_0 = arith.constant 0 : i32
    %c0_i32_1 = arith.constant 0 : i32
    return %c0_i32, %c0_i32_0 : i32, i32
  }
  func.func @transform_10(%arg0: i32) -> (i32, i32) {
    %c0_i32 = arith.constant 0 : i32
    %c0_i32_0 = arith.constant 0 : i32
    %c0_i32_1 = arith.constant 0 : i32
    return %c0_i32, %c0_i32_0 : i32, i32
  }
  func.func @transform_11(%arg0: i32) -> (i32, i32) {
    %c0_i32 = arith.constant 0 : i32
    %c0_i32_0 = arith.constant 0 : i32
    %c0_i32_1 = arith.constant 0 : i32
    return %c0_i32, %c0_i32_0 : i32, i32
  }
  func.func @transform_12(%arg0: i32) -> (i32, i32) {
    %c0_i32 = arith.constant 0 : i32
    %c0_i32_0 = arith.constant 0 : i32
    %c0_i32_1 = arith.constant 0 : i32
    return %c0_i32, %c0_i32_0 : i32, i32
  }
  func.func @transform_13(%arg0: i32) -> (i32, i32) {
    %c0_i32 = arith.constant 0 : i32
    %c0_i32_0 = arith.constant 0 : i32
    %c0_i32_1 = arith.constant 0 : i32
    return %c0_i32, %c0_i32_0 : i32, i32
  }
  func.func @transform_14(%arg0: i32) -> (i32, i32) {
    %c0_i32 = arith.constant 0 : i32
    %c0_i32_0 = arith.constant 0 : i32
    return %arg0, %c0_i32 : i32, i32
  }
  func.func @transform_15(%arg0: i32) -> (i32, i32) {
    %c0_i32 = arith.constant 0 : i32
    %c0_i32_0 = arith.constant 0 : i32
    %c0_i32_1 = arith.constant 0 : i32
    return %c0_i32, %c0_i32_0 : i32, i32
  }
  func.func @transform_16(%arg0: i32) -> (i32, i32) {
    %c0_i32 = arith.constant 0 : i32
    %c0_i32_0 = arith.constant 0 : i32
    %c0_i32_1 = arith.constant 0 : i32
    return %c0_i32, %c0_i32_0 : i32, i32
  }
  func.func @transform_17(%arg0: i32) -> (i32, i32) {
    %c0_i32 = arith.constant 0 : i32
    %c0_i32_0 = arith.constant 0 : i32
    %c0_i32_1 = arith.constant 0 : i32
    return %c0_i32, %c0_i32_0 : i32, i32
  }
}

</mosaic_0001>

<sc_bundles>
// kernel: kernel.11.cloned.1.call-start
scs
__scs_entry_jumppad:
0x0: {  	(pc) =	sbr.rel $0x88, $3  }
0x1: {  	(tag) =	ssettag $0x0;
	lr =	simm.s32 $0x1  }
0x2: {  	[smem:$0x3F93] =	sst lr;
	_ =	strace $0xD0000000  }
0x3: {  	_ = 	snop  }
0x4: {  	_ = 	snop  }
0x5: {  	_ = 	snop  }
0x6: {  	_ = 	snop  }
0x7: {  	_ = 	snop  }
__scs_overlays_trampoline_lowered:
0x8: {  	[smem:$0x3FA2] =	sst s0  }
0x9: {  	[smem:$0x3FA3] =	sst s1  }
0xa: {  	[smem:$0x3FA4] =	sst s2  }
0xb: {  	[smem:$0x3FA5] =	sst s3  }
0xc: {  	[smem:$0x3FA6] =	sst s4  }
0xd: {  	[smem:$0x3FA7] =	sst s5  }
0xe: {  	[smem:$0x3FA8] =	sst s6  }
0xf: {  	[smem:$0x3FA9] =	sst s7  }
0x10: {  	[smem:$0x3FAA] =	sst s8  }
0x11: {  	[smem:$0x3FAB] =	sst s9;
	s0 =	simm.s32 @!p0 $0x0  }
0x12: {  	s1 =	sld [smem:$0x3F91];
	s0 =	simm.s32 @p0 $0x1  }
0x13: {  	[smem:$0x3FAC] =	sst s0;
	s0 =	simm.s32 @!p1 $0x0  }
0x14: {  	s2 =	sld [smem:$0x3F90];
	s0 =	simm.s32 @p1 $0x1  }
0x15: {  	[smem:$0x3FAD] =	sst s0;
	s0 =	simm.s32 @!p2 $0x0  }
0x16: {  	s3 =	sld [smem:$0x3FDB];
	s0 =	simm.s32 @p2 $0x1  }
0x17: {  	s4 =	simm.s32 $0x1BF5;
	[smem:$0x3FAF] =	sst s0  }
0x18: {  	s0 =	sld [smem:$0x3F92];
	_ =	swait.ge [sflag:s4], $0x0  }
0x19: {  	s7 =	sld [smem:$0x3F93]  }
0x1a: {  	s8 =	sadd.s32 $0xFFFFE003, lr  }
0x1b: {  	s9 =	sadd.s32 $0xFFFFFEF7, lr;
	s5 =	simm.s32 $0xFFFFFFFF;
	p2 =	slt.u32 s8, $0xFFFFF086  }
0x1c: {  	p1 =	slt.u32 s9, $0xF7A;
	s5 =	simm.s32 @!p2 $0x0  }
0x1d: {  	s5 =	simm.s32 @p1 $0x1;
	p0 =	seq.s32 s7, s2  }
0x1e: {  	s7 =	smul.u32 @!p0 $0xF7A, s2;
	p2 =	seq.s32 @!p0 s5, $0x0  }
0x1f: {  	s9 =	smul.u32 $0xF7A, s1;
	s8 =	simm.s32 @!p0 $0x1BF5;
	p2 =	por !p2, p0  }
0x20: {  	[sflag:s8] =	ssyncset.s32 @!p0 $0xFFFFF086;
	s6 =	sadd.s32 @!p0 s3, s7;
	s7 =	simm.s32 @!p0 $0x108  }
0x21: {  	s3 =	sadd.s32 s3, s9;
	s6 =	sadd.s32 @!p0 $0x88, s6;
	s7 =	simm.s32 @p2 $0x1082  }
0x22: {  	[simem:s7], [sflag:s8] =	dma.local @!p0 [hbm:s6], $0xF7A  }
0x23: {  	s9 =	sor.u32 $0xD0000000, s2;
	s6 =	simm.s32 $0x108;
	_ =	swait.ge @!p0 [sflag:s8], $0x0  }
0x24: {  	s3 =	sadd.s32 $0x88, s3;
	s6 =	simm.s32 @!p1 $0x1082;
	[sflag:s4] =	ssyncset.s32 $0xFFFFF086  }
0x25: {  	[simem:s6], [sflag:s4] =	dma.local [hbm:s3], $0xF7A  }
0x26: {  	[smem:$0x3F93] =	sst s1;
	(tag) =	ssettag s2;
	_ =	strace s9  }
0x27: {  	s1 =	sld [smem:$0x3FA3]  }
0x28: {  	s2 =	sld [smem:$0x3FA4]  }
0x29: {  	s4 =	sld [smem:$0x3FA6]  }
0x2a: {  	p0 =	seq.s32 s5, $0x0;
	s5 =	sld [smem:$0x3FA7]  }
0x2b: {  	s6 =	sld [smem:$0x3FA8]  }
0x2c: {  	s7 =	sld [smem:$0x3FA9]  }
0x2d: {  	s3 =	simm.s32 $0x108;
	s8 =	sld [smem:$0x3FAA]  }
0x2e: {  	s3 =	simm.s32 @!p0 $0x1082;
	s9 =	sld [smem:$0x3FAB]  }
0x2f: {  	lr =	sadd.s32 s0, s3;
	s0 =	sld [smem:$0x3FA2]  }
0x30: {  	s3 =	sld [smem:$0x3FA5]  }
0x31: {  	[smem:$0x3FAE] =	sst s10  }
0x32: {  	s10 =	sld [smem:$0x3FAC];
	_ =	sdelay $0x3  }
0x33: {  	p0 =	seq.s32 s10, $0x1;
	s10 =	sld [smem:$0x3FAE];
	_ =	sdelay $0x3  }
0x34: {  	[smem:$0x3FAE] =	sst s10  }
0x35: {  	s10 =	sld [smem:$0x3FAD];
	_ =	sdelay $0x3  }
0x36: {  	p1 =	seq.s32 s10, $0x1;
	s10 =	sld [smem:$0x3FAE];
	_ =	sdelay $0x3  }
0x37: {  	[smem:$0x3FAE] =	sst s10  }
0x38: {  	s10 =	sld [smem:$0x3FAF]  }
0x39: {  	_ = 	snop;
	(pc) =	sbr.ind lr, $3  }
0x3a: {  	_ = 	snop  }
0x3b: {  	_ = 	snop  }
0x3c: {  	p2 =	seq.s32 s10, $0x1;
	s10 =	sld [smem:$0x3FAE]  }
0x3d: {  	_ =	shalt  }
0x3e: {  	_ =	shalt  }
0x3f: {  	_ =	shalt  }
0x40: {  	_ =	shalt  }
0x41: {  	_ =	shalt  }
0x42: {  	_ =	shalt  }
0x43: {  	_ =	shalt  }
0x44: {  	_ =	shalt  }
0x45: {  	_ =	shalt  }
0x46: {  	_ =	shalt  }
0x47: {  	_ =	shalt  }
0x48: {  	_ =	shalt  }
0x49: {  	_ =	shalt  }
0x4a: {  	_ =	shalt  }
0x4b: {  	_ =	shalt  }
0x4c: {  	_ =	shalt  }
0x4d: {  	_ =	shalt  }
0x4e: {  	_ =	shalt  }
0x4f: {  	_ =	shalt  }
0x50: {  	_ =	shalt  }
0x51: {  	_ =	shalt  }
0x52: {  	_ =	shalt  }
0x53: {  	_ =	shalt  }
0x54: {  	_ =	shalt  }
0x55: {  	_ =	shalt  }
0x56: {  	_ =	shalt  }
0x57: {  	_ =	shalt  }
0x58: {  	_ =	shalt  }
0x59: {  	_ =	shalt  }
0x5a: {  	_ =	shalt  }
0x5b: {  	_ =	shalt  }
0x5c: {  	_ =	shalt  }
0x5d: {  	_ =	shalt  }
0x5e: {  	_ =	shalt  }
0x5f: {  	_ =	shalt  }
0x60: {  	_ =	shalt  }
0x61: {  	_ =	shalt  }
0x62: {  	_ =	shalt  }
0x63: {  	_ =	shalt  }
0x64: {  	_ =	shalt  }
0x65: {  	_ =	shalt  }
0x66: {  	_ =	shalt  }
0x67: {  	_ =	shalt  }
0x68: {  	_ =	shalt  }
0x69: {  	_ =	shalt  }
0x6a: {  	_ =	shalt  }
0x6b: {  	_ =	shalt  }
0x6c: {  	_ =	shalt  }
0x6d: {  	_ =	shalt  }
0x6e: {  	_ =	shalt  }
0x6f: {  	_ =	shalt  }
0x70: {  	_ =	shalt  }
0x71: {  	_ =	shalt  }
0x72: {  	_ =	shalt  }
0x73: {  	_ =	shalt  }
0x74: {  	_ =	shalt  }
0x75: {  	_ =	shalt  }
0x76: {  	_ =	shalt  }
0x77: {  	_ =	shalt  }
0x78: {  	_ =	shalt  }
0x79: {  	_ =	shalt  }
0x7a: {  	_ =	shalt  }
0x7b: {  	_ =	shalt  }
0x7c: {  	_ =	shalt  }
0x7d: {  	_ =	shalt  }
0x7e: {  	_ =	shalt  }
0x7f: {  	_ =	shalt  }
0x80: {  	_ =	shalt  }
0x81: {  	_ =	shalt  }
0x82: {  	_ =	shalt  }
0x83: {  	_ =	shalt  }
0x84: {  	_ =	shalt  }
0x85: {  	_ =	shalt  }
0x86: {  	_ =	shalt  }
0x87: {  	_ =	shalt  }
.Lfunc_end0:
.L_simem_size_0:
called_computation.1_lowered:
.L_overlay_start_0:
0x88: {  	s2 =	sld [smem:$0x3FD9]  }
0x89: {  	s3 =	sld [smem:$0x3FFE];
	_ =	sdelay $0x1  }
0x8a: {  	s1 =	srdreg.scid  }
0x8b: {  	s0 =	sand.u32 $0x1, s1  }
0x8c: {  	s16 =	sshll.u32 s0, $0xA;
	s2 =	sadd.s32 s3, s2  }
0x8d: {  	s2 =	sadd.s32 s2, s16  }
0x8e: {  	[smem:$0x3FBA] =	sst s2  }
0x8f: {  	_ = 	snop  }
0x90: {  	(tm) =	ssettm $0x1  }
0x91: {  	s17 =	sld [smem:$0x3FFB];
	_ =	sdelay $0x3  }
0x92: {  	_ =	strace s17  }
0x93: {  	s2 =	sld [smem:$0x3FFC];
	_ =	sdelay $0x3  }
0x94: {  	_ =	strace s2  }
0x95: {  	s2 =	sld [smem:$0x3FFD];
	_ =	sdelay $0x3  }
0x96: {  	_ =	strace s2  }
0x97: {  	_ =	strace $0x8FFFFFFF  }
0x98: {  	s18 =	sld [smem:$0x3FDB];
	_ =	sdelay $0x1  }
0x99: {  	s19 =	simm.s32 $_scs_section_size  }
0x9a: {  	s4 =	simm.s32 $_size__tile_overlayer_lowered;
	s5 =	simm.s32 $_tile_overlayer_lowered  }
0x9b: {  	s22 =	simm.s32 $0x1BFF;
	s21 =	sshll.u32 s5, $0x1;
	s2 =	sadd.s32 s19, s18  }
0x9c: {  	s6 =	simm.s32 $0x0;
	s20 =	sshll.u32 s4, $0x1;
	s4 =	sadd.s32 s21, s2  }
0x9d: {  	[timem:s6], [sflag:s22] =	dma.local [hbm:s4], s20  }
0x9e: {  	_ =	swait.ge [sflag:s22], s20  }
0x9f: {  	s3 =	ssub.s32 $0x0, s20;
	[sflag:s22] =	ssyncset.done $0x0  }
0xa0: {  	[sflag:s22] =	ssyncadd.s32 s3;
	_ =	sdelay $0x1  }
0xa1: {  	s23 =	simm.s32 $0x1B8B  }
0xa2: {  	_ =	swait.ge [sflag:s23], $0x1  }
0xa3: {  	[sflag:s23] =	ssyncset.done $0x0  }
0xa4: {  	s25 =	simm.s32 $0x1B8E;
	s24 =	sld [smem:$0x3FFE];
	[sflag:s23] =	ssyncadd.s32 $0xFFFFFFFF  }
0xa5: {  	s26 =	simm.s32 $execute0_lowered;
	[smem:$0x3FD2] =	sst s25  }
0xa6: {  	s4 =	sshll.u32 s26, $0x1;
	_ =	strace $0x80000049;
	[dreg:$0x1] =	wrdreg $0xFFFFFFFF  }
0xa7: {  	s28 =	simm.s32 $_size_execute0_lowered;
	s2 =	sadd.s32 s2, s4;
	[dreg:$0x0] =	wrdreg $0x0  }
0xa8: {  	s4 =	sshll.u32 s28, $0x1;
	[dreg:$0x2] =	wrdreg s2  }
0xa9: {  	[dreg:$0x3] =	wrdreg s4  }
0xaa: {  	[dreg:$0x4] =	wrdreg $0xC0  }
0xab: {  	_ =	task [dreg:s6], $0x5FFFF  }
0xac: {  	[dreg:$0x1] =	wrdreg $0xFFFFFFFF  }
0xad: {  	[dreg:$0x0] =	wrdreg $0x60  }
0xae: {  	[dreg:$0x2] =	wrdreg s24  }
0xaf: {  	[dreg:$0x3] =	wrdreg $0xA8000  }
0xb0: {  	[dreg:$0x4] =	wrdreg $0x9  }
0xb1: {  	_ =	task.clear_ibuf [dreg:s6], $0x5FFFF;
	_ =	strace $0x90000049  }
0xb2: {  	s29 =	simm.s32 $0x9;
	_ =	strace $0x8000004B  }
0xb3: {  	_ =	swait.ge [sflag:s29], $0x1  }
0xb4: {  	[sflag:s29] =	ssyncadd.s32 $0xFFFFFFFF  }
0xb5: {  	_ =	strace $0x9000004B  }
0xb6: {  	_ =	sfence  }
0xb7: {  	s30 =	sld [smem:$0x0];
	_ =	sdelay $0x2  }
0xb8: {  	s31 =	sshll.u32 s1, $0xD;
	s1 =	sshrl.u32 s1, $0x2  }
0xb9: {  	s3 =	sand.u32 $0x4000, s31;
	s1 =	sadd.s32 s1, s30  }
0xba: {  	s0 =	sor.u32 s3, s0;
	s1 =	sshll.u32 s1, $0x11  }
0xbb: {  	s0 =	sor.u32 s1, s0  }
0xbc: {  	s0 =	sadd.s32 $0x8F2B, s0  }
0xbd: {  	[sflag:s0] =	ssyncadd.remote.s32 $0x1  }
0xbe: {  	_ =	sfence.sel $0xFFFF  }
0xbf: {  	[dreg:$0x0] =	wrdreg $0xFFFFFFFF;
	(pc) =	sbr.abs _section_cstart, $3  }
0xc0: {  	[dreg:$0x1] =	wrdreg $0xFFFFFFFF  }
0xc1: {  	_ =	task.clear_ibuf [dreg:s6], $0x2FFFF;
	_ =	strace $0x9FFFFFFF  }
0xc2: {  	(tm) =	ssettm $0x7FFFFFFF  }
0xc3: {  	_ =	shalt  }
tec
execute0_lowered:
.L_overlay_start_1:
0x0: {  	(tag) =	ssettag $0x1  }
0x1: {  	s1 =	srdreg.scid  }
0x2: {  	s0 =	stileid.u32;
	s4 =	rddreg [dreg:$0x0]  }
0x3: {  	s2 =	rddreg [dreg:$0x1];
	s3 =	simm.s32 $0x0;
	s16 =	simm.s32 $0x1  }
0x4: {  	s17 =	simm.s32 $0x80;
	s18 =	simm.s32 $0x2;
	s19 =	simm.s32 $0x2700  }
0x5: {  	s20 =	simm.s32 $0x2780;
	s21 =	simm.s32 $0x0;
	s6 =	sand.u32 $0x1, s1  }
0x6: {  	s26 =	sshll.u32 s0, $0x1;
	s1 =	rddreg [dreg:$0x2];
	s8 =	smul.u32 $0x14000, s0  }
0x7: {  	[smem:$0x7FF] =	sst s3;
	s10 =	sadd.s32 $0x572A00, s4;
	s12 =	smul.u32 $0x50000, s0  }
0x8: {  	s14 =	sshll.u32 s0, $0x6;
	s5 =	sor.u32 s6, s26;
	s9 =	smul.u32 $0x140000, s6  }
0x9: {  	_ =	strace $0x8000004A;
	s28 =	ssub.s32 $0x2, s6;
	s31 =	smul.u32 $0x28000, s6  }
0xa: {  	s7 =	smul.u32 $0x2800, s5;
	s11 =	sshrl.u32 s8, $0x3;
	s13 =	sshrl.u32 s28, $0x1  }
0xb: {  	s29 =	sshrl.u32 s12, $0x2;
	s15 =	smul.u32 $0x28000, s5;
	s5 =	sor.u32 $0x1C03, s14  }
0xc: {  	s14 =	simm.s32 $0x2800;
	s8 =	sadd.s32 s8, s9;
	s11 =	sadd.s32 s11, s4  }
0xd: {  	s9 =	ssub.s32 s28, s13;
	s30 =	sadd.s32 s29, s2;
	s13 =	simm.s32 $0x3  }
0xe: {  	s7 =	sshrl.u32 s7, $0x3;
	s8 =	sshrl.u32 s8, $0x3;
	s9 =	smax.u32 s9, $0x1  }
0xf: {  	s7 =	sadd.s32 s7, s4;
	s8 =	sadd.s32 s8, s4;
	s4 =	sadd.s32 $0x19800, s11  }
0x10: {  	s6 =	sadd.s32 $0x568A00, s7;
	s7 =	sadd.s32 s10, s15;
	s10 =	sadd.s32 s12, s10  }
0x11: {  	s8 =	sadd.s32 $0x41800, s8;
	s12 =	sshrl.u32 s30, $0x3;
	s11 =	sadd.s32 s31, s10  }
0x12: {  	s15 =	simm.s32 $0x6800;
	s10 =	sadd.s32 $0x27800, s7;
	s11 =	sadd.s32 $0x1000, s11  }
.LBB2_1:
0x13: {  	[spmem:s12], [sflag:s5] =	dma.local [hbm:s4], $0x2800  }
0x14: {  	_ =	swait.ge [sflag:s13], $0x2800  }
0x15: {  	[sflag:s13] =	ssyncset.done $0x0  }
0x16: {  	[sflag:s13] =	ssyncadd.s32 $0xFFFFD800  }
0x17: {  	[tilespmem:s3], [sflag:$0x3] =	stream.linear.gather [hbm4b:s6+s3], $0x2800, $0x38;
	[tilespmem:$0x1E800] =	vst v63  }
0x18: {  	_ =	swait.ge [sflag:s13], $0x2800  }
0x19: {  	[sflag:s13] =	ssyncset.done $0x0  }
0x1a: {  	[sflag:s13] =	ssyncadd.s32 $0xFFFFD800  }
0x1b: {  	[bflag:$0x0] =	sbarrier.arrive $0xFFFF  }
0x1c: {  	[tilespmem:s14], [sflag:$0x1] =	stream.linear.gather [hbm4b:s7+s3], $0x4000, $0x38;
	[tilespmem:$0x1E800] =	vst v63  }
0x1d: {  	s22 =	sadd.s32 $0xFFFFF800, s11  }
0x1e: {  	[tilespmem:s15], [sflag:$0x2] =	stream.linear.gather [hbm4b:s22+s3], $0x4000, $0x38;
	[tilespmem:$0x1E800] =	vst v63  }
0x1f: {  	_ =	swait.ge [sflag:s16], $0x4000  }
0x20: {  	[sflag:s16] =	ssyncset.done $0x0  }
0x21: {  	s30 =	simm.s32 $0x0;
	[sflag:s16] =	ssyncadd.s32 $0xFFFFC000  }
0x22: {  	[spmem:s2] =	stream.indirect.scatter.add.f32 [tilespmem:s14], [sflag:$0x3], $0x80, s30, s17, $0xb8;
	[tilespmem:$0x1E800] =	vst v63  }
0x23: {  	_ =	swait.ge [sflag:s13], $0x4000  }
0x24: {  	[sflag:s13] =	ssyncset.done $0x0  }
0x25: {  	[sflag:s13] =	ssyncadd.s32 $0xFFFFC000  }
0x26: {  	[tilespmem:s14], [sflag:$0x1] =	stream.linear.gather [hbm4b:s11+s3], $0x4000, $0x38;
	[tilespmem:$0x1E800] =	vst v63  }
0x27: {  	_ =	swait.ge [sflag:s18], $0x4000  }
0x28: {  	[sflag:s18] =	ssyncset.done $0x0  }
0x29: {  	s31 =	simm.s32 $0x80;
	[sflag:s18] =	ssyncadd.s32 $0xFFFFC000  }
0x2a: {  	[spmem:s2] =	stream.indirect.scatter.add.f32 [tilespmem:s15], [sflag:$0x3], $0x80, s31, s17, $0xb8;
	[tilespmem:$0x1E800] =	vst v63  }
0x2b: {  	s23 =	simm.s32 $0x400;
	_ =	swait.ge [sflag:s13], $0x4000  }
0x2c: {  	s24 =	simm.s32 $0x800;
	s22 =	sadd.s32 $0x1000, s11;
	[sflag:s13] =	ssyncset.done $0x0  }
.LBB2_2:
0x2d: {  	p0 =	sne.s32 s24, $0x9800;
	s25 =	sadd.s32 $0xFFFFF800, s22;
	[sflag:s13] =	ssyncadd.s32 $0xFFFFC000  }
0x2e: {  	[tilespmem:s15], [sflag:$0x2] =	stream.linear.gather [hbm4b:s25+s3], $0x4000, $0x38;
	[tilespmem:$0x1E800] =	vst v63  }
0x2f: {  	s25 =	smov.u32 s24;
	s24 =	sadd.s32 $0x400, s24;
	_ =	swait.ge [sflag:s16], $0x4000  }
0x30: {  	[sflag:s16] =	ssyncset.done $0x0  }
0x31: {  	s26 =	sshra.s32 s23, $0x2;
	s23 =	smov.u32 s25;
	[sflag:s16] =	ssyncadd.s32 $0xFFFFC000  }
0x32: {  	[spmem:s2] =	stream.indirect.scatter.add.f32 [tilespmem:s14], [sflag:$0x3], $0x80, s26, s17, $0xb8;
	[tilespmem:$0x1E800] =	vst v63  }
0x33: {  	_ =	swait.ge [sflag:s13], $0x4000  }
0x34: {  	[sflag:s13] =	ssyncset.done $0x0  }
0x35: {  	[sflag:s13] =	ssyncadd.s32 $0xFFFFC000  }
0x36: {  	[tilespmem:s14], [sflag:$0x1] =	stream.linear.gather [hbm4b:s22+s3], $0x4000, $0x38;
	[tilespmem:$0x1E800] =	vst v63  }
0x37: {  	_ =	swait.ge [sflag:s18], $0x4000  }
.Ltmp0:
0x38: {  	[sflag:s18] =	ssyncset.done $0x0;
	(pc) =	sbr.rel @p0 .LBB2_2-.Ltmp0, $4  }
0x39: {  	s25 =	sadd.s32 $0x80, s26;
	[sflag:s18] =	ssyncadd.s32 $0xFFFFC000  }
0x3a: {  	[spmem:s2] =	stream.indirect.scatter.add.f32 [tilespmem:s15], [sflag:$0x3], $0x80, s25, s17, $0xb8;
	[tilespmem:$0x1E800] =	vst v63  }
0x3b: {  	_ =	swait.ge [sflag:s13], $0x4000  }
0x3c: {  	s22 =	sadd.s32 $0x1000, s22;
	[sflag:s13] =	ssyncset.done $0x0  }
0x3d: {  	s24 =	sadd.s32 $0xFFFFF800, s22;
	[sflag:s13] =	ssyncadd.s32 $0xFFFFC000  }
0x3e: {  	[tilespmem:s15], [sflag:$0x2] =	stream.linear.gather [hbm4b:s24+s3], $0x4000, $0x38;
	[tilespmem:$0x1E800] =	vst v63  }
0x3f: {  	_ =	swait.ge [sflag:s16], $0x4000  }
0x40: {  	[sflag:s16] =	ssyncset.done $0x0  }
0x41: {  	s23 =	sshra.s32 s23, $0x2;
	[sflag:s16] =	ssyncadd.s32 $0xFFFFC000  }
0x42: {  	[spmem:s2] =	stream.indirect.scatter.add.f32 [tilespmem:s14], [sflag:$0x3], $0x80, s23, s17, $0xb8;
	[tilespmem:$0x1E800] =	vst v63  }
0x43: {  	_ =	swait.ge [sflag:s13], $0x4000  }
0x44: {  	[sflag:s13] =	ssyncset.done $0x0  }
0x45: {  	[sflag:s13] =	ssyncadd.s32 $0xFFFFC000  }
0x46: {  	[tilespmem:s14], [sflag:$0x1] =	stream.linear.gather [hbm4b:s22+s3], $0x4000, $0x38;
	[tilespmem:$0x1E800] =	vst v63  }
0x47: {  	_ =	swait.ge [sflag:s18], $0x4000  }
0x48: {  	[sflag:s18] =	ssyncset.done $0x0  }
0x49: {  	s31 =	sadd.s32 $0x80, s23;
	[sflag:s18] =	ssyncadd.s32 $0xFFFFC000  }
0x4a: {  	[spmem:s2] =	stream.indirect.scatter.add.f32 [tilespmem:s15], [sflag:$0x3], $0x80, s31, s17, $0xb8;
	[tilespmem:$0x1E800] =	vst v63  }
0x4b: {  	_ =	swait.ge [sflag:s13], $0x4000  }
0x4c: {  	[sflag:s13] =	ssyncset.done $0x0  }
0x4d: {  	[sflag:s13] =	ssyncadd.s32 $0xFFFFC000  }
0x4e: {  	[tilespmem:s15], [sflag:$0x2] =	stream.linear.gather [hbm4b:s10+s3], $0x4000, $0x38;
	[tilespmem:$0x1E800] =	vst v63  }
0x4f: {  	_ =	swait.ge [sflag:s16], $0x4000  }
0x50: {  	[sflag:s16] =	ssyncset.done $0x0  }
0x51: {  	[sflag:s16] =	ssyncadd.s32 $0xFFFFC000  }
0x52: {  	[spmem:s2] =	stream.indirect.scatter.add.f32 [tilespmem:s14], [sflag:$0x3], $0x80, s19, s17, $0xb8;
	[tilespmem:$0x1E800] =	vst v63  }
0x53: {  	_ =	swait.ge [sflag:s13], $0x4000  }
0x54: {  	[sflag:s13] =	ssyncset.done $0x0  }
0x55: {  	[sflag:s13] =	ssyncadd.s32 $0xFFFFC000  }
0x56: {  	_ =	swait.ge [sflag:s18], $0x4000  }
0x57: {  	[sflag:s18] =	ssyncset.done $0x0  }
0x58: {  	[sflag:s18] =	ssyncadd.s32 $0xFFFFC000  }
0x59: {  	[spmem:s2] =	stream.indirect.scatter.add.f32 [tilespmem:s15], [sflag:$0x3], $0x80, s20, s17, $0xb8;
	[tilespmem:$0x1E800] =	vst v63  }
0x5a: {  	_ =	swait.ge [sflag:s13], $0x4000  }
0x5b: {  	s21 =	sadd.s32 $0x1, s21;
	[sflag:s13] =	ssyncset.done $0x0  }
0x5c: {  	p0 =	sne.s32 s21, s9;
	[sflag:s13] =	ssyncadd.s32 $0xFFFFC000  }
.Ltmp1:
0x5d: {  	[bflag:$0x0] =	sbarrier.arrive $0xFFFF;
	(pc) =	sbr.rel @p0 .LBB2_1-.Ltmp1, $4  }
0x5e: {  	[hbm:s8], [sflag:s5] =	dma.local [spmem:s12], $0x2800  }
0x5f: {  	_ =	swait.ge [sflag:s13], $0x2800  }
0x60: {  	[sflag:s13] =	ssyncset.done $0x0  }
0x61: {  	[sflag:s13] =	ssyncadd.s32 $0xFFFFD800  }
0x62: {  	_ =	sfence.sel $0x180000  }
0x63: {  	[bflag:$0x0] =	sbarrier.arrive $0xFFFF  }
0x64: {  	p0 =	sne.s32 s0, $0x0;
	_ =	strace $0x9000004A  }
0x65: {  	s0 =	sadd.s32 @!p0 $0x100000, s1;
	[bflag:$0x2] =	sbarrier.arrive $0xFFFF  }
0x66: {  	[sflag:s0] =	ssyncadd.tile.s32 @!p0 $0x1;
	_ =	shalt  }
.Lfunc_end2:
_tile_overlayer_lowered:
.L_overlay_start_2:
0x67: {  	(tag) =	ssettag $0x2  }
0x68: {  	s0 =	rddreg [dreg:$0x0];
	s2 =	stileid.u32  }
0x69: {  	s1 =	rddreg [dreg:$0x1];
	p0 =	sne.s32 s2, $0x0  }
0x6a: {  	s3 =	rddreg [dreg:$0x2];
	[bflag:$0x3] =	sbarrier.arrive $0xFFFF;
	s2 =	simm.s32 @!p0 $0x1C03  }
0x6b: {  	[timem:s3], [sflag:s2] =	dma.local @!p0 [hbm:s0], s1  }
0x6c: {  	s0 =	simm.s32 @!p0 $0x3  }
0x6d: {  	_ =	swait.ge @!p0 [sflag:s0], s1  }
0x6e: {  	s1 =	ssub.s32 @!p0 $0x0, s1;
	[sflag:s0] =	ssyncset.done @!p0 $0x0  }
0x6f: {  	[sflag:s0] =	ssyncadd.s32 @!p0 s1  }
0x70: {  	[bflag:$0x3] =	sbarrier.arrive $0xFFFF  }
0x71: {  	_ =	shalt  }

// kernel: kernel.14.cloned.1.call-start
scs
__scs_entry_jumppad:
0x0: {  	(pc) =	sbr.rel $0x88, $3  }
0x1: {  	(tag) =	ssettag $0x0;
	lr =	simm.s32 $0x1  }
0x2: {  	[smem:$0x3F93] =	sst lr;
	_ =	strace $0xD0000000  }
0x3: {  	_ = 	snop  }
0x4: {  	_ = 	snop  }
0x5: {  	_ = 	snop  }
0x6: {  	_ = 	snop  }
0x7: {  	_ = 	snop  }
__scs_overlays_trampoline_lowered:
0x8: {  	[smem:$0x3FA2] =	sst s0  }
0x9: {  	[smem:$0x3FA3] =	sst s1  }
0xa: {  	[smem:$0x3FA4] =	sst s2  }
0xb: {  	[smem:$0x3FA5] =	sst s3  }
0xc: {  	[smem:$0x3FA6] =	sst s4  }
0xd: {  	[smem:$0x3FA7] =	sst s5  }
0xe: {  	[smem:$0x3FA8] =	sst s6  }
0xf: {  	[smem:$0x3FA9] =	sst s7  }
0x10: {  	[smem:$0x3FAA] =	sst s8  }
0x11: {  	[smem:$0x3FAB] =	sst s9;
	s0 =	simm.s32 @!p0 $0x0  }
0x12: {  	s1 =	sld [smem:$0x3F91];
	s0 =	simm.s32 @p0 $0x1  }
0x13: {  	[smem:$0x3FAC] =	sst s0;
	s0 =	simm.s32 @!p1 $0x0  }
0x14: {  	s2 =	sld [smem:$0x3F90];
	s0 =	simm.s32 @p1 $0x1  }
0x15: {  	[smem:$0x3FAD] =	sst s0;
	s0 =	simm.s32 @!p2 $0x0  }
0x16: {  	s3 =	sld [smem:$0x3FDB];
	s0 =	simm.s32 @p2 $0x1  }
0x17: {  	s4 =	simm.s32 $0x1BF5;
	[smem:$0x3FAF] =	sst s0  }
0x18: {  	s0 =	sld [smem:$0x3F92];
	_ =	swait.ge [sflag:s4], $0x0  }
0x19: {  	s7 =	sld [smem:$0x3F93]  }
0x1a: {  	s8 =	sadd.s32 $0xFFFFE003, lr  }
0x1b: {  	s9 =	sadd.s32 $0xFFFFFEF7, lr;
	s5 =	simm.s32 $0xFFFFFFFF;
	p2 =	slt.u32 s8, $0xFFFFF086  }
0x1c: {  	p1 =	slt.u32 s9, $0xF7A;
	s5 =	simm.s32 @!p2 $0x0  }
0x1d: {  	s5 =	simm.s32 @p1 $0x1;
	p0 =	seq.s32 s7, s2  }
0x1e: {  	s7 =	smul.u32 @!p0 $0xF7A, s2;
	p2 =	seq.s32 @!p0 s5, $0x0  }
0x1f: {  	s9 =	smul.u32 $0xF7A, s1;
	s8 =	simm.s32 @!p0 $0x1BF5;
	p2 =	por !p2, p0  }
0x20: {  	[sflag:s8] =	ssyncset.s32 @!p0 $0xFFFFF086;
	s6 =	sadd.s32 @!p0 s3, s7;
	s7 =	simm.s32 @!p0 $0x108  }
0x21: {  	s3 =	sadd.s32 s3, s9;
	s6 =	sadd.s32 @!p0 $0x88, s6;
	s7 =	simm.s32 @p2 $0x1082  }
0x22: {  	[simem:s7], [sflag:s8] =	dma.local @!p0 [hbm:s6], $0xF7A  }
0x23: {  	s9 =	sor.u32 $0xD0000000, s2;
	s6 =	simm.s32 $0x108;
	_ =	swait.ge @!p0 [sflag:s8], $0x0  }
0x24: {  	s3 =	sadd.s32 $0x88, s3;
	s6 =	simm.s32 @!p1 $0x1082;
	[sflag:s4] =	ssyncset.s32 $0xFFFFF086  }
0x25: {  	[simem:s6], [sflag:s4] =	dma.local [hbm:s3], $0xF7A  }
0x26: {  	[smem:$0x3F93] =	sst s1;
	(tag) =	ssettag s2;
	_ =	strace s9  }
0x27: {  	s1 =	sld [smem:$0x3FA3]  }
0x28: {  	s2 =	sld [smem:$0x3FA4]  }
0x29: {  	s4 =	sld [smem:$0x3FA6]  }
0x2a: {  	p0 =	seq.s32 s5, $0x0;
	s5 =	sld [smem:$0x3FA7]  }
0x2b: {  	s6 =	sld [smem:$0x3FA8]  }
0x2c: {  	s7 =	sld [smem:$0x3FA9]  }
0x2d: {  	s3 =	simm.s32 $0x108;
	s8 =	sld [smem:$0x3FAA]  }
0x2e: {  	s3 =	simm.s32 @!p0 $0x1082;
	s9 =	sld [smem:$0x3FAB]  }
0x2f: {  	lr =	sadd.s32 s0, s3;
	s0 =	sld [smem:$0x3FA2]  }
0x30: {  	s3 =	sld [smem:$0x3FA5]  }
0x31: {  	[smem:$0x3FAE] =	sst s10  }
0x32: {  	s10 =	sld [smem:$0x3FAC];
	_ =	sdelay $0x3  }
0x33: {  	p0 =	seq.s32 s10, $0x1;
	s10 =	sld [smem:$0x3FAE];
	_ =	sdelay $0x3  }
0x34: {  	[smem:$0x3FAE] =	sst s10  }
0x35: {  	s10 =	sld [smem:$0x3FAD];
	_ =	sdelay $0x3  }
0x36: {  	p1 =	seq.s32 s10, $0x1;
	s10 =	sld [smem:$0x3FAE];
	_ =	sdelay $0x3  }
0x37: {  	[smem:$0x3FAE] =	sst s10  }
0x38: {  	s10 =	sld [smem:$0x3FAF]  }
0x39: {  	_ = 	snop;
	(pc) =	sbr.ind lr, $3  }
0x3a: {  	_ = 	snop  }
0x3b: {  	_ = 	snop  }
0x3c: {  	p2 =	seq.s32 s10, $0x1;
	s10 =	sld [smem:$0x3FAE]  }
0x3d: {  	_ =	shalt  }
0x3e: {  	_ =	shalt  }
0x3f: {  	_ =	shalt  }
0x40: {  	_ =	shalt  }
0x41: {  	_ =	shalt  }
0x42: {  	_ =	shalt  }
0x43: {  	_ =	shalt  }
0x44: {  	_ =	shalt  }
0x45: {  	_ =	shalt  }
0x46: {  	_ =	shalt  }
0x47: {  	_ =	shalt  }
0x48: {  	_ =	shalt  }
0x49: {  	_ =	shalt  }
0x4a: {  	_ =	shalt  }
0x4b: {  	_ =	shalt  }
0x4c: {  	_ =	shalt  }
0x4d: {  	_ =	shalt  }
0x4e: {  	_ =	shalt  }
0x4f: {  	_ =	shalt  }
0x50: {  	_ =	shalt  }
0x51: {  	_ =	shalt  }
0x52: {  	_ =	shalt  }
0x53: {  	_ =	shalt  }
0x54: {  	_ =	shalt  }
0x55: {  	_ =	shalt  }
0x56: {  	_ =	shalt  }
0x57: {  	_ =	shalt  }
0x58: {  	_ =	shalt  }
0x59: {  	_ =	shalt  }
0x5a: {  	_ =	shalt  }
0x5b: {  	_ =	shalt  }
0x5c: {  	_ =	shalt  }
0x5d: {  	_ =	shalt  }
0x5e: {  	_ =	shalt  }
0x5f: {  	_ =	shalt  }
0x60: {  	_ =	shalt  }
0x61: {  	_ =	shalt  }
0x62: {  	_ =	shalt  }
0x63: {  	_ =	shalt  }
0x64: {  	_ =	shalt  }
0x65: {  	_ =	shalt  }
0x66: {  	_ =	shalt  }
0x67: {  	_ =	shalt  }
0x68: {  	_ =	shalt  }
0x69: {  	_ =	shalt  }
0x6a: {  	_ =	shalt  }
0x6b: {  	_ =	shalt  }
0x6c: {  	_ =	shalt  }
0x6d: {  	_ =	shalt  }
0x6e: {  	_ =	shalt  }
0x6f: {  	_ =	shalt  }
0x70: {  	_ =	shalt  }
0x71: {  	_ =	shalt  }
0x72: {  	_ =	shalt  }
0x73: {  	_ =	shalt  }
0x74: {  	_ =	shalt  }
0x75: {  	_ =	shalt  }
0x76: {  	_ =	shalt  }
0x77: {  	_ =	shalt  }
0x78: {  	_ =	shalt  }
0x79: {  	_ =	shalt  }
0x7a: {  	_ =	shalt  }
0x7b: {  	_ =	shalt  }
0x7c: {  	_ =	shalt  }
0x7d: {  	_ =	shalt  }
0x7e: {  	_ =	shalt  }
0x7f: {  	_ =	shalt  }
0x80: {  	_ =	shalt  }
0x81: {  	_ =	shalt  }
0x82: {  	_ =	shalt  }
0x83: {  	_ =	shalt  }
0x84: {  	_ =	shalt  }
0x85: {  	_ =	shalt  }
0x86: {  	_ =	shalt  }
0x87: {  	_ =	shalt  }
.Lfunc_end0:
.L_simem_size_0:
called_computation.2_lowered:
.L_overlay_start_0:
0x88: {  	s2 =	sld [smem:$0x3FD9]  }
0x89: {  	s3 =	sld [smem:$0x3FFE];
	_ =	sdelay $0x1  }
0x8a: {  	s1 =	srdreg.scid  }
0x8b: {  	s0 =	sand.u32 $0x1, s1  }
0x8c: {  	s15 =	sshll.u32 s0, $0xA;
	s2 =	sadd.s32 s3, s2  }
0x8d: {  	s2 =	sadd.s32 s2, s15  }
0x8e: {  	[smem:$0x3FBA] =	sst s2  }
0x8f: {  	_ = 	snop  }
0x90: {  	s2 =	sld [smem:$0x3FD0];
	_ =	sdelay $0x2  }
0x91: {  	s16 =	simm.s32 $0xB;
	s4 =	simm.s32 $0x10  }
0x92: {  	[smem:s4], [sflag:s16] =	dma.local [hbm:s2], $0x1  }
0x93: {  	_ =	swait.eq [sflag:s16], $0x1  }
0x94: {  	[sflag:s16] =	ssyncset.done $0x0  }
0x95: {  	[sflag:s16] =	ssyncadd.s32 $0xFFFFFFFF  }
0x96: {  	s17 =	sld [smem:$0x10];
	(tm) =	ssettm $0x1  }
0x97: {  	s18 =	sld [smem:$0x3FFB];
	_ =	sdelay $0x3  }
0x98: {  	_ =	strace s18  }
0x99: {  	s2 =	sld [smem:$0x3FFC];
	_ =	sdelay $0x3  }
0x9a: {  	_ =	strace s2  }
0x9b: {  	s2 =	sld [smem:$0x3FFD];
	_ =	sdelay $0x3  }
0x9c: {  	_ =	strace s2  }
0x9d: {  	_ =	strace $0x8FFFFFFF  }
0x9e: {  	s19 =	sld [smem:$0x3FDB];
	_ =	sdelay $0x1  }
0x9f: {  	s20 =	simm.s32 $_scs_section_size  }
0xa0: {  	s5 =	simm.s32 $_size__tile_overlayer_lowered;
	s6 =	simm.s32 $_tile_overlayer_lowered  }
0xa1: {  	s7 =	simm.s32 $0x1BFF;
	s21 =	sshll.u32 s6, $0x1;
	s4 =	sadd.s32 s20, s19  }
0xa2: {  	s22 =	simm.s32 $0x0;
	s5 =	sshll.u32 s5, $0x1;
	s6 =	sadd.s32 s21, s4  }
0xa3: {  	[timem:s22], [sflag:s7] =	dma.local [hbm:s6], s5  }
0xa4: {  	_ =	swait.ge [sflag:s7], s5  }
0xa5: {  	s5 =	ssub.s32 $0x0, s5;
	[sflag:s7] =	ssyncset.done $0x0  }
0xa6: {  	[sflag:s7] =	ssyncadd.s32 s5;
	_ =	sdelay $0x1  }
0xa7: {  	s23 =	simm.s32 $0x1B8B  }
0xa8: {  	_ =	swait.ge [sflag:s23], $0x1  }
0xa9: {  	[sflag:s23] =	ssyncset.done $0x0  }
0xaa: {  	[sflag:s23] =	ssyncadd.s32 $0xFFFFFFFF  }
0xab: {  	s5 =	sld [smem:$0x0]  }
0xac: {  	s6 =	sand.u32 $0xFFFFFFFE, s1  }
0xad: {  	p0 =	sne.s32 s1, s6  }
0xae: {  	s6 =	sshll.u32 @p0 s6, $0xE  }
0xaf: {  	s6 =	sadd.s32 @p0 $0x11B8D, s6;
	s7 =	sshll.u32 @p0 s5, $0x11  }
0xb0: {  	s6 =	sor.u32 @p0 s7, s6  }
0xb1: {  	[sflag:s6] =	ssyncadd.remote.s32 @p0 $0x1;
	_ =	sdelay $0x1  }
0xb2: {  	s6 =	simm.s32 @p0 $0x1B8D  }
0xb3: {  	_ =	swait.eq @p0 [sflag:s6], $0x1  }
0xb4: {  	[sflag:s6] =	ssyncadd.s32 @p0 $0xFFFFFFFF  }
0xb5: {  	s7 =	sshll.u32 @!p0 s1, $0xE  }
0xb6: {  	s7 =	sor.u32 @!p0 $0x4000, s7;
	s6 =	simm.s32 @!p0 $0x1B8D  }
0xb7: {  	s5 =	sshll.u32 @!p0 s5, $0x11;
	s7 =	sadd.s32 @!p0 $0x11B8D, s7;
	_ =	swait.eq @!p0 [sflag:s6], $0x1  }
0xb8: {  	s5 =	sor.u32 @!p0 s5, s7;
	[sflag:s6] =	ssyncadd.s32 @!p0 $0xFFFFFFFF  }
0xb9: {  	s25 =	simm.s32 $0x1B8E;
	s24 =	sld [smem:$0x3FFE];
	[sflag:s5] =	ssyncadd.remote.s32 @!p0 $0x1  }
0xba: {  	s26 =	simm.s32 $execute0_lowered;
	[smem:$0x3FD2] =	sst s25  }
0xbb: {  	s6 =	sshll.u32 s26, $0x1;
	_ =	strace $0x8000004C;
	[dreg:$0x1] =	wrdreg $0xFFFFFFFF  }
0xbc: {  	s28 =	simm.s32 $_size_execute0_lowered;
	s4 =	sadd.s32 s4, s6;
	[dreg:$0x0] =	wrdreg $0x0  }
0xbd: {  	s6 =	sshll.u32 s28, $0x1;
	[dreg:$0x2] =	wrdreg s4  }
0xbe: {  	[dreg:$0x3] =	wrdreg s6  }
0xbf: {  	[dreg:$0x4] =	wrdreg $0xC0  }
0xc0: {  	_ =	task [dreg:s22], $0x5FFFF  }
0xc1: {  	[dreg:$0x1] =	wrdreg $0xFFFFFFFF  }
0xc2: {  	[dreg:$0x0] =	wrdreg $0x60  }
0xc3: {  	[dreg:$0x2] =	wrdreg s17  }
0xc4: {  	[dreg:$0x3] =	wrdreg s24  }
0xc5: {  	[dreg:$0x4] =	wrdreg $0xA  }
0xc6: {  	_ =	task.clear_ibuf [dreg:s22], $0x5FFFF;
	_ =	strace $0x9000004C  }
0xc7: {  	s29 =	simm.s32 $0xA;
	_ =	strace $0x8000004E  }
0xc8: {  	_ =	swait.ge [sflag:s29], $0x1  }
0xc9: {  	[sflag:s29] =	ssyncadd.s32 $0xFFFFFFFF  }
0xca: {  	_ =	strace $0x9000004E  }
0xcb: {  	_ =	sfence  }
0xcc: {  	s30 =	sld [smem:$0x0];
	_ =	sdelay $0x2  }
0xcd: {  	s31 =	sshll.u32 s1, $0xD;
	s1 =	sshrl.u32 s1, $0x2  }
0xce: {  	s4 =	sand.u32 $0x4000, s31;
	s1 =	sadd.s32 s1, s30  }
0xcf: {  	s0 =	sor.u32 s4, s0;
	s1 =	sshll.u32 s1, $0x11  }
0xd0: {  	s0 =	sor.u32 s1, s0  }
0xd1: {  	s0 =	sadd.s32 $0x8F2B, s0  }
0xd2: {  	[sflag:s0] =	ssyncadd.remote.s32 $0x1  }
0xd3: {  	_ =	sfence.sel $0xFFFF  }
0xd4: {  	[dreg:$0x0] =	wrdreg $0xFFFFFFFF;
	(pc) =	sbr.abs _section_cstart, $3  }
0xd5: {  	[dreg:$0x1] =	wrdreg $0xFFFFFFFF  }
0xd6: {  	_ =	task.clear_ibuf [dreg:s22], $0x2FFFF;
	_ =	strace $0x9FFFFFFF  }
0xd7: {  	(tm) =	ssettm $0x7FFFFFFF  }
tec
execute0_lowered:
.L_overlay_start_1:
0x0: {  	(tag) =	ssettag $0x1  }
0x1: {  	s2 =	rddreg [dreg:$0x0]  }
0x2: {  	s9 =	rddreg [dreg:$0x1]  }
0x3: {  	s0 =	rddreg [dreg:$0x2]  }
0x4: {  	s4 =	srdreg.scid;
	s1 =	stileid.u32;
	s3 =	simm.s32 $0x0  }
0x5: {  	s14 =	simm.s32 $0x3200;
	s15 =	simm.s32 $0x1;
	s16 =	simm.s32 $0x5A00  }
0x6: {  	s17 =	simm.s32 $0x8200;
	s18 =	simm.s32 $0x2800;
	s19 =	simm.s32 $0xA00  }
0x7: {  	s20 =	simm.s32 $0x1400;
	s21 =	simm.s32 $0x1E00;
	s22 =	simm.s32 $0x0  }
0x8: {  	s26 =	simm.s32 $0x0;
	s8 =	sand.u32 $0x1, s4;
	s30 =	sshll.u32 s1, $0x1  }
0x9: {  	[smem:$0x7FF] =	sst s3;
	s5 =	sadd.s32 $0x54AA00, s9;
	s4 =	sor.u32 s8, s30  }
0xa: {  	s6 =	sadd.s32 $0x554A00, s9;
	s11 =	ssub.s32 $0x2, s8;
	s4 =	smul.u32 $0x2800, s4  }
0xb: {  	s7 =	sadd.s32 $0x55EA00, s9;
	_ =	strace $0x8000004D;
	s31 =	sshrl.u32 s11, $0x1  }
0xc: {  	s8 =	sadd.s32 $0x4C00, s9;
	s13 =	ssub.s32 s11, s31;
	s10 =	sshrl.u32 s4, $0x3  }
0xd: {  	s13 =	smax.u32 s13, $0x1;
	s12 =	sadd.s32 s10, s9;
	s9 =	sadd.s32 $0xEC00, s9  }
0xe: {  	s10 =	sadd.s32 $0x91800, s12;
	s11 =	sadd.s32 $0x9B800, s12;
	s12 =	sadd.s32 $0xA5800, s12  }
.LBB2_1:
0xf: {  	[tilespmem:s14], [sflag:$0x1] =	stream.linear.gather [hbm4b:s9+s3], $0x2800, $0x38;
	[tilespmem:$0xAA00] =	vst v63  }
0x10: {  	_ =	swait.ge [sflag:s15], $0x2800  }
0x11: {  	[sflag:s15] =	ssyncset.done $0x0  }
0x12: {  	[sflag:s15] =	ssyncadd.s32 $0xFFFFD800  }
0x13: {  	[tilespmem:s16], [sflag:$0x1] =	stream.linear.gather [hbm4b:s9+s3], $0x2800, $0x38;
	[tilespmem:$0xAA00] =	vst v63  }
0x14: {  	_ =	swait.ge [sflag:s15], $0x2800  }
0x15: {  	[sflag:s15] =	ssyncset.done $0x0  }
0x16: {  	[sflag:s15] =	ssyncadd.s32 $0xFFFFD800  }
0x17: {  	[tilespmem:s17], [sflag:$0x1] =	stream.linear.gather [hbm4b:s9+s3], $0x2800, $0x38;
	[tilespmem:$0xAA00] =	vst v63  }
0x18: {  	_ =	swait.ge [sflag:s15], $0x2800  }
0x19: {  	[sflag:s15] =	ssyncset.done $0x0  }
0x1a: {  	s23 =	simm.s32 $0x0;
	[sflag:s15] =	ssyncadd.s32 $0xFFFFD800  }
.LBB2_2:
0x1b: {  	s24 =	smul.u32 $0xA00, s23;
	_ =	sdelay $0x1  }
0x1c: {  	s24 =	sadd.s32 s4, s24  }
0x1d: {  	s24 =	sshrl.u32 s24, $0x3  }
0x1e: {  	s25 =	sadd.s32 s8, s24  }
0x1f: {  	[tilespmem:s26], [sflag:$0x1] =	stream.linear.gather [hbm4b:s25+s26], $0xA00, $0x38;
	[tilespmem:$0xAA00] =	vst v63  }
0x20: {  	_ =	swait.ge [sflag:s15], $0xA00  }
0x21: {  	[sflag:s15] =	ssyncset.done $0x0  }
0x22: {  	s28 =	sadd.s32 s2, s24;
	[sflag:s15] =	ssyncadd.s32 $0xFFFFF600  }
0x23: {  	[tilespmem:s18], [sflag:$0x1] =	stream.linear.gather [hbm4b:s28+s26], $0xA00, $0x38;
	[tilespmem:$0xAA00] =	vst v63  }
0x24: {  	_ =	swait.ge [sflag:s15], $0xA00  }
0x25: {  	[sflag:s15] =	ssyncset.done $0x0  }
0x26: {  	s29 =	sadd.s32 s5, s24;
	[sflag:s15] =	ssyncadd.s32 $0xFFFFF600  }
0x27: {  	[tilespmem:s19], [sflag:$0x1] =	stream.linear.gather [hbm4b:s29+s26], $0xA00, $0x38;
	[tilespmem:$0xAA00] =	vst v63  }
0x28: {  	_ =	swait.ge [sflag:s15], $0xA00  }
0x29: {  	[sflag:s15] =	ssyncset.done $0x0  }
0x2a: {  	s30 =	sadd.s32 s6, s24;
	[sflag:s15] =	ssyncadd.s32 $0xFFFFF600  }
0x2b: {  	[tilespmem:s20], [sflag:$0x1] =	stream.linear.gather [hbm4b:s30+s26], $0xA00, $0x38;
	[tilespmem:$0xAA00] =	vst v63  }
0x2c: {  	_ =	swait.ge [sflag:s15], $0xA00  }
0x2d: {  	[sflag:s15] =	ssyncset.done $0x0  }
0x2e: {  	s24 =	sadd.s32 s7, s24;
	[sflag:s15] =	ssyncadd.s32 $0xFFFFF600  }
0x2f: {  	[tilespmem:s21], [sflag:$0x1] =	stream.linear.gather [hbm4b:s24+s26], $0xA00, $0x38;
	[tilespmem:$0xAA00] =	vst v63  }
0x30: {  	_ =	swait.ge [sflag:s15], $0xA00  }
0x31: {  	[sflag:s15] =	ssyncset.done $0x0  }
0x32: {  	s31 =	simm.s32 $0x0;
	[sflag:s15] =	ssyncadd.s32 $0xFFFFF600  }
0x33: {  	v1 =	vld [tilespmem:s31+$0x2800]  }
0x34: {  	v0 =	vld [tilespmem:s31+$0x0]  }
0x35: {  	v2 =	vld [tilespmem:s31+$0xA00];
	_ =	sdelay $0x4  }
0x36: {  	v2 =	vmul.f32 v2, v1;
	_ =	sdelay $0x1  }
0x37: {  	[tilespmem:v0+s14+$0x0] =	vst.idx.add.f32.msk $0xffff, v2  }
0x38: {  	v2 =	vld [tilespmem:s31+$0x1400];
	_ =	sdelay $0x4  }
0x39: {  	v2 =	vmul.f32 v2, v1;
	_ =	sdelay $0x1  }
0x3a: {  	[tilespmem:v0+s16+$0x0] =	vst.idx.add.f32.msk $0xffff, v2  }
0x3b: {  	v2 =	vld [tilespmem:s31+$0x1E00];
	_ =	sdelay $0x4  }
0x3c: {  	s24 =	simm.s32 $0x40;
	v1 =	vmul.f32 v2, v1  }
.LBB2_3:
0x3d: {  	p0 =	sne.s32 s24, $0x27C0;
	s25 =	smov.u32 s24;
	s24 =	sadd.s32 $0x40, s24  }
0x3e: {  	s25 =	sshra.s32 s25, $0x2;
	[tilespmem:v0+s17+$0x0] =	vst.idx.add.f32.msk $0xffff, v1  }
0x3f: {  	v1 =	vld [tilespmem:s25+$0x2800]  }
0x40: {  	v0 =	vld [tilespmem:s25+$0x0]  }
0x41: {  	v2 =	vld [tilespmem:s25+$0xA00];
	_ =	sdelay $0x4  }
0x42: {  	v2 =	vmul.f32 v2, v1;
	_ =	sdelay $0x1  }
0x43: {  	[tilespmem:v0+s14+$0x0] =	vst.idx.add.f32.msk $0xffff, v2  }
0x44: {  	v2 =	vld [tilespmem:s25+$0x1400];
	_ =	sdelay $0x4  }
0x45: {  	v2 =	vmul.f32 v2, v1;
	_ =	sdelay $0x1  }
0x46: {  	[tilespmem:v0+s16+$0x0] =	vst.idx.add.f32.msk $0xffff, v2  }
0x47: {  	v2 =	vld [tilespmem:s25+$0x1E00]  }
.Ltmp0:
0x48: {  	(pc) =	sbr.rel @p0 .LBB2_3-.Ltmp0, $2  }
0x49: {  	_ =	sdelay $0x2  }
0x4a: {  	v1 =	vmul.f32 v2, v1  }
0x4b: {  	s23 =	sadd.s32 $0x1, s23  }
0x4c: {  	p0 =	sne.s32 s23, $0x4  }
.Ltmp1:
0x4d: {  	_ = 	snop;
	(pc) =	sbr.rel @p0 .LBB2_2-.Ltmp1, $2  }
0x4e: {  	_ =	sdelay $0x2  }
0x4f: {  	[tilespmem:v0+s17+$0x0] =	vst.idx.add.f32.msk $0xffff, v1  }
0x50: {  	[hbm4b:s10+s3] =	stream.linear.scatter [tilespmem:s14], [sflag:$0x1], $0x2800, $0x38;
	[tilespmem:$0xAA00] =	vst v63  }
0x51: {  	_ =	swait.ge [sflag:s15], $0x2800  }
0x52: {  	[sflag:s15] =	ssyncset.done $0x0  }
0x53: {  	[sflag:s15] =	ssyncadd.s32 $0xFFFFD800  }
0x54: {  	[hbm4b:s11+s3] =	stream.linear.scatter [tilespmem:s16], [sflag:$0x1], $0x2800, $0x38;
	[tilespmem:$0xAA00] =	vst v63  }
0x55: {  	s22 =	sadd.s32 $0x1, s22;
	_ =	swait.ge [sflag:s15], $0x2800  }
0x56: {  	p0 =	sne.s32 s22, s13;
	[sflag:s15] =	ssyncset.done $0x0  }
.Ltmp2:
0x57: {  	[sflag:s15] =	ssyncadd.s32 $0xFFFFD800;
	(pc) =	sbr.rel @p0 .LBB2_1-.Ltmp2, $4  }
0x58: {  	[hbm4b:s12+s3] =	stream.linear.scatter [tilespmem:s17], [sflag:$0x1], $0x2800, $0x38;
	[tilespmem:$0xAA00] =	vst v63  }
0x59: {  	_ =	swait.ge [sflag:s15], $0x2800  }
0x5a: {  	[sflag:s15] =	ssyncset.done $0x0  }
0x5b: {  	[sflag:s15] =	ssyncadd.s32 $0xFFFFD800  }
0x5c: {  	_ =	sfence.sel $0x180000  }
0x5d: {  	[bflag:$0x0] =	sbarrier.arrive $0xFFFF  }
0x5e: {  	p0 =	sne.s32 s1, $0x0;
	_ =	strace $0x9000004D  }
0x5f: {  	s0 =	sadd.s32 @!p0 $0x100000, s0;
	[bflag:$0x2] =	sbarrier.arrive $0xFFFF  }
0x60: {  	[sflag:s0] =	ssyncadd.tile.s32 @!p0 $0x1;
	_ =	shalt  }
.Lfunc_end2:
_tile_overlayer_lowered:
.L_overlay_start_2:
0x61: {  	(tag) =	ssettag $0x2  }
0x62: {  	s0 =	rddreg [dreg:$0x0];
	s2 =	stileid.u32  }
0x63: {  	s1 =	rddreg [dreg:$0x1];
	p0 =	sne.s32 s2, $0x0  }
0x64: {  	s3 =	rddreg [dreg:$0x2];
	[bflag:$0x3] =	sbarrier.arrive $0xFFFF;
	s2 =	simm.s32 @!p0 $0x1C01  }
0x65: {  	[timem:s3], [sflag:s2] =	dma.local @!p0 [hbm:s0], s1  }
0x66: {  	s0 =	simm.s32 @!p0 $0x1  }
0x67: {  	_ =	swait.ge @!p0 [sflag:s0], s1  }
0x68: {  	s1 =	ssub.s32 @!p0 $0x0, s1;
	[sflag:s0] =	ssyncset.done @!p0 $0x0  }
0x69: {  	[sflag:s0] =	ssyncadd.s32 @!p0 s1  }
0x6a: {  	[bflag:$0x3] =	sbarrier.arrive $0xFFFF  }
0x6b: {  	_ =	shalt  }

// kernel: kernel.8.cloned.1.call-start
scs
__scs_entry_jumppad:
0x0: {  	(pc) =	sbr.rel $0x88, $3  }
0x1: {  	(tag) =	ssettag $0x0;
	lr =	simm.s32 $0x1  }
0x2: {  	[smem:$0x3F93] =	sst lr;
	_ =	strace $0xD0000000  }
0x3: {  	_ = 	snop  }
0x4: {  	_ = 	snop  }
0x5: {  	_ = 	snop  }
0x6: {  	_ = 	snop  }
0x7: {  	_ = 	snop  }
__scs_overlays_trampoline_lowered:
0x8: {  	[smem:$0x3FA2] =	sst s0  }
0x9: {  	[smem:$0x3FA3] =	sst s1  }
0xa: {  	[smem:$0x3FA4] =	sst s2  }
0xb: {  	[smem:$0x3FA5] =	sst s3  }
0xc: {  	[smem:$0x3FA6] =	sst s4  }
0xd: {  	[smem:$0x3FA7] =	sst s5  }
0xe: {  	[smem:$0x3FA8] =	sst s6  }
0xf: {  	[smem:$0x3FA9] =	sst s7  }
0x10: {  	[smem:$0x3FAA] =	sst s8  }
0x11: {  	[smem:$0x3FAB] =	sst s9;
	s0 =	simm.s32 @!p0 $0x0  }
0x12: {  	s1 =	sld [smem:$0x3F91];
	s0 =	simm.s32 @p0 $0x1  }
0x13: {  	[smem:$0x3FAC] =	sst s0;
	s0 =	simm.s32 @!p1 $0x0  }
0x14: {  	s2 =	sld [smem:$0x3F90];
	s0 =	simm.s32 @p1 $0x1  }
0x15: {  	[smem:$0x3FAD] =	sst s0;
	s0 =	simm.s32 @!p2 $0x0  }
0x16: {  	s3 =	sld [smem:$0x3FDB];
	s0 =	simm.s32 @p2 $0x1  }
0x17: {  	s4 =	simm.s32 $0x1BF5;
	[smem:$0x3FAF] =	sst s0  }
0x18: {  	s0 =	sld [smem:$0x3F92];
	_ =	swait.ge [sflag:s4], $0x0  }
0x19: {  	s7 =	sld [smem:$0x3F93]  }
0x1a: {  	s8 =	sadd.s32 $0xFFFFE003, lr  }
0x1b: {  	s9 =	sadd.s32 $0xFFFFFEF7, lr;
	s5 =	simm.s32 $0xFFFFFFFF;
	p2 =	slt.u32 s8, $0xFFFFF086  }
0x1c: {  	p1 =	slt.u32 s9, $0xF7A;
	s5 =	simm.s32 @!p2 $0x0  }
0x1d: {  	s5 =	simm.s32 @p1 $0x1;
	p0 =	seq.s32 s7, s2  }
0x1e: {  	s7 =	smul.u32 @!p0 $0xF7A, s2;
	p2 =	seq.s32 @!p0 s5, $0x0  }
0x1f: {  	s9 =	smul.u32 $0xF7A, s1;
	s8 =	simm.s32 @!p0 $0x1BF5;
	p2 =	por !p2, p0  }
0x20: {  	[sflag:s8] =	ssyncset.s32 @!p0 $0xFFFFF086;
	s6 =	sadd.s32 @!p0 s3, s7;
	s7 =	simm.s32 @!p0 $0x108  }
0x21: {  	s3 =	sadd.s32 s3, s9;
	s6 =	sadd.s32 @!p0 $0x88, s6;
	s7 =	simm.s32 @p2 $0x1082  }
0x22: {  	[simem:s7], [sflag:s8] =	dma.local @!p0 [hbm:s6], $0xF7A  }
0x23: {  	s9 =	sor.u32 $0xD0000000, s2;
	s6 =	simm.s32 $0x108;
	_ =	swait.ge @!p0 [sflag:s8], $0x0  }
0x24: {  	s3 =	sadd.s32 $0x88, s3;
	s6 =	simm.s32 @!p1 $0x1082;
	[sflag:s4] =	ssyncset.s32 $0xFFFFF086  }
0x25: {  	[simem:s6], [sflag:s4] =	dma.local [hbm:s3], $0xF7A  }
0x26: {  	[smem:$0x3F93] =	sst s1;
	(tag) =	ssettag s2;
	_ =	strace s9  }
0x27: {  	s1 =	sld [smem:$0x3FA3]  }
0x28: {  	s2 =	sld [smem:$0x3FA4]  }
0x29: {  	s4 =	sld [smem:$0x3FA6]  }
0x2a: {  	p0 =	seq.s32 s5, $0x0;
	s5 =	sld [smem:$0x3FA7]  }
0x2b: {  	s6 =	sld [smem:$0x3FA8]  }
0x2c: {  	s7 =	sld [smem:$0x3FA9]  }
0x2d: {  	s3 =	simm.s32 $0x108;
	s8 =	sld [smem:$0x3FAA]  }
0x2e: {  	s3 =	simm.s32 @!p0 $0x1082;
	s9 =	sld [smem:$0x3FAB]  }
0x2f: {  	lr =	sadd.s32 s0, s3;
	s0 =	sld [smem:$0x3FA2]  }
0x30: {  	s3 =	sld [smem:$0x3FA5]  }
0x31: {  	[smem:$0x3FAE] =	sst s10  }
0x32: {  	s10 =	sld [smem:$0x3FAC];
	_ =	sdelay $0x3  }
0x33: {  	p0 =	seq.s32 s10, $0x1;
	s10 =	sld [smem:$0x3FAE];
	_ =	sdelay $0x3  }
0x34: {  	[smem:$0x3FAE] =	sst s10  }
0x35: {  	s10 =	sld [smem:$0x3FAD];
	_ =	sdelay $0x3  }
0x36: {  	p1 =	seq.s32 s10, $0x1;
	s10 =	sld [smem:$0x3FAE];
	_ =	sdelay $0x3  }
0x37: {  	[smem:$0x3FAE] =	sst s10  }
0x38: {  	s10 =	sld [smem:$0x3FAF]  }
0x39: {  	_ = 	snop;
	(pc) =	sbr.ind lr, $3  }
0x3a: {  	_ = 	snop  }
0x3b: {  	_ = 	snop  }
0x3c: {  	p2 =	seq.s32 s10, $0x1;
	s10 =	sld [smem:$0x3FAE]  }
0x3d: {  	_ =	shalt  }
0x3e: {  	_ =	shalt  }
0x3f: {  	_ =	shalt  }
0x40: {  	_ =	shalt  }
0x41: {  	_ =	shalt  }
0x42: {  	_ =	shalt  }
0x43: {  	_ =	shalt  }
0x44: {  	_ =	shalt  }
0x45: {  	_ =	shalt  }
0x46: {  	_ =	shalt  }
0x47: {  	_ =	shalt  }
0x48: {  	_ =	shalt  }
0x49: {  	_ =	shalt  }
0x4a: {  	_ =	shalt  }
0x4b: {  	_ =	shalt  }
0x4c: {  	_ =	shalt  }
0x4d: {  	_ =	shalt  }
0x4e: {  	_ =	shalt  }
0x4f: {  	_ =	shalt  }
0x50: {  	_ =	shalt  }
0x51: {  	_ =	shalt  }
0x52: {  	_ =	shalt  }
0x53: {  	_ =	shalt  }
0x54: {  	_ =	shalt  }
0x55: {  	_ =	shalt  }
0x56: {  	_ =	shalt  }
0x57: {  	_ =	shalt  }
0x58: {  	_ =	shalt  }
0x59: {  	_ =	shalt  }
0x5a: {  	_ =	shalt  }
0x5b: {  	_ =	shalt  }
0x5c: {  	_ =	shalt  }
0x5d: {  	_ =	shalt  }
0x5e: {  	_ =	shalt  }
0x5f: {  	_ =	shalt  }
0x60: {  	_ =	shalt  }
0x61: {  	_ =	shalt  }
0x62: {  	_ =	shalt  }
0x63: {  	_ =	shalt  }
0x64: {  	_ =	shalt  }
0x65: {  	_ =	shalt  }
0x66: {  	_ =	shalt  }
0x67: {  	_ =	shalt  }
0x68: {  	_ =	shalt  }
0x69: {  	_ =	shalt  }
0x6a: {  	_ =	shalt  }
0x6b: {  	_ =	shalt  }
0x6c: {  	_ =	shalt  }
0x6d: {  	_ =	shalt  }
0x6e: {  	_ =	shalt  }
0x6f: {  	_ =	shalt  }
0x70: {  	_ =	shalt  }
0x71: {  	_ =	shalt  }
0x72: {  	_ =	shalt  }
0x73: {  	_ =	shalt  }
0x74: {  	_ =	shalt  }
0x75: {  	_ =	shalt  }
0x76: {  	_ =	shalt  }
0x77: {  	_ =	shalt  }
0x78: {  	_ =	shalt  }
0x79: {  	_ =	shalt  }
0x7a: {  	_ =	shalt  }
0x7b: {  	_ =	shalt  }
0x7c: {  	_ =	shalt  }
0x7d: {  	_ =	shalt  }
0x7e: {  	_ =	shalt  }
0x7f: {  	_ =	shalt  }
0x80: {  	_ =	shalt  }
0x81: {  	_ =	shalt  }
0x82: {  	_ =	shalt  }
0x83: {  	_ =	shalt  }
0x84: {  	_ =	shalt  }
0x85: {  	_ =	shalt  }
0x86: {  	_ =	shalt  }
0x87: {  	_ =	shalt  }
.Lfunc_end0:
.L_simem_size_0:
called_computation_lowered:
.L_overlay_start_0:
0x88: {  	s2 =	sld [smem:$0x3FD9]  }
0x89: {  	s3 =	sld [smem:$0x3FFE];
	_ =	sdelay $0x1  }
0x8a: {  	s1 =	srdreg.scid  }
0x8b: {  	s0 =	sand.u32 $0x1, s1  }
0x8c: {  	s14 =	sshll.u32 s0, $0xA;
	s2 =	sadd.s32 s3, s2  }
0x8d: {  	s2 =	sadd.s32 s2, s14  }
0x8e: {  	[smem:$0x3FBA] =	sst s2  }
0x8f: {  	_ = 	snop  }
0x90: {  	s2 =	sld [smem:$0x3FD0];
	_ =	sdelay $0x2  }
0x91: {  	s15 =	simm.s32 $0xB;
	s4 =	simm.s32 $0x10  }
0x92: {  	[smem:s4], [sflag:s15] =	dma.local [hbm:s2], $0x1  }
0x93: {  	_ =	swait.eq [sflag:s15], $0x1  }
0x94: {  	[sflag:s15] =	ssyncset.done $0x0  }
0x95: {  	s16 =	sld [smem:$0x10];
	[sflag:s15] =	ssyncadd.s32 $0xFFFFFFFF  }
0x96: {  	s17 =	sld [smem:$0x11];
	(tm) =	ssettm $0x1  }
0x97: {  	s18 =	sld [smem:$0x3FFB];
	_ =	sdelay $0x3  }
0x98: {  	_ =	strace s18  }
0x99: {  	s4 =	sld [smem:$0x3FFC];
	_ =	sdelay $0x3  }
0x9a: {  	_ =	strace s4  }
0x9b: {  	s4 =	sld [smem:$0x3FFD];
	_ =	sdelay $0x3  }
0x9c: {  	_ =	strace s4  }
0x9d: {  	_ =	strace $0x8FFFFFFF  }
0x9e: {  	s19 =	sld [smem:$0x3FDB];
	_ =	sdelay $0x1  }
0x9f: {  	s5 =	simm.s32 $_scs_section_size  }
0xa0: {  	s6 =	simm.s32 $_size__tile_overlayer_lowered;
	s7 =	simm.s32 $_tile_overlayer_lowered  }
0xa1: {  	s22 =	simm.s32 $0x1BFF;
	s21 =	sshll.u32 s7, $0x1;
	s4 =	sadd.s32 s5, s19  }
0xa2: {  	s8 =	simm.s32 $0x0;
	s20 =	sshll.u32 s6, $0x1;
	s6 =	sadd.s32 s21, s4  }
0xa3: {  	[timem:s8], [sflag:s22] =	dma.local [hbm:s6], s20  }
0xa4: {  	_ =	swait.ge [sflag:s22], s20  }
0xa5: {  	s5 =	ssub.s32 $0x0, s20;
	[sflag:s22] =	ssyncset.done $0x0  }
0xa6: {  	[sflag:s22] =	ssyncadd.s32 s5;
	_ =	sdelay $0x1  }
0xa7: {  	s23 =	simm.s32 $0x1B8B  }
0xa8: {  	_ =	swait.ge [sflag:s23], $0x1  }
0xa9: {  	[sflag:s23] =	ssyncset.done $0x0  }
0xaa: {  	s25 =	simm.s32 $0x1B8E;
	s24 =	sld [smem:$0x3FFE];
	[sflag:s23] =	ssyncadd.s32 $0xFFFFFFFF  }
0xab: {  	s26 =	simm.s32 $execute0_lowered;
	[smem:$0x3FD2] =	sst s25  }
0xac: {  	s6 =	sshll.u32 s26, $0x1;
	_ =	strace $0x80000046;
	[dreg:$0x1] =	wrdreg $0xFFFFFFFF  }
0xad: {  	s28 =	simm.s32 $_size_execute0_lowered;
	s4 =	sadd.s32 s4, s6;
	[dreg:$0x0] =	wrdreg $0x0  }
0xae: {  	s6 =	sshll.u32 s28, $0x1;
	[dreg:$0x2] =	wrdreg s4  }
0xaf: {  	[dreg:$0x3] =	wrdreg s6  }
0xb0: {  	[dreg:$0x4] =	wrdreg $0xC0  }
0xb1: {  	_ =	task [dreg:s8], $0x5FFFF  }
0xb2: {  	[dreg:$0x1] =	wrdreg $0xFFFFFFFF  }
0xb3: {  	[dreg:$0x0] =	wrdreg $0x60  }
0xb4: {  	[dreg:$0x2] =	wrdreg s16  }
0xb5: {  	[dreg:$0x3] =	wrdreg s24  }
0xb6: {  	[dreg:$0x4] =	wrdreg s17  }
0xb7: {  	[dreg:$0x5] =	wrdreg $0x9  }
0xb8: {  	_ =	task.clear_ibuf [dreg:s8], $0x6FFFF;
	_ =	strace $0x90000046  }
0xb9: {  	s29 =	simm.s32 $0x9;
	_ =	strace $0x80000048  }
0xba: {  	_ =	swait.ge [sflag:s29], $0x1  }
0xbb: {  	[sflag:s29] =	ssyncadd.s32 $0xFFFFFFFF  }
0xbc: {  	_ =	strace $0x90000048  }
0xbd: {  	_ =	sfence  }
0xbe: {  	s30 =	sld [smem:$0x0];
	_ =	sdelay $0x2  }
0xbf: {  	s31 =	sshll.u32 s1, $0xD;
	s1 =	sshrl.u32 s1, $0x2  }
0xc0: {  	s3 =	sand.u32 $0x4000, s31;
	s1 =	sadd.s32 s1, s30  }
0xc1: {  	s0 =	sor.u32 s3, s0;
	s1 =	sshll.u32 s1, $0x11  }
0xc2: {  	s0 =	sor.u32 s1, s0  }
0xc3: {  	s0 =	sadd.s32 $0x8F2B, s0  }
0xc4: {  	[sflag:s0] =	ssyncadd.remote.s32 $0x1  }
0xc5: {  	_ =	sfence.sel $0xFFFF  }
0xc6: {  	[dreg:$0x0] =	wrdreg $0xFFFFFFFF;
	(pc) =	sbr.abs _section_cstart, $3  }
0xc7: {  	[dreg:$0x1] =	wrdreg $0xFFFFFFFF  }
0xc8: {  	_ =	task.clear_ibuf [dreg:s8], $0x2FFFF;
	_ =	strace $0x9FFFFFFF  }
0xc9: {  	(tm) =	ssettm $0x7FFFFFFF  }
tec
execute0_lowered:
.L_overlay_start_1:
0x0: {  	(tag) =	ssettag $0x1  }
0x1: {  	s1 =	rddreg [dreg:$0x0]  }
0x2: {  	s0 =	rddreg [dreg:$0x1];
	s2 =	srdreg.scid  }
0x3: {  	s3 =	stileid.u32;
	s4 =	simm.s32 $0x0;
	s16 =	simm.s32 $0x5  }
0x4: {  	s17 =	simm.s32 $0x2800;
	s18 =	simm.s32 $0x5000;
	s19 =	simm.s32 $0x7780  }
0x5: {  	s20 =	simm.s32 $0x9F00;
	s28 =	simm.s32 $0x11680;
	s29 =	simm.s32 $0x13E80  }
0x6: {  	s30 =	simm.s32 $0x1;
	s31 =	simm.s32 $0x3;
	s2 =	sand.u32 $0x1, s2  }
0x7: {  	s3 =	sshll.u32 s3, $0x1;
	[smem:$0x7FF] =	sst s4;
	s6 =	sadd.s32 $0x23800, s0  }
0x8: {  	s24 =	sadd.s32 $0x18C00, s0;
	s25 =	sadd.s32 $0x19200, s0;
	s9 =	sadd.s32 $0x4AA00, s0  }
0x9: {  	s3 =	sor.u32 s2, s3;
	_ =	strace $0x80000047;
	[dreg:$0x4] =	wrdreg s24  }
0xa: {  	s2 =	ssub.s32 $0x2, s2;
	[dreg:$0x5] =	wrdreg s25;
	s5 =	smul.u32 $0x2800, s3  }
0xb: {  	s24 =	simm.s32 $0x50;
	s25 =	simm.s32 $0xC680;
	s7 =	sshrl.u32 s2, $0x1  }
0xc: {  	s3 =	simm.s32 $0x0;
	s2 =	ssub.s32 s2, s7;
	s26 =	sshrl.u32 s5, $0x3  }
0xd: {  	s15 =	smax.u32 s2, $0x1;
	s2 =	simm.s32 $0x4;
	s0 =	sadd.s32 s26, s0  }
0xe: {  	s10 =	sadd.s32 $0xEC00, s0;
	s11 =	sadd.s32 $0x19800, s0;
	s12 =	sadd.s32 $0x54AA00, s0  }
0xf: {  	s13 =	sadd.s32 $0x554A00, s0;
	s14 =	sadd.s32 $0x55EA00, s0;
	s0 =	simm.s32 $0x2  }
.LBB2_1:
0x10: {  	[tilespmem:s4], [sflag:$0x5] =	stream.linear.gather [hbm4b:s10+s4], $0x2800, $0x38;
	[tilespmem:$0x1DE80] =	vst v63  }
0x11: {  	_ =	swait.ge [sflag:s16], $0x2800  }
0x12: {  	[sflag:s16] =	ssyncset.done $0x0  }
0x13: {  	[sflag:s16] =	ssyncadd.s32 $0xFFFFD800  }
0x14: {  	[tilespmem:s17], [sflag:$0x5] =	stream.linear.gather [hbm4b:s11+s4], $0x2800, $0x38;
	[tilespmem:$0x1DE80] =	vst v63  }
0x15: {  	_ =	swait.ge [sflag:s16], $0x2800  }
0x16: {  	[sflag:s16] =	ssyncset.done $0x0  }
0x17: {  	s7 =	rddreg [dreg:$0x4];
	[sflag:s16] =	ssyncadd.s32 $0xFFFFD800  }
0x18: {  	[tilespmem:s18], [sflag:$0x5] =	stream.linear.gather [hbm4b:s7+s4], $0x2780, $0x38;
	[tilespmem:$0x1DE80] =	vst v63  }
0x19: {  	_ =	swait.ge [sflag:s16], $0x2780  }
0x1a: {  	[sflag:s16] =	ssyncset.done $0x0  }
0x1b: {  	s23 =	rddreg [dreg:$0x5];
	[sflag:s16] =	ssyncadd.s32 $0xFFFFD880  }
0x1c: {  	[tilespmem:s19], [sflag:$0x5] =	stream.linear.gather [hbm4b:s23+s4], $0x2780, $0x38;
	[tilespmem:$0x1DE80] =	vst v63  }
0x1d: {  	_ =	swait.ge [sflag:s16], $0x2780  }
0x1e: {  	[sflag:s16] =	ssyncset.done $0x0  }
0x1f: {  	[sflag:s16] =	ssyncadd.s32 $0xFFFFD880  }
0x20: {  	s26 =	rddreg [dreg:$0x2]  }
0x21: {  	[tilespmem:s20], [sflag:$0x5] =	stream.linear.gather [hbm4b:s26+s4], $0x2780, $0x38;
	[tilespmem:$0x1DE80] =	vst v63  }
0x22: {  	_ =	swait.ge [sflag:s16], $0x2780  }
0x23: {  	[sflag:s16] =	ssyncset.done $0x0  }
0x24: {  	s21 =	simm.s32 $0x0;
	[sflag:s16] =	ssyncadd.s32 $0xFFFFD880  }
0x25: {  	v0 =	vld [tilespmem:s21+$0x0]  }
0x26: {  	v1 =	vld [tilespmem:s21+$0x2800];
	_ =	sdelay $0x6  }
0x27: {  	v2 =	vld.idx.msk [tilespmem:v0+s18+$0x0], $0xffff  }
0x28: {  	v3 =	vld.idx.msk [tilespmem:v1+s18+$0x0], $0xffff;
	_ =	sdelay $0x4  }
0x29: {  	v2 =	vsub.f32 v2, v3;
	_ =	sdelay $0x1  }
0x2a: {  	[tilespmem:s21+$0x16680] =	vst v2  }
0x2b: {  	v2 =	vld.idx.msk [tilespmem:v0+s19+$0x0], $0xffff  }
0x2c: {  	v3 =	vld.idx.msk [tilespmem:v1+s19+$0x0], $0xffff;
	_ =	sdelay $0x4  }
0x2d: {  	v2 =	vsub.f32 v2, v3;
	_ =	sdelay $0x1  }
0x2e: {  	[tilespmem:s21+$0x18E80] =	vst v2  }
0x2f: {  	v2 =	vld.idx.msk [tilespmem:v0+s20+$0x0], $0xffff  }
0x30: {  	s22 =	simm.s32 $0x10;
	v3 =	vld.idx.msk [tilespmem:v1+s20+$0x0], $0xffff  }
0x31: {  	v0 =	vld [tilespmem:s22+$0x0]  }
0x32: {  	s7 =	simm.s32 $0x80;
	v1 =	vld [tilespmem:s22+$0x2800]  }
.LBB2_2:
0x33: {  	_ =	sdelay $0x1  }
0x34: {  	p0 =	sne.s32 s7, $0x9FC0;
	s23 =	smov.u32 s7;
	s7 =	sadd.s32 $0x40, s7  }
0x35: {  	v2 =	vsub.f32 v2, v3;
	_ =	sdelay $0x1  }
0x36: {  	[tilespmem:s21+$0x1B680] =	vst v2;
	s21 =	smov.u32 s22  }
0x37: {  	v2 =	vld.idx.msk [tilespmem:v0+s18+$0x0], $0xffff  }
0x38: {  	v3 =	vld.idx.msk [tilespmem:v1+s18+$0x0], $0xffff;
	_ =	sdelay $0x5  }
0x39: {  	v2 =	vsub.f32 v2, v3;
	_ =	sdelay $0x1  }
0x3a: {  	[tilespmem:s21+$0x16680] =	vst v2  }
0x3b: {  	v2 =	vld.idx.msk [tilespmem:v0+s19+$0x0], $0xffff  }
0x3c: {  	v3 =	vld.idx.msk [tilespmem:v1+s19+$0x0], $0xffff;
	_ =	sdelay $0x5  }
0x3d: {  	v2 =	vsub.f32 v2, v3;
	_ =	sdelay $0x1  }
.Ltmp0:
0x3e: {  	[tilespmem:s21+$0x18E80] =	vst v2;
	(pc) =	sbr.rel @p0 .LBB2_2-.Ltmp0, $4  }
0x3f: {  	v2 =	vld.idx.msk [tilespmem:v0+s20+$0x0], $0xffff  }
0x40: {  	s22 =	sshra.s32 s23, $0x2;
	v3 =	vld.idx.msk [tilespmem:v1+s20+$0x0], $0xffff  }
0x41: {  	v0 =	vld [tilespmem:s22+$0x0]  }
0x42: {  	v1 =	vld [tilespmem:s22+$0x2800]  }
0x43: {  	_ =	sdelay $0x3  }
0x44: {  	v2 =	vsub.f32 v2, v3;
	_ =	sdelay $0x1  }
0x45: {  	[tilespmem:s21+$0x1B680] =	vst v2  }
0x46: {  	v2 =	vld.idx.msk [tilespmem:v0+s18+$0x0], $0xffff  }
0x47: {  	v60 =	vld.idx.msk [tilespmem:v1+s18+$0x0], $0xffff;
	_ =	sdelay $0x4  }
0x48: {  	v2 =	vsub.f32 v2, v60;
	_ =	sdelay $0x1  }
0x49: {  	[tilespmem:s22+$0x16680] =	vst v2  }
0x4a: {  	v2 =	vld.idx.msk [tilespmem:v0+s19+$0x0], $0xffff  }
0x4b: {  	v61 =	vld.idx.msk [tilespmem:v1+s19+$0x0], $0xffff;
	_ =	sdelay $0x4  }
0x4c: {  	v2 =	vsub.f32 v2, v61;
	_ =	sdelay $0x1  }
0x4d: {  	[tilespmem:s22+$0x18E80] =	vst v2  }
0x4e: {  	v62 =	vld.idx.msk [tilespmem:v0+s20+$0x0], $0xffff  }
0x4f: {  	v63 =	vld.idx.msk [tilespmem:v1+s20+$0x0], $0xffff;
	_ =	sdelay $0x4  }
0x50: {  	v0 =	vsub.f32 v62, v63;
	_ =	sdelay $0x1  }
0x51: {  	s7 =	simm.s32 $0x16680;
	s21 =	simm.s32 $0x0;
	[tilespmem:s22+$0x1B680] =	vst v0  }
0x52: {  	[hbm4b:s12+s21] =	stream.linear.scatter [tilespmem:s7], [sflag:$0x5], $0x2800, $0x38;
	[tilespmem:$0x1DE80] =	vst v63  }
0x53: {  	_ =	swait.ge [sflag:s16], $0x2800  }
0x54: {  	[sflag:s16] =	ssyncset.done $0x0  }
0x55: {  	s22 =	simm.s32 $0x18E80;
	[sflag:s16] =	ssyncadd.s32 $0xFFFFD800  }
0x56: {  	[hbm4b:s13+s21] =	stream.linear.scatter [tilespmem:s22], [sflag:$0x5], $0x2800, $0x38;
	[tilespmem:$0x1DE80] =	vst v63  }
0x57: {  	_ =	swait.ge [sflag:s16], $0x2800  }
0x58: {  	[sflag:s16] =	ssyncset.done $0x0  }
0x59: {  	s23 =	simm.s32 $0x1B680;
	[sflag:s16] =	ssyncadd.s32 $0xFFFFD800  }
0x5a: {  	[hbm4b:s14+s21] =	stream.linear.scatter [tilespmem:s23], [sflag:$0x5], $0x2800, $0x38;
	[tilespmem:$0x1DE80] =	vst v63  }
0x5b: {  	_ =	swait.ge [sflag:s16], $0x2800  }
0x5c: {  	[sflag:s16] =	ssyncset.done $0x0  }
0x5d: {  	[sflag:s16] =	ssyncadd.s32 $0xFFFFD800  }
0x5e: {  	[tilespmem:s25], [sflag:$0x1] =	stream.indirect.gather [hbm4b:s1+s24], $0x80, s21, s24, $0xb8;
	[tilespmem:$0x1DE80] =	vst v63  }
0x5f: {  	s26 =	simm.s32 $0xEE80  }
0x60: {  	[tilespmem:s26], [sflag:$0x1] =	stream.indirect.gather [hbm4b:s6+s24], $0x80, s17, s24, $0xb8;
	[tilespmem:$0x1DE80] =	vst v63  }
.LBB2_4:
0x61: {  	p0 =	seq.s32 s21, $0x0  }
0x62: {  	s7 =	simm.s32 @!p0 $0x4  }
0x63: {  	s22 =	smul.u32 $0xA0, s21;
	_ =	swait.ge @!p0 [sflag:s7], $0x2800  }
0x64: {  	[sflag:s7] =	ssyncset.done @!p0 $0x0  }
0x65: {  	s23 =	sadd.s32 $0x50, s22;
	[sflag:s7] =	ssyncadd.s32 @!p0 $0xFFFFD800  }
0x66: {  	[tilespmem:s28], [sflag:$0x2] =	stream.indirect.gather [hbm4b:s1+s24], $0x80, s23, s24, $0xb8;
	[tilespmem:$0x1DE80] =	vst v63  }
0x67: {  	s26 =	sadd.s32 $0x2850, s22  }
0x68: {  	[tilespmem:s29], [sflag:$0x2] =	stream.indirect.gather [hbm4b:s6+s24], $0x80, s26, s24, $0xb8;
	[tilespmem:$0x1DE80] =	vst v63  }
0x69: {  	_ =	swait.ge [sflag:s30], $0x2800  }
0x6a: {  	[sflag:s30] =	ssyncset.done $0x0  }
0x6b: {  	[sflag:s30] =	ssyncadd.s32 $0xFFFFD800  }
0x6c: {  	_ =	swait.ge [sflag:s30], $0x2800  }
0x6d: {  	[sflag:s30] =	ssyncset.done $0x0  }
0x6e: {  	s23 =	simm.s32 $0x0;
	[sflag:s30] =	ssyncadd.s32 $0xFFFFD800  }
0x6f: {  	v7 =	vld [tilespmem:s23+$0xEE80]  }
0x70: {  	v11 =	vld [tilespmem:s23+$0xEE90]  }
0x71: {  	v5 =	vld [tilespmem:s23+$0xEEA0]  }
0x72: {  	v4 =	vld [tilespmem:s23+$0xEEB0]  }
0x73: {  	v3 =	vld [tilespmem:s23+$0xEEC0]  }
0x74: {  	v2 =	vld [tilespmem:s23+$0xEED0]  }
0x75: {  	v1 =	vld [tilespmem:s23+$0xEEE0]  }
0x76: {  	v0 =	vld [tilespmem:s23+$0xEEF0]  }
0x77: {  	v12 =	vld [tilespmem:s23+$0xC680]  }
0x78: {  	v13 =	vld [tilespmem:s23+$0xC690]  }
0x79: {  	v10 =	vld [tilespmem:s23+$0xC6A0]  }
0x7a: {  	v9 =	vld [tilespmem:s23+$0xC6B0]  }
0x7b: {  	v8 =	vld [tilespmem:s23+$0xC6C0]  }
0x7c: {  	v6 =	vld [tilespmem:s23+$0xC6D0];
	v12 =	vadd.f32 v7, v12  }
0x7d: {  	s7 =	simm.s32 $0x200;
	s26 =	sshll.u32 s21, $0x1;
	v11 =	vadd.f32 v11, v13;
	v7 =	vld [tilespmem:s23+$0xC6E0]  }
.LBB2_5:
0x7e: {  	s8 =	sshra.s32 s7, $0x2;
	p0 =	sne.s32 s7, $0x9E00;
	[tilespmem:s23+$0xC680] =	vst v12;
	v5 =	vadd.f32 v5, v10;
	v10 =	vld [tilespmem:s23+$0xC6F0]  }
0x7f: {  	v12 =	vld [tilespmem:s8+$0xEE80];
	[tilespmem:s23+$0xC690] =	vst v11;
	v4 =	vadd.f32 v4, v9  }
0x80: {  	v11 =	vld [tilespmem:s8+$0xEE90];
	[tilespmem:s23+$0xC6A0] =	vst v5;
	v3 =	vadd.f32 v3, v8  }
0x81: {  	v5 =	vld [tilespmem:s8+$0xEEA0];
	[tilespmem:s23+$0xC6B0] =	vst v4;
	v2 =	vadd.f32 v2, v6  }
0x82: {  	v4 =	vld [tilespmem:s8+$0xEEB0];
	[tilespmem:s23+$0xC6C0] =	vst v3;
	v1 =	vadd.f32 v1, v7  }
0x83: {  	v3 =	vld [tilespmem:s8+$0xEEC0];
	[tilespmem:s23+$0xC6D0] =	vst v2;
	v0 =	vadd.f32 v0, v10  }
0x84: {  	v2 =	vld [tilespmem:s8+$0xEED0];
	[tilespmem:s23+$0xC6E0] =	vst v1  }
0x85: {  	v1 =	vld [tilespmem:s8+$0xEEE0];
	[tilespmem:s23+$0xC6F0] =	vst v0;
	s23 =	smov.u32 s8  }
0x86: {  	v0 =	vld [tilespmem:s23+$0xEEF0]  }
0x87: {  	v6 =	vld [tilespmem:s23+$0xC680]  }
0x88: {  	v7 =	vld [tilespmem:s23+$0xC690]  }
.Ltmp1:
0x89: {  	v10 =	vld [tilespmem:s23+$0xC6A0];
	(pc) =	sbr.rel @p0 .LBB2_5-.Ltmp1, $4  }
0x8a: {  	v9 =	vld [tilespmem:s23+$0xC6B0]  }
0x8b: {  	v8 =	vld [tilespmem:s23+$0xC6C0]  }
0x8c: {  	v12 =	vadd.f32 v12, v6;
	v6 =	vld [tilespmem:s23+$0xC6D0]  }
0x8d: {  	s7 =	sadd.s32 $0x200, s7;
	v11 =	vadd.f32 v11, v7;
	v7 =	vld [tilespmem:s23+$0xC6E0]  }
0x8e: {  	[tilespmem:s23+$0xC680] =	vst v12;
	v5 =	vadd.f32 v5, v10;
	v10 =	vld [tilespmem:s23+$0xC6F0]  }
0x8f: {  	[tilespmem:s23+$0xC690] =	vst v11;
	v4 =	vadd.f32 v4, v9  }
0x90: {  	[tilespmem:s23+$0xC6A0] =	vst v5;
	v3 =	vadd.f32 v3, v8  }
0x91: {  	[tilespmem:s23+$0xC6B0] =	vst v4;
	v2 =	vadd.f32 v2, v6  }
0x92: {  	[tilespmem:s23+$0xC6C0] =	vst v3;
	v1 =	vadd.f32 v1, v7  }
0x93: {  	s7 =	sadd.s32 s5, s22;
	[tilespmem:s23+$0xC6D0] =	vst v2;
	v0 =	vadd.f32 v0, v10  }
0x94: {  	s7 =	sshll.u32 s7, $0x4;
	[tilespmem:s23+$0xC6E0] =	vst v1  }
0x95: {  	s7 =	sadd.s32 s9, s7;
	[tilespmem:s23+$0xC6F0] =	vst v0;
	s23 =	sor.u32 $0x1, s26  }
0x96: {  	[hbm4b:s7+s4] =	stream.linear.scatter [tilespmem:s25], [sflag:$0x3], $0x2800, $0x38;
	[tilespmem:$0x1DE80] =	vst v63  }
0x97: {  	p0 =	sgt.u32 s23, $0x7E;
	_ =	swait.ge [sflag:s31], $0x2800  }
0x98: {  	s7 =	sadd.s32 @!p0 $0xA0, s22;
	[sflag:s31] =	ssyncset.done $0x0  }
0x99: {  	s8 =	simm.s32 @!p0 $0x50;
	s26 =	simm.s32 @!p0 $0xC680;
	[sflag:s31] =	ssyncadd.s32 $0xFFFFD800  }
0x9a: {  	[tilespmem:s26], [sflag:$0x1] =	stream.indirect.gather @!p0 [hbm4b:s1+s8], $0x80, s7, s8, $0xb8;
	[tilespmem:$0x1DE80] =	vst v63  }
0x9b: {  	s7 =	sadd.s32 @!p0 $0x28A0, s22;
	s22 =	simm.s32 @!p0 $0xEE80  }
0x9c: {  	[tilespmem:s22], [sflag:$0x1] =	stream.indirect.gather @!p0 [hbm4b:s6+s8], $0x80, s7, s8, $0xb8;
	[tilespmem:$0x1DE80] =	vst v63  }
0x9d: {  	_ =	swait.ge [sflag:s0], $0x2800  }
0x9e: {  	[sflag:s0] =	ssyncset.done $0x0  }
0x9f: {  	[sflag:s0] =	ssyncadd.s32 $0xFFFFD800  }
0xa0: {  	_ =	swait.ge [sflag:s0], $0x2800  }
0xa1: {  	[sflag:s0] =	ssyncset.done $0x0  }
0xa2: {  	s22 =	simm.s32 $0x0;
	[sflag:s0] =	ssyncadd.s32 $0xFFFFD800  }
0xa3: {  	v6 =	vld [tilespmem:s22+$0x13E80]  }
0xa4: {  	v11 =	vld [tilespmem:s22+$0x13E90]  }
0xa5: {  	v5 =	vld [tilespmem:s22+$0x13EA0]  }
0xa6: {  	v4 =	vld [tilespmem:s22+$0x13EB0]  }
0xa7: {  	v3 =	vld [tilespmem:s22+$0x13EC0]  }
0xa8: {  	v2 =	vld [tilespmem:s22+$0x13ED0]  }
0xa9: {  	v1 =	vld [tilespmem:s22+$0x13EE0]  }
0xaa: {  	v0 =	vld [tilespmem:s22+$0x13EF0]  }
0xab: {  	v12 =	vld [tilespmem:s22+$0x11680]  }
0xac: {  	v13 =	vld [tilespmem:s22+$0x11690]  }
0xad: {  	v10 =	vld [tilespmem:s22+$0x116A0]  }
0xae: {  	v9 =	vld [tilespmem:s22+$0x116B0]  }
0xaf: {  	v8 =	vld [tilespmem:s22+$0x116C0]  }
0xb0: {  	v7 =	vld [tilespmem:s22+$0x116D0];
	v12 =	vadd.f32 v6, v12  }
0xb1: {  	s7 =	simm.s32 $0x200;
	v11 =	vadd.f32 v11, v13;
	v6 =	vld [tilespmem:s22+$0x116E0]  }
.LBB2_7:
0xb2: {  	s8 =	sshra.s32 s7, $0x2;
	p0 =	sne.s32 s7, $0x9E00;
	[tilespmem:s22+$0x11680] =	vst v12;
	v5 =	vadd.f32 v5, v10;
	v10 =	vld [tilespmem:s22+$0x116F0]  }
0xb3: {  	v12 =	vld [tilespmem:s8+$0x13E80];
	[tilespmem:s22+$0x11690] =	vst v11;
	v4 =	vadd.f32 v4, v9  }
0xb4: {  	v11 =	vld [tilespmem:s8+$0x13E90];
	[tilespmem:s22+$0x116A0] =	vst v5;
	v3 =	vadd.f32 v3, v8  }
0xb5: {  	v5 =	vld [tilespmem:s8+$0x13EA0];
	[tilespmem:s22+$0x116B0] =	vst v4;
	v2 =	vadd.f32 v2, v7  }
0xb6: {  	v4 =	vld [tilespmem:s8+$0x13EB0];
	[tilespmem:s22+$0x116C0] =	vst v3;
	v1 =	vadd.f32 v1, v6  }
0xb7: {  	v3 =	vld [tilespmem:s8+$0x13EC0];
	[tilespmem:s22+$0x116D0] =	vst v2;
	v0 =	vadd.f32 v0, v10  }
0xb8: {  	v2 =	vld [tilespmem:s8+$0x13ED0];
	[tilespmem:s22+$0x116E0] =	vst v1  }
0xb9: {  	v1 =	vld [tilespmem:s8+$0x13EE0];
	[tilespmem:s22+$0x116F0] =	vst v0;
	s22 =	smov.u32 s8  }
0xba: {  	v0 =	vld [tilespmem:s22+$0x13EF0]  }
0xbb: {  	v6 =	vld [tilespmem:s22+$0x11680]  }
0xbc: {  	v13 =	vld [tilespmem:s22+$0x11690]  }
.Ltmp2:
0xbd: {  	v10 =	vld [tilespmem:s22+$0x116A0];
	(pc) =	sbr.rel @p0 .LBB2_7-.Ltmp2, $4  }
0xbe: {  	v9 =	vld [tilespmem:s22+$0x116B0]  }
0xbf: {  	v8 =	vld [tilespmem:s22+$0x116C0]  }
0xc0: {  	v12 =	vadd.f32 v12, v6;
	v7 =	vld [tilespmem:s22+$0x116D0]  }
0xc1: {  	s7 =	sadd.s32 $0x200, s7;
	v11 =	vadd.f32 v11, v13;
	v6 =	vld [tilespmem:s22+$0x116E0]  }
0xc2: {  	[tilespmem:s22+$0x11680] =	vst v12;
	v5 =	vadd.f32 v5, v10;
	v63 =	vld [tilespmem:s22+$0x116F0]  }
0xc3: {  	[tilespmem:s22+$0x11690] =	vst v11;
	v4 =	vadd.f32 v4, v9  }
0xc4: {  	s21 =	sadd.s32 $0x1, s21;
	[tilespmem:s22+$0x116A0] =	vst v5;
	v3 =	vadd.f32 v3, v8  }
0xc5: {  	s7 =	smul.u32 $0x50, s23;
	p0 =	sne.s32 s21, $0x40;
	[tilespmem:s22+$0x116B0] =	vst v4;
	v2 =	vadd.f32 v2, v7  }
.Ltmp3:
0xc6: {  	[tilespmem:s22+$0x116C0] =	vst v3;
	v1 =	vadd.f32 v1, v6;
	(pc) =	sbr.rel @p0 .LBB2_4-.Ltmp3, $4  }
0xc7: {  	s7 =	sadd.s32 s5, s7;
	[tilespmem:s22+$0x116D0] =	vst v2;
	v0 =	vadd.f32 v0, v63  }
0xc8: {  	s7 =	sshll.u32 s7, $0x4;
	[tilespmem:s22+$0x116E0] =	vst v1  }
0xc9: {  	s7 =	sadd.s32 s9, s7;
	[tilespmem:s22+$0x116F0] =	vst v0  }
0xca: {  	[hbm4b:s7+s4] =	stream.linear.scatter [tilespmem:s28], [sflag:$0x4], $0x2800, $0x38;
	[tilespmem:$0x1DE80] =	vst v63  }
0xcb: {  	s3 =	sadd.s32 $0x1, s3  }
0xcc: {  	p0 =	sne.s32 s3, s15  }
.Ltmp4:
0xcd: {  	_ = 	snop;
	(pc) =	sbr.rel @p0 .LBB2_1-.Ltmp4, $4  }
0xce: {  	_ = 	snop  }
0xcf: {  	_ =	swait.ge [sflag:s2], $0x2800  }
0xd0: {  	[sflag:s2] =	ssyncset.done $0x0  }
0xd1: {  	[sflag:s2] =	ssyncadd.s32 $0xFFFFD800  }
0xd2: {  	_ =	sfence.sel $0x180000  }
0xd3: {  	[bflag:$0x0] =	sbarrier.arrive $0xFFFF  }
0xd4: {  	_ =	strace $0x90000047  }
0xd5: {  	s0 =	stileid.u32;
	[bflag:$0x2] =	sbarrier.arrive $0xFFFF  }
0xd6: {  	p0 =	sne.s32 s0, $0x0;
	s0 =	rddreg [dreg:$0x3]  }
0xd7: {  	s0 =	sadd.s32 @!p0 $0x100000, s0  }
0xd8: {  	[sflag:s0] =	ssyncadd.tile.s32 @!p0 $0x1;
	_ =	shalt  }
.Lfunc_end2:
_tile_overlayer_lowered:
.L_overlay_start_2:
0xd9: {  	(tag) =	ssettag $0x2  }
0xda: {  	s0 =	rddreg [dreg:$0x0];
	s2 =	stileid.u32  }
0xdb: {  	s1 =	rddreg [dreg:$0x1];
	p0 =	sne.s32 s2, $0x0  }
0xdc: {  	s3 =	rddreg [dreg:$0x2];
	[bflag:$0x3] =	sbarrier.arrive $0xFFFF;
	s2 =	simm.s32 @!p0 $0x1C05  }
0xdd: {  	[timem:s3], [sflag:s2] =	dma.local @!p0 [hbm:s0], s1  }
0xde: {  	s0 =	simm.s32 @!p0 $0x5  }
0xdf: {  	_ =	swait.ge @!p0 [sflag:s0], s1  }
0xe0: {  	s1 =	ssub.s32 @!p0 $0x0, s1;
	[sflag:s0] =	ssyncset.done @!p0 $0x0  }
0xe1: {  	[sflag:s0] =	ssyncadd.s32 @!p0 s1  }
0xe2: {  	[bflag:$0x3] =	sbarrier.arrive $0xFFFF  }
0xe3: {  	_ =	shalt  }

</sc_bundles>
